<compile_context>
chip_gen: v7x
topology: tpu7x:2x2x1
jax: 0.10.2.dev20260603
libtpu: 0.0.44.dev20260713+nightly
codegen_flags: <defaults>
</compile_context>

<pallas_src>
import functools

import jax
import jax.numpy as jnp
from jax import lax
from jax.experimental import pallas as pl
from jax.experimental.pallas import tpu as pltpu
from jax.experimental.pallas import tpu_sc as plsc

_N_EDGES = 160000
_D = 256
_N_NODES = 10000
_HALF = 128
_LANES = 16
_IDXROWS = _N_EDGES // 128
_N_TILES = 16
_ROWS_PER = _IDXROWS // _N_TILES
_ROWS_REM = _IDXROWS - _ROWS_PER * _N_TILES
_NSLOTS = 3
_NGROUPS = _ROWS_PER // _NSLOTS
_NBLK = _N_NODES // 8
_NBLK_PER = _NBLK // _N_TILES
_NBLK_REM = _NBLK - _NBLK_PER * _N_TILES
_MAIN_ROWS = _NBLK_PER * 8
_CHUNK = 104
_NCHUNK = _MAIN_ROWS // _CHUNK
_SCALE = 0.25


def _sc_body(
    x_hbm, idx_hbm, out_hbm, acc,
    idx_a, idx_b, idx_c, data_a, data_b, data_c,
    sem_a, sem_b, sem_c, sem_z, sem_wa, sem_wb,
):
    c = lax.axis_index("c")
    s = lax.axis_index("s")
    col0 = c * _HALF

    node0 = (s * _NBLK_PER + jnp.minimum(s, _NBLK_REM)) * 8
    has_extra_nodes = s < _NBLK_REM
    extra_node0 = node0 + _MAIN_ROWS

    slots = [
        (data_a, idx_a, sem_a),
        (data_b, idx_b, sem_b),
        (data_c, idx_c, sem_c),
    ]

    def _x_slice(row):
        return x_hbm.at[pl.ds(row * 128, 128), pl.ds(col0, _HALF)]

    def _idx_slice(row):
        return idx_hbm.at[pl.ds(row * 128, 128)]

    def _issue(row, data, idxb, sem):
        pltpu.async_copy(_x_slice(row), data, sem)
        pltpu.async_copy(_idx_slice(row), idxb, sem)

    def _wait(row, data, idxb, sem):
        pltpu.make_async_copy(_x_slice(row), data, sem).wait()
        pltpu.make_async_copy(_idx_slice(row), idxb, sem).wait()

    base = s * _ROWS_PER + jnp.minimum(s, _ROWS_REM)
    has_extra_rows = s < _ROWS_REM
    cnt = _ROWS_PER + (s < _ROWS_REM).astype(jnp.int32)

    _issue(base, data_a, idx_a, sem_a)
    _issue(base + 1, data_b, idx_b, sem_b)

    def _zero_row(i, carry):
        for q in range(_HALF // _LANES):
            data_c[i, pl.ds(q * _LANES, _LANES)] = jnp.zeros(
                (_LANES,), jnp.float32
            )
        return carry

    lax.fori_loop(0, _CHUNK, _zero_row, 0)
    for k in range(_NCHUNK):
        pltpu.async_copy(
            data_c.at[pl.ds(0, _CHUNK)],
            acc.at[pl.ds(node0 + k * _CHUNK, _CHUNK)],
            sem_z,
        )

    @pl.when(has_extra_nodes)
    def _():
        pltpu.async_copy(
            data_c.at[pl.ds(0, 8)], acc.at[pl.ds(extra_node0, 8)], sem_z
        )

    for k in range(_NCHUNK):
        pltpu.make_async_copy(
            data_c.at[pl.ds(0, _CHUNK)],
            acc.at[pl.ds(node0 + k * _CHUNK, _CHUNK)],
            sem_z,
        ).wait()

    @pl.when(has_extra_nodes)
    def _():
        pltpu.make_async_copy(
            data_c.at[pl.ds(0, 8)], acc.at[pl.ds(extra_node0, 8)], sem_z
        ).wait()

    _issue(base + 2, data_c, idx_c, sem_c)
    plsc.subcore_barrier()

    def _group(j, carry):
        t0 = base + _NSLOTS * j
        for r, (data, idxb, sem) in enumerate(slots):
            t = t0 + r
            _wait(t, data, idxb, sem)
            pltpu.sync_copy(data, acc.at[idxb], add=True)

            @pl.when(t + _NSLOTS < base + cnt)
            def _():
                _issue(t + _NSLOTS, data, idxb, sem)

        return carry

    lax.fori_loop(0, _NGROUPS, _group, 0)

    @pl.when(has_extra_rows)
    def _():
        b = base + _ROWS_PER
        _wait(b, data_a, idx_a, sem_a)
        pltpu.sync_copy(data_a, acc.at[idx_a], add=True)

    plsc.subcore_barrier()

    bufs = [(data_a, sem_a), (data_b, sem_b)]

    def _acc_slice(k):
        return acc.at[pl.ds(node0 + k * _CHUNK, _CHUNK)]

    def _scale_rows(buf, n):
        def _scale_row(i, carry):
            for q in range(_HALF // _LANES):
                sl = pl.ds(q * _LANES, _LANES)
                buf[i, sl] = buf[i, sl] * _SCALE
            return carry

        lax.fori_loop(0, n, _scale_row, 0)

    wsems = [sem_wa, sem_wb]

    def _out_slice(k):
        return out_hbm.at[
            pl.ds(node0 + k * _CHUNK, _CHUNK), pl.ds(col0, _HALF)
        ]

    pltpu.async_copy(_acc_slice(0), data_a.at[pl.ds(0, _CHUNK)], sem_a)
    for k in range(_NCHUNK):
        buf, sem = bufs[k % 2]
        nbuf, nsem = bufs[(k + 1) % 2]
        wsem, nwsem = wsems[k % 2], wsems[(k + 1) % 2]
        pltpu.make_async_copy(_acc_slice(k), buf.at[pl.ds(0, _CHUNK)], sem).wait()
        if k + 1 < _NCHUNK:
            if k >= 1:
                pltpu.make_async_copy(
                    nbuf.at[pl.ds(0, _CHUNK)], _out_slice(k - 1), nwsem
                ).wait()
            pltpu.async_copy(
                _acc_slice(k + 1), nbuf.at[pl.ds(0, _CHUNK)], nsem
            )
        else:
            pltpu.make_async_copy(
                nbuf.at[pl.ds(0, _CHUNK)], _out_slice(k - 1), nwsem
            ).wait()

            @pl.when(has_extra_nodes)
            def _():
                pltpu.async_copy(
                    acc.at[pl.ds(extra_node0, 8)], nbuf.at[pl.ds(0, 8)], nsem
                )
        _scale_rows(buf, _CHUNK)
        pltpu.async_copy(buf.at[pl.ds(0, _CHUNK)], _out_slice(k), wsem)

    pltpu.make_async_copy(
        bufs[(_NCHUNK - 1) % 2][0].at[pl.ds(0, _CHUNK)],
        _out_slice(_NCHUNK - 1),
        wsems[(_NCHUNK - 1) % 2],
    ).wait()

    @pl.when(has_extra_nodes)
    def _():
        tbuf, tsem = bufs[_NCHUNK % 2]
        pltpu.make_async_copy(
            acc.at[pl.ds(extra_node0, 8)], tbuf.at[pl.ds(0, 8)], tsem
        ).wait()
        _scale_rows(tbuf, 8)
        pltpu.sync_copy(
            tbuf.at[pl.ds(0, 8)],
            out_hbm.at[pl.ds(extra_node0, 8), pl.ds(col0, _HALF)],
        )


@jax.jit
def _scatter_sc(x, idx1d):
    mesh = plsc.VectorSubcoreMesh(core_axis_name="c", subcore_axis_name="s")
    f = functools.partial(
        pl.kernel,
        out_type=jax.ShapeDtypeStruct((_N_NODES, _D), jnp.float32),
        mesh=mesh,
        scratch_types=[
            pltpu.VMEM_SHARED((_N_NODES, _HALF), jnp.float32),
            pltpu.VMEM((128,), jnp.int32),
            pltpu.VMEM((128,), jnp.int32),
            pltpu.VMEM((128,), jnp.int32),
            pltpu.VMEM((128, _HALF), jnp.float32),
            pltpu.VMEM((128, _HALF), jnp.float32),
            pltpu.VMEM((128, _HALF), jnp.float32),
            pltpu.SemaphoreType.DMA,
            pltpu.SemaphoreType.DMA,
            pltpu.SemaphoreType.DMA,
            pltpu.SemaphoreType.DMA,
            pltpu.SemaphoreType.DMA,
            pltpu.SemaphoreType.DMA,
        ],
    )(_sc_body)
    return f(x, idx1d)


def kernel(x, index, dim, dim_size):
    idx = jnp.clip(
        index.astype(jnp.int32) + jnp.asarray(dim, jnp.int32),
        0,
        jnp.asarray(dim_size, jnp.int32) - 1,
    )
    return _scatter_sc(x, idx)

# --- scband reference (transcript-rebuilt; emitter-appended) ---
"""Pipeline reference for scband-scaled-scatter-62783831933011 (READ-ONLY COPY).

The authoritative reference and input builder live on the scoring server;
editing this copy changes nothing except your own understanding.
"""

import jax, jax.numpy as jnp
import numpy as np

AVG_AGGREGATE_NUM = 16.0
N_EDGES = 160000
D_FEAT = 256
N_NODES = 10000


def setup_inputs(seed: int = 0) -> dict:
    key = jax.random.key(seed)
    k1, k2 = jax.random.split(key)
    x = jax.random.normal(k1, (N_EDGES, D_FEAT), dtype=jnp.float32)
    index = jnp.sort(jax.random.randint(k2, (N_EDGES,), 0, N_NODES, dtype=jnp.int64))
    return {"x": x, "index": index, "dim": 0, "dim_size": N_NODES}


def reference(x, index, dim, dim_size):
    # scatter(x, index, dim=0, dim_size=N_NODES) with default reduce='sum'
    idx = jnp.clip(index + dim, 0, dim_size - 1)
    out = jax.ops.segment_sum(x, idx, num_segments=N_NODES)
    # out.div(avg_aggregate_num ** 0.5)
    out = out / jnp.float32(AVG_AGGREGATE_NUM ** 0.5)
    return out

if __name__ == "__main__":
    import jax
    _d = setup_inputs()
    print(jax.jit(kernel)(*tuple(_d.values())))

</pallas_src>

<mosaic_0001>
#map = affine_map<(d0, d1) -> (0, 0)>
#map1 = affine_map<(d0, d1) -> (0)>
module attributes {stable_mosaic.version = 14 : i64} {
  func.func @_sc_body(%arg0: i32, %arg1: i32, %arg2: memref<160000x256xf32, #tpu.memory_space<hbm>>, %arg3: memref<160000xi32, #tpu.memory_space<hbm>>, %arg4: memref<10000x256xf32, #tpu.memory_space<hbm>>, %arg5: memref<10000x128xf32, #tpu.memory_space<vmem_shared>>, %arg6: memref<128xi32, #tpu.memory_space<vmem>>, %arg7: memref<128xi32, #tpu.memory_space<vmem>>, %arg8: memref<128xi32, #tpu.memory_space<vmem>>, %arg9: memref<128x128xf32, #tpu.memory_space<vmem>>, %arg10: memref<128x128xf32, #tpu.memory_space<vmem>>, %arg11: memref<128x128xf32, #tpu.memory_space<vmem>>, %arg12: memref<!tpu.dma_semaphore, #tpu.memory_space<semaphore_mem>>, %arg13: memref<!tpu.dma_semaphore, #tpu.memory_space<semaphore_mem>>, %arg14: memref<!tpu.dma_semaphore, #tpu.memory_space<semaphore_mem>>, %arg15: memref<!tpu.dma_semaphore, #tpu.memory_space<semaphore_mem>>, %arg16: memref<!tpu.dma_semaphore, #tpu.memory_space<semaphore_mem>>, %arg17: memref<!tpu.dma_semaphore, #tpu.memory_space<semaphore_mem>>) attributes {dimension_semantics = [#tpu.dimension_semantics<core_parallel>, #tpu.dimension_semantics<subcore_parallel>], iteration_bounds = array<i64: 2, 16>, scalar_prefetch = 0 : i64, scratch_operands = 13 : i64, tpu.core_type = #tpu.core_type<sc_vector_subcore>, window_params = [{transform_indices = #map}, {transform_indices = #map1}, {transform_indices = #map}]} {
    %mul3A = arith.constant 128 : i32
    %mul3A_0 = arith.muli %arg0, %mul3A : i32
    %mul3A_1 = arith.constant 78 : i32
    %mul3A_2 = arith.muli %arg1, %mul3A_1 : i32
    %min3A = arith.constant 2 : i32
    %min3A_3 = arith.minsi %arg1, %min3A : i32
    %add3A = arith.addi %mul3A_2, %min3A_3 : i32
    %mul3A_4 = arith.constant 8 : i32
    %mul3A_5 = arith.muli %add3A, %mul3A_4 : i32
    %lt3A = arith.constant 2 : i32
    %lt3A_6 = arith.cmpi slt, %arg1, %lt3A : i32
    %add3A_7 = arith.constant 624 : i32
    %add3A_8 = arith.addi %mul3A_5, %add3A_7 : i32
    %mul3A_9 = arith.constant 78 : i32
    %mul3A_10 = arith.muli %arg1, %mul3A_9 : i32
    %min3A_11 = arith.constant 2 : i32
    %min3A_12 = arith.minsi %arg1, %min3A_11 : i32
    %add3A_13 = arith.addi %mul3A_10, %min3A_12 : i32
    %lt3A_14 = arith.constant 2 : i32
    %lt3A_15 = arith.cmpi slt, %arg1, %lt3A_14 : i32
    %lt3A_16 = arith.constant 2 : i32
    %lt3A_17 = arith.cmpi slt, %arg1, %lt3A_16 : i32
    %convert_element_type3A = arith.extui %lt3A_17 : i1 to i32
    %add3A_18 = arith.constant 78 : i32
    %add3A_19 = arith.addi %add3A_18, %convert_element_type3A : i32
    %mul3A_20 = arith.constant 128 : i32
    %mul3A_21 = arith.muli %add3A_13, %mul3A_20 : i32
    %dma_start3A = tpu.memref_slice %arg2[%mul3A_21, %mul3A_0] : memref<160000x256xf32, #tpu.memory_space<hbm>> -> memref<128x128xf32, #tpu.memory_space<hbm>>
    %dma_start3A_22 = tpu.memref_slice %arg2[%mul3A_21, %mul3A_0] : memref<160000x256xf32, #tpu.memory_space<hbm>> -> memref<128x128xf32, #tpu.memory_space<hbm>>
    tpu.enqueue_dma source(%dma_start3A_22 : memref<128x128xf32, #tpu.memory_space<hbm>>) target(%arg9 : memref<128x128xf32, #tpu.memory_space<vmem>>) target_semaphore(%arg12 : memref<!tpu.dma_semaphore, #tpu.memory_space<semaphore_mem>>)
    %mul3A_23 = arith.constant 128 : i32
    %mul3A_24 = arith.muli %add3A_13, %mul3A_23 : i32
    %dma_start3A_25 = tpu.memref_slice %arg3[%mul3A_24] : memref<160000xi32, #tpu.memory_space<hbm>> -> memref<128xi32, #tpu.memory_space<hbm>>
    %dma_start3A_26 = tpu.memref_slice %arg3[%mul3A_24] : memref<160000xi32, #tpu.memory_space<hbm>> -> memref<128xi32, #tpu.memory_space<hbm>>
    tpu.enqueue_dma source(%dma_start3A_26 : memref<128xi32, #tpu.memory_space<hbm>>) target(%arg6 : memref<128xi32, #tpu.memory_space<vmem>>) target_semaphore(%arg12 : memref<!tpu.dma_semaphore, #tpu.memory_space<semaphore_mem>>)
    %add3A_27 = arith.constant 1 : i32
    %add3A_28 = arith.addi %add3A_13, %add3A_27 : i32
    %mul3A_29 = arith.constant 128 : i32
    %mul3A_30 = arith.muli %add3A_28, %mul3A_29 : i32
    %dma_start3A_31 = tpu.memref_slice %arg2[%mul3A_30, %mul3A_0] : memref<160000x256xf32, #tpu.memory_space<hbm>> -> memref<128x128xf32, #tpu.memory_space<hbm>>
    %dma_start3A_32 = tpu.memref_slice %arg2[%mul3A_30, %mul3A_0] : memref<160000x256xf32, #tpu.memory_space<hbm>> -> memref<128x128xf32, #tpu.memory_space<hbm>>
    tpu.enqueue_dma source(%dma_start3A_32 : memref<128x128xf32, #tpu.memory_space<hbm>>) target(%arg10 : memref<128x128xf32, #tpu.memory_space<vmem>>) target_semaphore(%arg13 : memref<!tpu.dma_semaphore, #tpu.memory_space<semaphore_mem>>)
    %mul3A_33 = arith.constant 128 : i32
    %mul3A_34 = arith.muli %add3A_28, %mul3A_33 : i32
    %dma_start3A_35 = tpu.memref_slice %arg3[%mul3A_34] : memref<160000xi32, #tpu.memory_space<hbm>> -> memref<128xi32, #tpu.memory_space<hbm>>
    %dma_start3A_36 = tpu.memref_slice %arg3[%mul3A_34] : memref<160000xi32, #tpu.memory_space<hbm>> -> memref<128xi32, #tpu.memory_space<hbm>>
    tpu.enqueue_dma source(%dma_start3A_36 : memref<128xi32, #tpu.memory_space<hbm>>) target(%arg7 : memref<128xi32, #tpu.memory_space<vmem>>) target_semaphore(%arg13 : memref<!tpu.dma_semaphore, #tpu.memory_space<semaphore_mem>>)
    %scan3A = arith.constant 0 : i32
    %scan3A_37 = arith.constant 0 : i32
    %scan3A_38 = arith.constant 104 : i32
    %scan3A_39 = arith.addi %scan3A_37, %scan3A_38 : i32
    %scan3A_40 = arith.constant 1 : i32
    scf.for %scan3A_516 = %scan3A_37 to %scan3A_39 step %scan3A_40  : i32 {
      %broadcast_in_dim3A = arith.constant 0.000000e+00 : f32
      %broadcast_in_dim3A_517 = vector.broadcast %broadcast_in_dim3A : f32 to vector<16xf32>
      %swap3A = arith.index_cast %scan3A_516 : i32 to index
      %swap3A_518 = arith.constant 0 : index
      %swap3A_519 = tpu.vector_load %arg11[%swap3A, %swap3A_518] {strides = array<i32>} : memref<128x128xf32, #tpu.memory_space<vmem>>, vector<1x16xf32>,
      %swap3A_520 = vector.shape_cast %swap3A_519 : vector<1x16xf32> to vector<16xf32>
      %swap3A_521 = vector.shape_cast %broadcast_in_dim3A_517 : vector<16xf32> to vector<1x16xf32>
      tpu.vector_store %arg11[%swap3A, %swap3A_518], %swap3A_521 {strides = array<i32>} : memref<128x128xf32, #tpu.memory_space<vmem>>, vector<1x16xf32>,
      %broadcast_in_dim3A_522 = arith.constant 0.000000e+00 : f32
      %broadcast_in_dim3A_523 = vector.broadcast %broadcast_in_dim3A_522 : f32 to vector<16xf32>
      %swap3A_524 = arith.index_cast %scan3A_516 : i32 to index
      %swap3A_525 = arith.constant 16 : index
      %swap3A_526 = tpu.vector_load %arg11[%swap3A_524, %swap3A_525] {strides = array<i32>} : memref<128x128xf32, #tpu.memory_space<vmem>>, vector<1x16xf32>,
      %swap3A_527 = vector.shape_cast %swap3A_526 : vector<1x16xf32> to vector<16xf32>
      %swap3A_528 = vector.shape_cast %broadcast_in_dim3A_523 : vector<16xf32> to vector<1x16xf32>
      tpu.vector_store %arg11[%swap3A_524, %swap3A_525], %swap3A_528 {strides = array<i32>} : memref<128x128xf32, #tpu.memory_space<vmem>>, vector<1x16xf32>,
      %broadcast_in_dim3A_529 = arith.constant 0.000000e+00 : f32
      %broadcast_in_dim3A_530 = vector.broadcast %broadcast_in_dim3A_529 : f32 to vector<16xf32>
      %swap3A_531 = arith.index_cast %scan3A_516 : i32 to index
      %swap3A_532 = arith.constant 32 : index
      %swap3A_533 = tpu.vector_load %arg11[%swap3A_531, %swap3A_532] {strides = array<i32>} : memref<128x128xf32, #tpu.memory_space<vmem>>, vector<1x16xf32>,
      %swap3A_534 = vector.shape_cast %swap3A_533 : vector<1x16xf32> to vector<16xf32>
      %swap3A_535 = vector.shape_cast %broadcast_in_dim3A_530 : vector<16xf32> to vector<1x16xf32>
      tpu.vector_store %arg11[%swap3A_531, %swap3A_532], %swap3A_535 {strides = array<i32>} : memref<128x128xf32, #tpu.memory_space<vmem>>, vector<1x16xf32>,
      %broadcast_in_dim3A_536 = arith.constant 0.000000e+00 : f32
      %broadcast_in_dim3A_537 = vector.broadcast %broadcast_in_dim3A_536 : f32 to vector<16xf32>
      %swap3A_538 = arith.index_cast %scan3A_516 : i32 to index
      %swap3A_539 = arith.constant 48 : index
      %swap3A_540 = tpu.vector_load %arg11[%swap3A_538, %swap3A_539] {strides = array<i32>} : memref<128x128xf32, #tpu.memory_space<vmem>>, vector<1x16xf32>,
      %swap3A_541 = vector.shape_cast %swap3A_540 : vector<1x16xf32> to vector<16xf32>
      %swap3A_542 = vector.shape_cast %broadcast_in_dim3A_537 : vector<16xf32> to vector<1x16xf32>
      tpu.vector_store %arg11[%swap3A_538, %swap3A_539], %swap3A_542 {strides = array<i32>} : memref<128x128xf32, #tpu.memory_space<vmem>>, vector<1x16xf32>,
      %broadcast_in_dim3A_543 = arith.constant 0.000000e+00 : f32
      %broadcast_in_dim3A_544 = vector.broadcast %broadcast_in_dim3A_543 : f32 to vector<16xf32>
      %swap3A_545 = arith.index_cast %scan3A_516 : i32 to index
      %swap3A_546 = arith.constant 64 : index
      %swap3A_547 = tpu.vector_load %arg11[%swap3A_545, %swap3A_546] {strides = array<i32>} : memref<128x128xf32, #tpu.memory_space<vmem>>, vector<1x16xf32>,
      %swap3A_548 = vector.shape_cast %swap3A_547 : vector<1x16xf32> to vector<16xf32>
      %swap3A_549 = vector.shape_cast %broadcast_in_dim3A_544 : vector<16xf32> to vector<1x16xf32>
      tpu.vector_store %arg11[%swap3A_545, %swap3A_546], %swap3A_549 {strides = array<i32>} : memref<128x128xf32, #tpu.memory_space<vmem>>, vector<1x16xf32>,
      %broadcast_in_dim3A_550 = arith.constant 0.000000e+00 : f32
      %broadcast_in_dim3A_551 = vector.broadcast %broadcast_in_dim3A_550 : f32 to vector<16xf32>
      %swap3A_552 = arith.index_cast %scan3A_516 : i32 to index
      %swap3A_553 = arith.constant 80 : index
      %swap3A_554 = tpu.vector_load %arg11[%swap3A_552, %swap3A_553] {strides = array<i32>} : memref<128x128xf32, #tpu.memory_space<vmem>>, vector<1x16xf32>,
      %swap3A_555 = vector.shape_cast %swap3A_554 : vector<1x16xf32> to vector<16xf32>
      %swap3A_556 = vector.shape_cast %broadcast_in_dim3A_551 : vector<16xf32> to vector<1x16xf32>
      tpu.vector_store %arg11[%swap3A_552, %swap3A_553], %swap3A_556 {strides = array<i32>} : memref<128x128xf32, #tpu.memory_space<vmem>>, vector<1x16xf32>,
      %broadcast_in_dim3A_557 = arith.constant 0.000000e+00 : f32
      %broadcast_in_dim3A_558 = vector.broadcast %broadcast_in_dim3A_557 : f32 to vector<16xf32>
      %swap3A_559 = arith.index_cast %scan3A_516 : i32 to index
      %swap3A_560 = arith.constant 96 : index
      %swap3A_561 = tpu.vector_load %arg11[%swap3A_559, %swap3A_560] {strides = array<i32>} : memref<128x128xf32, #tpu.memory_space<vmem>>, vector<1x16xf32>,
      %swap3A_562 = vector.shape_cast %swap3A_561 : vector<1x16xf32> to vector<16xf32>
      %swap3A_563 = vector.shape_cast %broadcast_in_dim3A_558 : vector<16xf32> to vector<1x16xf32>
      tpu.vector_store %arg11[%swap3A_559, %swap3A_560], %swap3A_563 {strides = array<i32>} : memref<128x128xf32, #tpu.memory_space<vmem>>, vector<1x16xf32>,
      %broadcast_in_dim3A_564 = arith.constant 0.000000e+00 : f32
      %broadcast_in_dim3A_565 = vector.broadcast %broadcast_in_dim3A_564 : f32 to vector<16xf32>
      %swap3A_566 = arith.index_cast %scan3A_516 : i32 to index
      %swap3A_567 = arith.constant 112 : index
      %swap3A_568 = tpu.vector_load %arg11[%swap3A_566, %swap3A_567] {strides = array<i32>} : memref<128x128xf32, #tpu.memory_space<vmem>>, vector<1x16xf32>,
      %swap3A_569 = vector.shape_cast %swap3A_568 : vector<1x16xf32> to vector<16xf32>
      %swap3A_570 = vector.shape_cast %broadcast_in_dim3A_565 : vector<16xf32> to vector<1x16xf32>
      tpu.vector_store %arg11[%swap3A_566, %swap3A_567], %swap3A_570 {strides = array<i32>} : memref<128x128xf32, #tpu.memory_space<vmem>>, vector<1x16xf32>,
    }
    %scan3A_41 = arith.constant 104 : i32
    %add3A_42 = arith.constant 0 : i32
    %add3A_43 = arith.addi %mul3A_5, %add3A_42 : i32
    %dma_start3A_44 = arith.constant 0 : i32
    %dma_start3A_45 = arith.constant 0 : i32
    %dma_start3A_46 = tpu.memref_slice %arg11[%dma_start3A_44, %dma_start3A_45] : memref<128x128xf32, #tpu.memory_space<vmem>> -> memref<104x128xf32, #tpu.memory_space<vmem>>
    %dma_start3A_47 = arith.constant 0 : i32
    %dma_start3A_48 = tpu.memref_slice %arg5[%add3A_43, %dma_start3A_47] : memref<10000x128xf32, #tpu.memory_space<vmem_shared>> -> memref<104x128xf32, #tpu.memory_space<vmem_shared>>
    %dma_start3A_49 = arith.constant 0 : i32
    %dma_start3A_50 = tpu.memref_slice %arg5[%add3A_43, %dma_start3A_49] : memref<10000x128xf32, #tpu.memory_space<vmem_shared>> -> memref<104x128xf32, #tpu.memory_space<vmem_shared>>
    %dma_start3A_51 = arith.constant 0 : i32
    %dma_start3A_52 = arith.constant 0 : i32
    %dma_start3A_53 = tpu.memref_slice %arg11[%dma_start3A_51, %dma_start3A_52] : memref<128x128xf32, #tpu.memory_space<vmem>> -> memref<104x128xf32, #tpu.memory_space<vmem>>
    tpu.enqueue_dma source(%dma_start3A_53 : memref<104x128xf32, #tpu.memory_space<vmem>>) target(%dma_start3A_50 : memref<104x128xf32, #tpu.memory_space<vmem_shared>>) target_semaphore(%arg15 : memref<!tpu.dma_semaphore, #tpu.memory_space<semaphore_mem>>)
    %add3A_54 = arith.constant 104 : i32
    %add3A_55 = arith.addi %mul3A_5, %add3A_54 : i32
    %dma_start3A_56 = arith.constant 0 : i32
    %dma_start3A_57 = arith.constant 0 : i32
    %dma_start3A_58 = tpu.memref_slice %arg11[%dma_start3A_56, %dma_start3A_57] : memref<128x128xf32, #tpu.memory_space<vmem>> -> memref<104x128xf32, #tpu.memory_space<vmem>>
    %dma_start3A_59 = arith.constant 0 : i32
    %dma_start3A_60 = tpu.memref_slice %arg5[%add3A_55, %dma_start3A_59] : memref<10000x128xf32, #tpu.memory_space<vmem_shared>> -> memref<104x128xf32, #tpu.memory_space<vmem_shared>>
    %dma_start3A_61 = arith.constant 0 : i32
    %dma_start3A_62 = tpu.memref_slice %arg5[%add3A_55, %dma_start3A_61] : memref<10000x128xf32, #tpu.memory_space<vmem_shared>> -> memref<104x128xf32, #tpu.memory_space<vmem_shared>>
    %dma_start3A_63 = arith.constant 0 : i32
    %dma_start3A_64 = arith.constant 0 : i32
    %dma_start3A_65 = tpu.memref_slice %arg11[%dma_start3A_63, %dma_start3A_64] : memref<128x128xf32, #tpu.memory_space<vmem>> -> memref<104x128xf32, #tpu.memory_space<vmem>>
    tpu.enqueue_dma source(%dma_start3A_65 : memref<104x128xf32, #tpu.memory_space<vmem>>) target(%dma_start3A_62 : memref<104x128xf32, #tpu.memory_space<vmem_shared>>) target_semaphore(%arg15 : memref<!tpu.dma_semaphore, #tpu.memory_space<semaphore_mem>>)
    %add3A_66 = arith.constant 208 : i32
    %add3A_67 = arith.addi %mul3A_5, %add3A_66 : i32
    %dma_start3A_68 = arith.constant 0 : i32
    %dma_start3A_69 = arith.constant 0 : i32
    %dma_start3A_70 = tpu.memref_slice %arg11[%dma_start3A_68, %dma_start3A_69] : memref<128x128xf32, #tpu.memory_space<vmem>> -> memref<104x128xf32, #tpu.memory_space<vmem>>
    %dma_start3A_71 = arith.constant 0 : i32
    %dma_start3A_72 = tpu.memref_slice %arg5[%add3A_67, %dma_start3A_71] : memref<10000x128xf32, #tpu.memory_space<vmem_shared>> -> memref<104x128xf32, #tpu.memory_space<vmem_shared>>
    %dma_start3A_73 = arith.constant 0 : i32
    %dma_start3A_74 = tpu.memref_slice %arg5[%add3A_67, %dma_start3A_73] : memref<10000x128xf32, #tpu.memory_space<vmem_shared>> -> memref<104x128xf32, #tpu.memory_space<vmem_shared>>
    %dma_start3A_75 = arith.constant 0 : i32
    %dma_start3A_76 = arith.constant 0 : i32
    %dma_start3A_77 = tpu.memref_slice %arg11[%dma_start3A_75, %dma_start3A_76] : memref<128x128xf32, #tpu.memory_space<vmem>> -> memref<104x128xf32, #tpu.memory_space<vmem>>
    tpu.enqueue_dma source(%dma_start3A_77 : memref<104x128xf32, #tpu.memory_space<vmem>>) target(%dma_start3A_74 : memref<104x128xf32, #tpu.memory_space<vmem_shared>>) target_semaphore(%arg15 : memref<!tpu.dma_semaphore, #tpu.memory_space<semaphore_mem>>)
    %add3A_78 = arith.constant 312 : i32
    %add3A_79 = arith.addi %mul3A_5, %add3A_78 : i32
    %dma_start3A_80 = arith.constant 0 : i32
    %dma_start3A_81 = arith.constant 0 : i32
    %dma_start3A_82 = tpu.memref_slice %arg11[%dma_start3A_80, %dma_start3A_81] : memref<128x128xf32, #tpu.memory_space<vmem>> -> memref<104x128xf32, #tpu.memory_space<vmem>>
    %dma_start3A_83 = arith.constant 0 : i32
    %dma_start3A_84 = tpu.memref_slice %arg5[%add3A_79, %dma_start3A_83] : memref<10000x128xf32, #tpu.memory_space<vmem_shared>> -> memref<104x128xf32, #tpu.memory_space<vmem_shared>>
    %dma_start3A_85 = arith.constant 0 : i32
    %dma_start3A_86 = tpu.memref_slice %arg5[%add3A_79, %dma_start3A_85] : memref<10000x128xf32, #tpu.memory_space<vmem_shared>> -> memref<104x128xf32, #tpu.memory_space<vmem_shared>>
    %dma_start3A_87 = arith.constant 0 : i32
    %dma_start3A_88 = arith.constant 0 : i32
    %dma_start3A_89 = tpu.memref_slice %arg11[%dma_start3A_87, %dma_start3A_88] : memref<128x128xf32, #tpu.memory_space<vmem>> -> memref<104x128xf32, #tpu.memory_space<vmem>>
    tpu.enqueue_dma source(%dma_start3A_89 : memref<104x128xf32, #tpu.memory_space<vmem>>) target(%dma_start3A_86 : memref<104x128xf32, #tpu.memory_space<vmem_shared>>) target_semaphore(%arg15 : memref<!tpu.dma_semaphore, #tpu.memory_space<semaphore_mem>>)
    %add3A_90 = arith.constant 416 : i32
    %add3A_91 = arith.addi %mul3A_5, %add3A_90 : i32
    %dma_start3A_92 = arith.constant 0 : i32
    %dma_start3A_93 = arith.constant 0 : i32
    %dma_start3A_94 = tpu.memref_slice %arg11[%dma_start3A_92, %dma_start3A_93] : memref<128x128xf32, #tpu.memory_space<vmem>> -> memref<104x128xf32, #tpu.memory_space<vmem>>
    %dma_start3A_95 = arith.constant 0 : i32
    %dma_start3A_96 = tpu.memref_slice %arg5[%add3A_91, %dma_start3A_95] : memref<10000x128xf32, #tpu.memory_space<vmem_shared>> -> memref<104x128xf32, #tpu.memory_space<vmem_shared>>
    %dma_start3A_97 = arith.constant 0 : i32
    %dma_start3A_98 = tpu.memref_slice %arg5[%add3A_91, %dma_start3A_97] : memref<10000x128xf32, #tpu.memory_space<vmem_shared>> -> memref<104x128xf32, #tpu.memory_space<vmem_shared>>
    %dma_start3A_99 = arith.constant 0 : i32
    %dma_start3A_100 = arith.constant 0 : i32
    %dma_start3A_101 = tpu.memref_slice %arg11[%dma_start3A_99, %dma_start3A_100] : memref<128x128xf32, #tpu.memory_space<vmem>> -> memref<104x128xf32, #tpu.memory_space<vmem>>
    tpu.enqueue_dma source(%dma_start3A_101 : memref<104x128xf32, #tpu.memory_space<vmem>>) target(%dma_start3A_98 : memref<104x128xf32, #tpu.memory_space<vmem_shared>>) target_semaphore(%arg15 : memref<!tpu.dma_semaphore, #tpu.memory_space<semaphore_mem>>)
    %add3A_102 = arith.constant 520 : i32
    %add3A_103 = arith.addi %mul3A_5, %add3A_102 : i32
    %dma_start3A_104 = arith.constant 0 : i32
    %dma_start3A_105 = arith.constant 0 : i32
    %dma_start3A_106 = tpu.memref_slice %arg11[%dma_start3A_104, %dma_start3A_105] : memref<128x128xf32, #tpu.memory_space<vmem>> -> memref<104x128xf32, #tpu.memory_space<vmem>>
    %dma_start3A_107 = arith.constant 0 : i32
    %dma_start3A_108 = tpu.memref_slice %arg5[%add3A_103, %dma_start3A_107] : memref<10000x128xf32, #tpu.memory_space<vmem_shared>> -> memref<104x128xf32, #tpu.memory_space<vmem_shared>>
    %dma_start3A_109 = arith.constant 0 : i32
    %dma_start3A_110 = tpu.memref_slice %arg5[%add3A_103, %dma_start3A_109] : memref<10000x128xf32, #tpu.memory_space<vmem_shared>> -> memref<104x128xf32, #tpu.memory_space<vmem_shared>>
    %dma_start3A_111 = arith.constant 0 : i32
    %dma_start3A_112 = arith.constant 0 : i32
    %dma_start3A_113 = tpu.memref_slice %arg11[%dma_start3A_111, %dma_start3A_112] : memref<128x128xf32, #tpu.memory_space<vmem>> -> memref<104x128xf32, #tpu.memory_space<vmem>>
    tpu.enqueue_dma source(%dma_start3A_113 : memref<104x128xf32, #tpu.memory_space<vmem>>) target(%dma_start3A_110 : memref<104x128xf32, #tpu.memory_space<vmem_shared>>) target_semaphore(%arg15 : memref<!tpu.dma_semaphore, #tpu.memory_space<semaphore_mem>>)
    %convert_element_type3A_114 = arith.extui %lt3A_6 : i1 to i32
    %cond3A = arith.constant 0 : i32
    %cond3A_115 = arith.cmpi ne, %convert_element_type3A_114, %cond3A : i32
    scf.if %cond3A_115 {
      %dma_start3A_516 = arith.constant 0 : i32
      %dma_start3A_517 = arith.constant 0 : i32
      %dma_start3A_518 = tpu.memref_slice %arg11[%dma_start3A_516, %dma_start3A_517] : memref<128x128xf32, #tpu.memory_space<vmem>> -> memref<8x128xf32, #tpu.memory_space<vmem>>
      %dma_start3A_519 = arith.constant 0 : i32
      %dma_start3A_520 = tpu.memref_slice %arg5[%add3A_8, %dma_start3A_519] : memref<10000x128xf32, #tpu.memory_space<vmem_shared>> -> memref<8x128xf32, #tpu.memory_space<vmem_shared>>
      %dma_start3A_521 = arith.constant 0 : i32
      %dma_start3A_522 = tpu.memref_slice %arg5[%add3A_8, %dma_start3A_521] : memref<10000x128xf32, #tpu.memory_space<vmem_shared>> -> memref<8x128xf32, #tpu.memory_space<vmem_shared>>
      %dma_start3A_523 = arith.constant 0 : i32
      %dma_start3A_524 = arith.constant 0 : i32
      %dma_start3A_525 = tpu.memref_slice %arg11[%dma_start3A_523, %dma_start3A_524] : memref<128x128xf32, #tpu.memory_space<vmem>> -> memref<8x128xf32, #tpu.memory_space<vmem>>
      tpu.enqueue_dma source(%dma_start3A_525 : memref<8x128xf32, #tpu.memory_space<vmem>>) target(%dma_start3A_522 : memref<8x128xf32, #tpu.memory_space<vmem_shared>>) target_semaphore(%arg15 : memref<!tpu.dma_semaphore, #tpu.memory_space<semaphore_mem>>)
    } else {
    }
    %add3A_116 = arith.constant 0 : i32
    %add3A_117 = arith.addi %mul3A_5, %add3A_116 : i32
    %dma_wait3A = arith.constant 0 : i32
    %dma_wait3A_118 = arith.constant 0 : i32
    %dma_wait3A_119 = tpu.memref_slice %arg11[%dma_wait3A, %dma_wait3A_118] : memref<128x128xf32, #tpu.memory_space<vmem>> -> memref<104x128xf32, #tpu.memory_space<vmem>>
    %dma_wait3A_120 = arith.constant 0 : i32
    %dma_wait3A_121 = tpu.memref_slice %arg5[%add3A_117, %dma_wait3A_120] : memref<10000x128xf32, #tpu.memory_space<vmem_shared>> -> memref<104x128xf32, #tpu.memory_space<vmem_shared>>
    %dma_wait3A_122 = arith.constant 0 : i32
    %dma_wait3A_123 = tpu.memref_slice %arg5[%add3A_117, %dma_wait3A_122] : memref<10000x128xf32, #tpu.memory_space<vmem_shared>> -> memref<104x128xf32, #tpu.memory_space<vmem_shared>>
    %dma_wait3A_124 = arith.constant 0 : i32
    %dma_wait3A_125 = arith.constant 0 : i32
    %dma_wait3A_126 = tpu.memref_slice %arg11[%dma_wait3A_124, %dma_wait3A_125] : memref<128x128xf32, #tpu.memory_space<vmem>> -> memref<104x128xf32, #tpu.memory_space<vmem>>
    tpu.wait_dma2 semaphore(%arg15 : memref<!tpu.dma_semaphore, #tpu.memory_space<semaphore_mem>>) src(%dma_wait3A_126 : memref<104x128xf32, #tpu.memory_space<vmem>>) dst(%dma_wait3A_123 : memref<104x128xf32, #tpu.memory_space<vmem_shared>>)
    %add3A_127 = arith.constant 104 : i32
    %add3A_128 = arith.addi %mul3A_5, %add3A_127 : i32
    %dma_wait3A_129 = arith.constant 0 : i32
    %dma_wait3A_130 = arith.constant 0 : i32
    %dma_wait3A_131 = tpu.memref_slice %arg11[%dma_wait3A_129, %dma_wait3A_130] : memref<128x128xf32, #tpu.memory_space<vmem>> -> memref<104x128xf32, #tpu.memory_space<vmem>>
    %dma_wait3A_132 = arith.constant 0 : i32
    %dma_wait3A_133 = tpu.memref_slice %arg5[%add3A_128, %dma_wait3A_132] : memref<10000x128xf32, #tpu.memory_space<vmem_shared>> -> memref<104x128xf32, #tpu.memory_space<vmem_shared>>
    %dma_wait3A_134 = arith.constant 0 : i32
    %dma_wait3A_135 = tpu.memref_slice %arg5[%add3A_128, %dma_wait3A_134] : memref<10000x128xf32, #tpu.memory_space<vmem_shared>> -> memref<104x128xf32, #tpu.memory_space<vmem_shared>>
    %dma_wait3A_136 = arith.constant 0 : i32
    %dma_wait3A_137 = arith.constant 0 : i32
    %dma_wait3A_138 = tpu.memref_slice %arg11[%dma_wait3A_136, %dma_wait3A_137] : memref<128x128xf32, #tpu.memory_space<vmem>> -> memref<104x128xf32, #tpu.memory_space<vmem>>
    tpu.wait_dma2 semaphore(%arg15 : memref<!tpu.dma_semaphore, #tpu.memory_space<semaphore_mem>>) src(%dma_wait3A_138 : memref<104x128xf32, #tpu.memory_space<vmem>>) dst(%dma_wait3A_135 : memref<104x128xf32, #tpu.memory_space<vmem_shared>>)
    %add3A_139 = arith.constant 208 : i32
    %add3A_140 = arith.addi %mul3A_5, %add3A_139 : i32
    %dma_wait3A_141 = arith.constant 0 : i32
    %dma_wait3A_142 = arith.constant 0 : i32
    %dma_wait3A_143 = tpu.memref_slice %arg11[%dma_wait3A_141, %dma_wait3A_142] : memref<128x128xf32, #tpu.memory_space<vmem>> -> memref<104x128xf32, #tpu.memory_space<vmem>>
    %dma_wait3A_144 = arith.constant 0 : i32
    %dma_wait3A_145 = tpu.memref_slice %arg5[%add3A_140, %dma_wait3A_144] : memref<10000x128xf32, #tpu.memory_space<vmem_shared>> -> memref<104x128xf32, #tpu.memory_space<vmem_shared>>
    %dma_wait3A_146 = arith.constant 0 : i32
    %dma_wait3A_147 = tpu.memref_slice %arg5[%add3A_140, %dma_wait3A_146] : memref<10000x128xf32, #tpu.memory_space<vmem_shared>> -> memref<104x128xf32, #tpu.memory_space<vmem_shared>>
    %dma_wait3A_148 = arith.constant 0 : i32
    %dma_wait3A_149 = arith.constant 0 : i32
    %dma_wait3A_150 = tpu.memref_slice %arg11[%dma_wait3A_148, %dma_wait3A_149] : memref<128x128xf32, #tpu.memory_space<vmem>> -> memref<104x128xf32, #tpu.memory_space<vmem>>
    tpu.wait_dma2 semaphore(%arg15 : memref<!tpu.dma_semaphore, #tpu.memory_space<semaphore_mem>>) src(%dma_wait3A_150 : memref<104x128xf32, #tpu.memory_space<vmem>>) dst(%dma_wait3A_147 : memref<104x128xf32, #tpu.memory_space<vmem_shared>>)
    %add3A_151 = arith.constant 312 : i32
    %add3A_152 = arith.addi %mul3A_5, %add3A_151 : i32
    %dma_wait3A_153 = arith.constant 0 : i32
    %dma_wait3A_154 = arith.constant 0 : i32
    %dma_wait3A_155 = tpu.memref_slice %arg11[%dma_wait3A_153, %dma_wait3A_154] : memref<128x128xf32, #tpu.memory_space<vmem>> -> memref<104x128xf32, #tpu.memory_space<vmem>>
    %dma_wait3A_156 = arith.constant 0 : i32
    %dma_wait3A_157 = tpu.memref_slice %arg5[%add3A_152, %dma_wait3A_156] : memref<10000x128xf32, #tpu.memory_space<vmem_shared>> -> memref<104x128xf32, #tpu.memory_space<vmem_shared>>
    %dma_wait3A_158 = arith.constant 0 : i32
    %dma_wait3A_159 = tpu.memref_slice %arg5[%add3A_152, %dma_wait3A_158] : memref<10000x128xf32, #tpu.memory_space<vmem_shared>> -> memref<104x128xf32, #tpu.memory_space<vmem_shared>>
    %dma_wait3A_160 = arith.constant 0 : i32
    %dma_wait3A_161 = arith.constant 0 : i32
    %dma_wait3A_162 = tpu.memref_slice %arg11[%dma_wait3A_160, %dma_wait3A_161] : memref<128x128xf32, #tpu.memory_space<vmem>> -> memref<104x128xf32, #tpu.memory_space<vmem>>
    tpu.wait_dma2 semaphore(%arg15 : memref<!tpu.dma_semaphore, #tpu.memory_space<semaphore_mem>>) src(%dma_wait3A_162 : memref<104x128xf32, #tpu.memory_space<vmem>>) dst(%dma_wait3A_159 : memref<104x128xf32, #tpu.memory_space<vmem_shared>>)
    %add3A_163 = arith.constant 416 : i32
    %add3A_164 = arith.addi %mul3A_5, %add3A_163 : i32
    %dma_wait3A_165 = arith.constant 0 : i32
    %dma_wait3A_166 = arith.constant 0 : i32
    %dma_wait3A_167 = tpu.memref_slice %arg11[%dma_wait3A_165, %dma_wait3A_166] : memref<128x128xf32, #tpu.memory_space<vmem>> -> memref<104x128xf32, #tpu.memory_space<vmem>>
    %dma_wait3A_168 = arith.constant 0 : i32
    %dma_wait3A_169 = tpu.memref_slice %arg5[%add3A_164, %dma_wait3A_168] : memref<10000x128xf32, #tpu.memory_space<vmem_shared>> -> memref<104x128xf32, #tpu.memory_space<vmem_shared>>
    %dma_wait3A_170 = arith.constant 0 : i32
    %dma_wait3A_171 = tpu.memref_slice %arg5[%add3A_164, %dma_wait3A_170] : memref<10000x128xf32, #tpu.memory_space<vmem_shared>> -> memref<104x128xf32, #tpu.memory_space<vmem_shared>>
    %dma_wait3A_172 = arith.constant 0 : i32
    %dma_wait3A_173 = arith.constant 0 : i32
    %dma_wait3A_174 = tpu.memref_slice %arg11[%dma_wait3A_172, %dma_wait3A_173] : memref<128x128xf32, #tpu.memory_space<vmem>> -> memref<104x128xf32, #tpu.memory_space<vmem>>
    tpu.wait_dma2 semaphore(%arg15 : memref<!tpu.dma_semaphore, #tpu.memory_space<semaphore_mem>>) src(%dma_wait3A_174 : memref<104x128xf32, #tpu.memory_space<vmem>>) dst(%dma_wait3A_171 : memref<104x128xf32, #tpu.memory_space<vmem_shared>>)
    %add3A_175 = arith.constant 520 : i32
    %add3A_176 = arith.addi %mul3A_5, %add3A_175 : i32
    %dma_wait3A_177 = arith.constant 0 : i32
    %dma_wait3A_178 = arith.constant 0 : i32
    %dma_wait3A_179 = tpu.memref_slice %arg11[%dma_wait3A_177, %dma_wait3A_178] : memref<128x128xf32, #tpu.memory_space<vmem>> -> memref<104x128xf32, #tpu.memory_space<vmem>>
    %dma_wait3A_180 = arith.constant 0 : i32
    %dma_wait3A_181 = tpu.memref_slice %arg5[%add3A_176, %dma_wait3A_180] : memref<10000x128xf32, #tpu.memory_space<vmem_shared>> -> memref<104x128xf32, #tpu.memory_space<vmem_shared>>
    %dma_wait3A_182 = arith.constant 0 : i32
    %dma_wait3A_183 = tpu.memref_slice %arg5[%add3A_176, %dma_wait3A_182] : memref<10000x128xf32, #tpu.memory_space<vmem_shared>> -> memref<104x128xf32, #tpu.memory_space<vmem_shared>>
    %dma_wait3A_184 = arith.constant 0 : i32
    %dma_wait3A_185 = arith.constant 0 : i32
    %dma_wait3A_186 = tpu.memref_slice %arg11[%dma_wait3A_184, %dma_wait3A_185] : memref<128x128xf32, #tpu.memory_space<vmem>> -> memref<104x128xf32, #tpu.memory_space<vmem>>
    tpu.wait_dma2 semaphore(%arg15 : memref<!tpu.dma_semaphore, #tpu.memory_space<semaphore_mem>>) src(%dma_wait3A_186 : memref<104x128xf32, #tpu.memory_space<vmem>>) dst(%dma_wait3A_183 : memref<104x128xf32, #tpu.memory_space<vmem_shared>>)
    %convert_element_type3A_187 = arith.extui %lt3A_6 : i1 to i32
    %cond3A_188 = arith.constant 0 : i32
    %cond3A_189 = arith.cmpi ne, %convert_element_type3A_187, %cond3A_188 : i32
    scf.if %cond3A_189 {
      %dma_wait3A_516 = arith.constant 0 : i32
      %dma_wait3A_517 = arith.constant 0 : i32
      %dma_wait3A_518 = tpu.memref_slice %arg11[%dma_wait3A_516, %dma_wait3A_517] : memref<128x128xf32, #tpu.memory_space<vmem>> -> memref<8x128xf32, #tpu.memory_space<vmem>>
      %dma_wait3A_519 = arith.constant 0 : i32
      %dma_wait3A_520 = tpu.memref_slice %arg5[%add3A_8, %dma_wait3A_519] : memref<10000x128xf32, #tpu.memory_space<vmem_shared>> -> memref<8x128xf32, #tpu.memory_space<vmem_shared>>
      %dma_wait3A_521 = arith.constant 0 : i32
      %dma_wait3A_522 = tpu.memref_slice %arg5[%add3A_8, %dma_wait3A_521] : memref<10000x128xf32, #tpu.memory_space<vmem_shared>> -> memref<8x128xf32, #tpu.memory_space<vmem_shared>>
      %dma_wait3A_523 = arith.constant 0 : i32
      %dma_wait3A_524 = arith.constant 0 : i32
      %dma_wait3A_525 = tpu.memref_slice %arg11[%dma_wait3A_523, %dma_wait3A_524] : memref<128x128xf32, #tpu.memory_space<vmem>> -> memref<8x128xf32, #tpu.memory_space<vmem>>
      tpu.wait_dma2 semaphore(%arg15 : memref<!tpu.dma_semaphore, #tpu.memory_space<semaphore_mem>>) src(%dma_wait3A_525 : memref<8x128xf32, #tpu.memory_space<vmem>>) dst(%dma_wait3A_522 : memref<8x128xf32, #tpu.memory_space<vmem_shared>>)
    } else {
    }
    %add3A_190 = arith.constant 2 : i32
    %add3A_191 = arith.addi %add3A_13, %add3A_190 : i32
    %mul3A_192 = arith.constant 128 : i32
    %mul3A_193 = arith.muli %add3A_191, %mul3A_192 : i32
    %dma_start3A_194 = tpu.memref_slice %arg2[%mul3A_193, %mul3A_0] : memref<160000x256xf32, #tpu.memory_space<hbm>> -> memref<128x128xf32, #tpu.memory_space<hbm>>
    %dma_start3A_195 = tpu.memref_slice %arg2[%mul3A_193, %mul3A_0] : memref<160000x256xf32, #tpu.memory_space<hbm>> -> memref<128x128xf32, #tpu.memory_space<hbm>>
    tpu.enqueue_dma source(%dma_start3A_195 : memref<128x128xf32, #tpu.memory_space<hbm>>) target(%arg11 : memref<128x128xf32, #tpu.memory_space<vmem>>) target_semaphore(%arg14 : memref<!tpu.dma_semaphore, #tpu.memory_space<semaphore_mem>>)
    %mul3A_196 = arith.constant 128 : i32
    %mul3A_197 = arith.muli %add3A_191, %mul3A_196 : i32
    %dma_start3A_198 = tpu.memref_slice %arg3[%mul3A_197] : memref<160000xi32, #tpu.memory_space<hbm>> -> memref<128xi32, #tpu.memory_space<hbm>>
    %dma_start3A_199 = tpu.memref_slice %arg3[%mul3A_197] : memref<160000xi32, #tpu.memory_space<hbm>> -> memref<128xi32, #tpu.memory_space<hbm>>
    tpu.enqueue_dma source(%dma_start3A_199 : memref<128xi32, #tpu.memory_space<hbm>>) target(%arg8 : memref<128xi32, #tpu.memory_space<vmem>>) target_semaphore(%arg14 : memref<!tpu.dma_semaphore, #tpu.memory_space<semaphore_mem>>)
    %barrier3A = arith.constant 0 : index
    tpu.barrier barrier_id(%barrier3A)
    %scan3A_200 = arith.constant 0 : i32
    %scan3A_201 = arith.constant 0 : i32
    %scan3A_202 = arith.constant 26 : i32
    %scan3A_203 = arith.addi %scan3A_201, %scan3A_202 : i32
    %scan3A_204 = arith.constant 1 : i32
    scf.for %scan3A_516 = %scan3A_201 to %scan3A_203 step %scan3A_204  : i32 {
      %mul3A_517 = arith.constant 3 : i32
      %mul3A_518 = arith.muli %mul3A_517, %scan3A_516 : i32
      %add3A_519 = arith.addi %add3A_13, %mul3A_518 : i32
      %add3A_520 = arith.constant 0 : i32
      %add3A_521 = arith.addi %add3A_519, %add3A_520 : i32
      %mul3A_522 = arith.constant 128 : i32
      %mul3A_523 = arith.muli %add3A_521, %mul3A_522 : i32
      %dma_wait3A_524 = tpu.memref_slice %arg2[%mul3A_523, %mul3A_0] : memref<160000x256xf32, #tpu.memory_space<hbm>> -> memref<128x128xf32, #tpu.memory_space<hbm>>
      %dma_wait3A_525 = tpu.memref_slice %arg2[%mul3A_523, %mul3A_0] : memref<160000x256xf32, #tpu.memory_space<hbm>> -> memref<128x128xf32, #tpu.memory_space<hbm>>
      tpu.wait_dma2 semaphore(%arg12 : memref<!tpu.dma_semaphore, #tpu.memory_space<semaphore_mem>>) src(%dma_wait3A_525 : memref<128x128xf32, #tpu.memory_space<hbm>>) dst(%arg9 : memref<128x128xf32, #tpu.memory_space<vmem>>)
      %mul3A_526 = arith.constant 128 : i32
      %mul3A_527 = arith.muli %add3A_521, %mul3A_526 : i32
      %dma_wait3A_528 = tpu.memref_slice %arg3[%mul3A_527] : memref<160000xi32, #tpu.memory_space<hbm>> -> memref<128xi32, #tpu.memory_space<hbm>>
      %dma_wait3A_529 = tpu.memref_slice %arg3[%mul3A_527] : memref<160000xi32, #tpu.memory_space<hbm>> -> memref<128xi32, #tpu.memory_space<hbm>>
      tpu.wait_dma2 semaphore(%arg12 : memref<!tpu.dma_semaphore, #tpu.memory_space<semaphore_mem>>) src(%dma_wait3A_529 : memref<128xi32, #tpu.memory_space<hbm>>) dst(%arg6 : memref<128xi32, #tpu.memory_space<vmem>>)
      "tpu.region"() ({
        %run_scoped3A = tpu.sem_alloc : memref<!tpu.dma_semaphore, #tpu.memory_space<semaphore_mem>>
        %dma_start3A_571 = arith.constant 0 : i32
        %dma_start3A_572 = arith.constant 0 : i32
        %dma_start3A_573 = tpu.memref_slice %arg5[%dma_start3A_571, %dma_start3A_572] : memref<10000x128xf32, #tpu.memory_space<vmem_shared>> -> memref<10000x128xf32, #tpu.memory_space<vmem_shared>>
        tpu.enqueue_indirect_dma source(%arg9 : memref<128x128xf32, #tpu.memory_space<vmem>>) target(%dma_start3A_573 : memref<10000x128xf32, #tpu.memory_space<vmem_shared>>) offsets(%arg6 : memref<128xi32, #tpu.memory_space<vmem>>) semaphore(%run_scoped3A : memref<!tpu.dma_semaphore, #tpu.memory_space<semaphore_mem>>) {add = true}
        %dma_wait3A_574 = arith.constant 0 : i32
        %dma_wait3A_575 = arith.constant 0 : i32
        %dma_wait3A_576 = tpu.memref_slice %arg5[%dma_wait3A_574, %dma_wait3A_575] : memref<10000x128xf32, #tpu.memory_space<vmem_shared>> -> memref<10000x128xf32, #tpu.memory_space<vmem_shared>>
        tpu.wait_indirect_dma semaphore(%run_scoped3A : memref<!tpu.dma_semaphore, #tpu.memory_space<semaphore_mem>>) src(%arg9 : memref<128x128xf32, #tpu.memory_space<vmem>>) dst(%dma_wait3A_576 : memref<10000x128xf32, #tpu.memory_space<vmem_shared>>)
        tpu.yield
      }) : () -> ()
      %add3A_530 = arith.constant 3 : i32
      %add3A_531 = arith.addi %add3A_521, %add3A_530 : i32
      %add3A_532 = arith.addi %add3A_13, %add3A_19 : i32
      %lt3A_533 = arith.cmpi slt, %add3A_531, %add3A_532 : i32
      %convert_element_type3A_534 = arith.extui %lt3A_533 : i1 to i32
      %cond3A_535 = arith.constant 0 : i32
      %cond3A_536 = arith.cmpi ne, %convert_element_type3A_534, %cond3A_535 : i32
      scf.if %cond3A_536 {
        %add3A_571 = arith.constant 3 : i32
        %add3A_572 = arith.addi %add3A_521, %add3A_571 : i32
        %mul3A_573 = arith.constant 128 : i32
        %mul3A_574 = arith.muli %add3A_572, %mul3A_573 : i32
        %dma_start3A_575 = tpu.memref_slice %arg2[%mul3A_574, %mul3A_0] : memref<160000x256xf32, #tpu.memory_space<hbm>> -> memref<128x128xf32, #tpu.memory_space<hbm>>
        %dma_start3A_576 = tpu.memref_slice %arg2[%mul3A_574, %mul3A_0] : memref<160000x256xf32, #tpu.memory_space<hbm>> -> memref<128x128xf32, #tpu.memory_space<hbm>>
        tpu.enqueue_dma source(%dma_start3A_576 : memref<128x128xf32, #tpu.memory_space<hbm>>) target(%arg9 : memref<128x128xf32, #tpu.memory_space<vmem>>) target_semaphore(%arg12 : memref<!tpu.dma_semaphore, #tpu.memory_space<semaphore_mem>>)
        %mul3A_577 = arith.constant 128 : i32
        %mul3A_578 = arith.muli %add3A_572, %mul3A_577 : i32
        %dma_start3A_579 = tpu.memref_slice %arg3[%mul3A_578] : memref<160000xi32, #tpu.memory_space<hbm>> -> memref<128xi32, #tpu.memory_space<hbm>>
        %dma_start3A_580 = tpu.memref_slice %arg3[%mul3A_578] : memref<160000xi32, #tpu.memory_space<hbm>> -> memref<128xi32, #tpu.memory_space<hbm>>
        tpu.enqueue_dma source(%dma_start3A_580 : memref<128xi32, #tpu.memory_space<hbm>>) target(%arg6 : memref<128xi32, #tpu.memory_space<vmem>>) target_semaphore(%arg12 : memref<!tpu.dma_semaphore, #tpu.memory_space<semaphore_mem>>)
      } else {
      }
      %add3A_537 = arith.constant 1 : i32
      %add3A_538 = arith.addi %add3A_519, %add3A_537 : i32
      %mul3A_539 = arith.constant 128 : i32
      %mul3A_540 = arith.muli %add3A_538, %mul3A_539 : i32
      %dma_wait3A_541 = tpu.memref_slice %arg2[%mul3A_540, %mul3A_0] : memref<160000x256xf32, #tpu.memory_space<hbm>> -> memref<128x128xf32, #tpu.memory_space<hbm>>
      %dma_wait3A_542 = tpu.memref_slice %arg2[%mul3A_540, %mul3A_0] : memref<160000x256xf32, #tpu.memory_space<hbm>> -> memref<128x128xf32, #tpu.memory_space<hbm>>
      tpu.wait_dma2 semaphore(%arg13 : memref<!tpu.dma_semaphore, #tpu.memory_space<semaphore_mem>>) src(%dma_wait3A_542 : memref<128x128xf32, #tpu.memory_space<hbm>>) dst(%arg10 : memref<128x128xf32, #tpu.memory_space<vmem>>)
      %mul3A_543 = arith.constant 128 : i32
      %mul3A_544 = arith.muli %add3A_538, %mul3A_543 : i32
      %dma_wait3A_545 = tpu.memref_slice %arg3[%mul3A_544] : memref<160000xi32, #tpu.memory_space<hbm>> -> memref<128xi32, #tpu.memory_space<hbm>>
      %dma_wait3A_546 = tpu.memref_slice %arg3[%mul3A_544] : memref<160000xi32, #tpu.memory_space<hbm>> -> memref<128xi32, #tpu.memory_space<hbm>>
      tpu.wait_dma2 semaphore(%arg13 : memref<!tpu.dma_semaphore, #tpu.memory_space<semaphore_mem>>) src(%dma_wait3A_546 : memref<128xi32, #tpu.memory_space<hbm>>) dst(%arg7 : memref<128xi32, #tpu.memory_space<vmem>>)
      "tpu.region"() ({
        %run_scoped3A = tpu.sem_alloc : memref<!tpu.dma_semaphore, #tpu.memory_space<semaphore_mem>>
        %dma_start3A_571 = arith.constant 0 : i32
        %dma_start3A_572 = arith.constant 0 : i32
        %dma_start3A_573 = tpu.memref_slice %arg5[%dma_start3A_571, %dma_start3A_572] : memref<10000x128xf32, #tpu.memory_space<vmem_shared>> -> memref<10000x128xf32, #tpu.memory_space<vmem_shared>>
        tpu.enqueue_indirect_dma source(%arg10 : memref<128x128xf32, #tpu.memory_space<vmem>>) target(%dma_start3A_573 : memref<10000x128xf32, #tpu.memory_space<vmem_shared>>) offsets(%arg7 : memref<128xi32, #tpu.memory_space<vmem>>) semaphore(%run_scoped3A : memref<!tpu.dma_semaphore, #tpu.memory_space<semaphore_mem>>) {add = true}
        %dma_wait3A_574 = arith.constant 0 : i32
        %dma_wait3A_575 = arith.constant 0 : i32
        %dma_wait3A_576 = tpu.memref_slice %arg5[%dma_wait3A_574, %dma_wait3A_575] : memref<10000x128xf32, #tpu.memory_space<vmem_shared>> -> memref<10000x128xf32, #tpu.memory_space<vmem_shared>>
        tpu.wait_indirect_dma semaphore(%run_scoped3A : memref<!tpu.dma_semaphore, #tpu.memory_space<semaphore_mem>>) src(%arg10 : memref<128x128xf32, #tpu.memory_space<vmem>>) dst(%dma_wait3A_576 : memref<10000x128xf32, #tpu.memory_space<vmem_shared>>)
        tpu.yield
      }) : () -> ()
      %add3A_547 = arith.constant 3 : i32
      %add3A_548 = arith.addi %add3A_538, %add3A_547 : i32
      %add3A_549 = arith.addi %add3A_13, %add3A_19 : i32
      %lt3A_550 = arith.cmpi slt, %add3A_548, %add3A_549 : i32
      %convert_element_type3A_551 = arith.extui %lt3A_550 : i1 to i32
      %cond3A_552 = arith.constant 0 : i32
      %cond3A_553 = arith.cmpi ne, %convert_element_type3A_551, %cond3A_552 : i32
      scf.if %cond3A_553 {
        %add3A_571 = arith.constant 3 : i32
        %add3A_572 = arith.addi %add3A_538, %add3A_571 : i32
        %mul3A_573 = arith.constant 128 : i32
        %mul3A_574 = arith.muli %add3A_572, %mul3A_573 : i32
        %dma_start3A_575 = tpu.memref_slice %arg2[%mul3A_574, %mul3A_0] : memref<160000x256xf32, #tpu.memory_space<hbm>> -> memref<128x128xf32, #tpu.memory_space<hbm>>
        %dma_start3A_576 = tpu.memref_slice %arg2[%mul3A_574, %mul3A_0] : memref<160000x256xf32, #tpu.memory_space<hbm>> -> memref<128x128xf32, #tpu.memory_space<hbm>>
        tpu.enqueue_dma source(%dma_start3A_576 : memref<128x128xf32, #tpu.memory_space<hbm>>) target(%arg10 : memref<128x128xf32, #tpu.memory_space<vmem>>) target_semaphore(%arg13 : memref<!tpu.dma_semaphore, #tpu.memory_space<semaphore_mem>>)
        %mul3A_577 = arith.constant 128 : i32
        %mul3A_578 = arith.muli %add3A_572, %mul3A_577 : i32
        %dma_start3A_579 = tpu.memref_slice %arg3[%mul3A_578] : memref<160000xi32, #tpu.memory_space<hbm>> -> memref<128xi32, #tpu.memory_space<hbm>>
        %dma_start3A_580 = tpu.memref_slice %arg3[%mul3A_578] : memref<160000xi32, #tpu.memory_space<hbm>> -> memref<128xi32, #tpu.memory_space<hbm>>
        tpu.enqueue_dma source(%dma_start3A_580 : memref<128xi32, #tpu.memory_space<hbm>>) target(%arg7 : memref<128xi32, #tpu.memory_space<vmem>>) target_semaphore(%arg13 : memref<!tpu.dma_semaphore, #tpu.memory_space<semaphore_mem>>)
      } else {
      }
      %add3A_554 = arith.constant 2 : i32
      %add3A_555 = arith.addi %add3A_519, %add3A_554 : i32
      %mul3A_556 = arith.constant 128 : i32
      %mul3A_557 = arith.muli %add3A_555, %mul3A_556 : i32
      %dma_wait3A_558 = tpu.memref_slice %arg2[%mul3A_557, %mul3A_0] : memref<160000x256xf32, #tpu.memory_space<hbm>> -> memref<128x128xf32, #tpu.memory_space<hbm>>
      %dma_wait3A_559 = tpu.memref_slice %arg2[%mul3A_557, %mul3A_0] : memref<160000x256xf32, #tpu.memory_space<hbm>> -> memref<128x128xf32, #tpu.memory_space<hbm>>
      tpu.wait_dma2 semaphore(%arg14 : memref<!tpu.dma_semaphore, #tpu.memory_space<semaphore_mem>>) src(%dma_wait3A_559 : memref<128x128xf32, #tpu.memory_space<hbm>>) dst(%arg11 : memref<128x128xf32, #tpu.memory_space<vmem>>)
      %mul3A_560 = arith.constant 128 : i32
      %mul3A_561 = arith.muli %add3A_555, %mul3A_560 : i32
      %dma_wait3A_562 = tpu.memref_slice %arg3[%mul3A_561] : memref<160000xi32, #tpu.memory_space<hbm>> -> memref<128xi32, #tpu.memory_space<hbm>>
      %dma_wait3A_563 = tpu.memref_slice %arg3[%mul3A_561] : memref<160000xi32, #tpu.memory_space<hbm>> -> memref<128xi32, #tpu.memory_space<hbm>>
      tpu.wait_dma2 semaphore(%arg14 : memref<!tpu.dma_semaphore, #tpu.memory_space<semaphore_mem>>) src(%dma_wait3A_563 : memref<128xi32, #tpu.memory_space<hbm>>) dst(%arg8 : memref<128xi32, #tpu.memory_space<vmem>>)
      "tpu.region"() ({
        %run_scoped3A = tpu.sem_alloc : memref<!tpu.dma_semaphore, #tpu.memory_space<semaphore_mem>>
        %dma_start3A_571 = arith.constant 0 : i32
        %dma_start3A_572 = arith.constant 0 : i32
        %dma_start3A_573 = tpu.memref_slice %arg5[%dma_start3A_571, %dma_start3A_572] : memref<10000x128xf32, #tpu.memory_space<vmem_shared>> -> memref<10000x128xf32, #tpu.memory_space<vmem_shared>>
        tpu.enqueue_indirect_dma source(%arg11 : memref<128x128xf32, #tpu.memory_space<vmem>>) target(%dma_start3A_573 : memref<10000x128xf32, #tpu.memory_space<vmem_shared>>) offsets(%arg8 : memref<128xi32, #tpu.memory_space<vmem>>) semaphore(%run_scoped3A : memref<!tpu.dma_semaphore, #tpu.memory_space<semaphore_mem>>) {add = true}
        %dma_wait3A_574 = arith.constant 0 : i32
        %dma_wait3A_575 = arith.constant 0 : i32
        %dma_wait3A_576 = tpu.memref_slice %arg5[%dma_wait3A_574, %dma_wait3A_575] : memref<10000x128xf32, #tpu.memory_space<vmem_shared>> -> memref<10000x128xf32, #tpu.memory_space<vmem_shared>>
        tpu.wait_indirect_dma semaphore(%run_scoped3A : memref<!tpu.dma_semaphore, #tpu.memory_space<semaphore_mem>>) src(%arg11 : memref<128x128xf32, #tpu.memory_space<vmem>>) dst(%dma_wait3A_576 : memref<10000x128xf32, #tpu.memory_space<vmem_shared>>)
        tpu.yield
      }) : () -> ()
      %add3A_564 = arith.constant 3 : i32
      %add3A_565 = arith.addi %add3A_555, %add3A_564 : i32
      %add3A_566 = arith.addi %add3A_13, %add3A_19 : i32
      %lt3A_567 = arith.cmpi slt, %add3A_565, %add3A_566 : i32
      %convert_element_type3A_568 = arith.extui %lt3A_567 : i1 to i32
      %cond3A_569 = arith.constant 0 : i32
      %cond3A_570 = arith.cmpi ne, %convert_element_type3A_568, %cond3A_569 : i32
      scf.if %cond3A_570 {
        %add3A_571 = arith.constant 3 : i32
        %add3A_572 = arith.addi %add3A_555, %add3A_571 : i32
        %mul3A_573 = arith.constant 128 : i32
        %mul3A_574 = arith.muli %add3A_572, %mul3A_573 : i32
        %dma_start3A_575 = tpu.memref_slice %arg2[%mul3A_574, %mul3A_0] : memref<160000x256xf32, #tpu.memory_space<hbm>> -> memref<128x128xf32, #tpu.memory_space<hbm>>
        %dma_start3A_576 = tpu.memref_slice %arg2[%mul3A_574, %mul3A_0] : memref<160000x256xf32, #tpu.memory_space<hbm>> -> memref<128x128xf32, #tpu.memory_space<hbm>>
        tpu.enqueue_dma source(%dma_start3A_576 : memref<128x128xf32, #tpu.memory_space<hbm>>) target(%arg11 : memref<128x128xf32, #tpu.memory_space<vmem>>) target_semaphore(%arg14 : memref<!tpu.dma_semaphore, #tpu.memory_space<semaphore_mem>>)
        %mul3A_577 = arith.constant 128 : i32
        %mul3A_578 = arith.muli %add3A_572, %mul3A_577 : i32
        %dma_start3A_579 = tpu.memref_slice %arg3[%mul3A_578] : memref<160000xi32, #tpu.memory_space<hbm>> -> memref<128xi32, #tpu.memory_space<hbm>>
        %dma_start3A_580 = tpu.memref_slice %arg3[%mul3A_578] : memref<160000xi32, #tpu.memory_space<hbm>> -> memref<128xi32, #tpu.memory_space<hbm>>
        tpu.enqueue_dma source(%dma_start3A_580 : memref<128xi32, #tpu.memory_space<hbm>>) target(%arg8 : memref<128xi32, #tpu.memory_space<vmem>>) target_semaphore(%arg14 : memref<!tpu.dma_semaphore, #tpu.memory_space<semaphore_mem>>)
      } else {
      }
    }
    %scan3A_205 = arith.constant 26 : i32
    %convert_element_type3A_206 = arith.extui %lt3A_15 : i1 to i32
    %cond3A_207 = arith.constant 0 : i32
    %cond3A_208 = arith.cmpi ne, %convert_element_type3A_206, %cond3A_207 : i32
    scf.if %cond3A_208 {
      %add3A_516 = arith.constant 78 : i32
      %add3A_517 = arith.addi %add3A_13, %add3A_516 : i32
      %mul3A_518 = arith.constant 128 : i32
      %mul3A_519 = arith.muli %add3A_517, %mul3A_518 : i32
      %dma_wait3A_520 = tpu.memref_slice %arg2[%mul3A_519, %mul3A_0] : memref<160000x256xf32, #tpu.memory_space<hbm>> -> memref<128x128xf32, #tpu.memory_space<hbm>>
      %dma_wait3A_521 = tpu.memref_slice %arg2[%mul3A_519, %mul3A_0] : memref<160000x256xf32, #tpu.memory_space<hbm>> -> memref<128x128xf32, #tpu.memory_space<hbm>>
      tpu.wait_dma2 semaphore(%arg12 : memref<!tpu.dma_semaphore, #tpu.memory_space<semaphore_mem>>) src(%dma_wait3A_521 : memref<128x128xf32, #tpu.memory_space<hbm>>) dst(%arg9 : memref<128x128xf32, #tpu.memory_space<vmem>>)
      %mul3A_522 = arith.constant 128 : i32
      %mul3A_523 = arith.muli %add3A_517, %mul3A_522 : i32
      %dma_wait3A_524 = tpu.memref_slice %arg3[%mul3A_523] : memref<160000xi32, #tpu.memory_space<hbm>> -> memref<128xi32, #tpu.memory_space<hbm>>
      %dma_wait3A_525 = tpu.memref_slice %arg3[%mul3A_523] : memref<160000xi32, #tpu.memory_space<hbm>> -> memref<128xi32, #tpu.memory_space<hbm>>
      tpu.wait_dma2 semaphore(%arg12 : memref<!tpu.dma_semaphore, #tpu.memory_space<semaphore_mem>>) src(%dma_wait3A_525 : memref<128xi32, #tpu.memory_space<hbm>>) dst(%arg6 : memref<128xi32, #tpu.memory_space<vmem>>)
      "tpu.region"() ({
        %run_scoped3A = tpu.sem_alloc : memref<!tpu.dma_semaphore, #tpu.memory_space<semaphore_mem>>
        %dma_start3A_526 = arith.constant 0 : i32
        %dma_start3A_527 = arith.constant 0 : i32
        %dma_start3A_528 = tpu.memref_slice %arg5[%dma_start3A_526, %dma_start3A_527] : memref<10000x128xf32, #tpu.memory_space<vmem_shared>> -> memref<10000x128xf32, #tpu.memory_space<vmem_shared>>
        tpu.enqueue_indirect_dma source(%arg9 : memref<128x128xf32, #tpu.memory_space<vmem>>) target(%dma_start3A_528 : memref<10000x128xf32, #tpu.memory_space<vmem_shared>>) offsets(%arg6 : memref<128xi32, #tpu.memory_space<vmem>>) semaphore(%run_scoped3A : memref<!tpu.dma_semaphore, #tpu.memory_space<semaphore_mem>>) {add = true}
        %dma_wait3A_529 = arith.constant 0 : i32
        %dma_wait3A_530 = arith.constant 0 : i32
        %dma_wait3A_531 = tpu.memref_slice %arg5[%dma_wait3A_529, %dma_wait3A_530] : memref<10000x128xf32, #tpu.memory_space<vmem_shared>> -> memref<10000x128xf32, #tpu.memory_space<vmem_shared>>
        tpu.wait_indirect_dma semaphore(%run_scoped3A : memref<!tpu.dma_semaphore, #tpu.memory_space<semaphore_mem>>) src(%arg9 : memref<128x128xf32, #tpu.memory_space<vmem>>) dst(%dma_wait3A_531 : memref<10000x128xf32, #tpu.memory_space<vmem_shared>>)
        tpu.yield
      }) : () -> ()
    } else {
    }
    %barrier3A_209 = arith.constant 0 : index
    tpu.barrier barrier_id(%barrier3A_209)
    %add3A_210 = arith.constant 0 : i32
    %add3A_211 = arith.addi %mul3A_5, %add3A_210 : i32
    %dma_start3A_212 = arith.constant 0 : i32
    %dma_start3A_213 = arith.constant 0 : i32
    %dma_start3A_214 = tpu.memref_slice %arg9[%dma_start3A_212, %dma_start3A_213] : memref<128x128xf32, #tpu.memory_space<vmem>> -> memref<104x128xf32, #tpu.memory_space<vmem>>
    %dma_start3A_215 = arith.constant 0 : i32
    %dma_start3A_216 = tpu.memref_slice %arg5[%add3A_211, %dma_start3A_215] : memref<10000x128xf32, #tpu.memory_space<vmem_shared>> -> memref<104x128xf32, #tpu.memory_space<vmem_shared>>
    %dma_start3A_217 = arith.constant 0 : i32
    %dma_start3A_218 = arith.constant 0 : i32
    %dma_start3A_219 = tpu.memref_slice %arg9[%dma_start3A_217, %dma_start3A_218] : memref<128x128xf32, #tpu.memory_space<vmem>> -> memref<104x128xf32, #tpu.memory_space<vmem>>
    %dma_start3A_220 = arith.constant 0 : i32
    %dma_start3A_221 = tpu.memref_slice %arg5[%add3A_211, %dma_start3A_220] : memref<10000x128xf32, #tpu.memory_space<vmem_shared>> -> memref<104x128xf32, #tpu.memory_space<vmem_shared>>
    tpu.enqueue_dma source(%dma_start3A_221 : memref<104x128xf32, #tpu.memory_space<vmem_shared>>) target(%dma_start3A_219 : memref<104x128xf32, #tpu.memory_space<vmem>>) target_semaphore(%arg12 : memref<!tpu.dma_semaphore, #tpu.memory_space<semaphore_mem>>)
    %add3A_222 = arith.constant 0 : i32
    %add3A_223 = arith.addi %mul3A_5, %add3A_222 : i32
    %dma_wait3A_224 = arith.constant 0 : i32
    %dma_wait3A_225 = arith.constant 0 : i32
    %dma_wait3A_226 = tpu.memref_slice %arg9[%dma_wait3A_224, %dma_wait3A_225] : memref<128x128xf32, #tpu.memory_space<vmem>> -> memref<104x128xf32, #tpu.memory_space<vmem>>
    %dma_wait3A_227 = arith.constant 0 : i32
    %dma_wait3A_228 = tpu.memref_slice %arg5[%add3A_223, %dma_wait3A_227] : memref<10000x128xf32, #tpu.memory_space<vmem_shared>> -> memref<104x128xf32, #tpu.memory_space<vmem_shared>>
    %dma_wait3A_229 = arith.constant 0 : i32
    %dma_wait3A_230 = arith.constant 0 : i32
    %dma_wait3A_231 = tpu.memref_slice %arg9[%dma_wait3A_229, %dma_wait3A_230] : memref<128x128xf32, #tpu.memory_space<vmem>> -> memref<104x128xf32, #tpu.memory_space<vmem>>
    %dma_wait3A_232 = arith.constant 0 : i32
    %dma_wait3A_233 = tpu.memref_slice %arg5[%add3A_223, %dma_wait3A_232] : memref<10000x128xf32, #tpu.memory_space<vmem_shared>> -> memref<104x128xf32, #tpu.memory_space<vmem_shared>>
    tpu.wait_dma2 semaphore(%arg12 : memref<!tpu.dma_semaphore, #tpu.memory_space<semaphore_mem>>) src(%dma_wait3A_233 : memref<104x128xf32, #tpu.memory_space<vmem_shared>>) dst(%dma_wait3A_231 : memref<104x128xf32, #tpu.memory_space<vmem>>)
    %add3A_234 = arith.constant 104 : i32
    %add3A_235 = arith.addi %mul3A_5, %add3A_234 : i32
    %dma_start3A_236 = arith.constant 0 : i32
    %dma_start3A_237 = arith.constant 0 : i32
    %dma_start3A_238 = tpu.memref_slice %arg10[%dma_start3A_236, %dma_start3A_237] : memref<128x128xf32, #tpu.memory_space<vmem>> -> memref<104x128xf32, #tpu.memory_space<vmem>>
    %dma_start3A_239 = arith.constant 0 : i32
    %dma_start3A_240 = tpu.memref_slice %arg5[%add3A_235, %dma_start3A_239] : memref<10000x128xf32, #tpu.memory_space<vmem_shared>> -> memref<104x128xf32, #tpu.memory_space<vmem_shared>>
    %dma_start3A_241 = arith.constant 0 : i32
    %dma_start3A_242 = arith.constant 0 : i32
    %dma_start3A_243 = tpu.memref_slice %arg10[%dma_start3A_241, %dma_start3A_242] : memref<128x128xf32, #tpu.memory_space<vmem>> -> memref<104x128xf32, #tpu.memory_space<vmem>>
    %dma_start3A_244 = arith.constant 0 : i32
    %dma_start3A_245 = tpu.memref_slice %arg5[%add3A_235, %dma_start3A_244] : memref<10000x128xf32, #tpu.memory_space<vmem_shared>> -> memref<104x128xf32, #tpu.memory_space<vmem_shared>>
    tpu.enqueue_dma source(%dma_start3A_245 : memref<104x128xf32, #tpu.memory_space<vmem_shared>>) target(%dma_start3A_243 : memref<104x128xf32, #tpu.memory_space<vmem>>) target_semaphore(%arg13 : memref<!tpu.dma_semaphore, #tpu.memory_space<semaphore_mem>>)
    %scan3A_246 = arith.constant 0 : i32
    %scan3A_247 = arith.constant 0 : i32
    %scan3A_248 = arith.constant 104 : i32
    %scan3A_249 = arith.addi %scan3A_247, %scan3A_248 : i32
    %scan3A_250 = arith.constant 1 : i32
    scf.for %scan3A_516 = %scan3A_247 to %scan3A_249 step %scan3A_250  : i32 {
      %get3A = arith.index_cast %scan3A_516 : i32 to index
      %get3A_517 = arith.constant 0 : index
      %get3A_518 = tpu.vector_load %arg9[%get3A, %get3A_517] {strides = array<i32>} : memref<128x128xf32, #tpu.memory_space<vmem>>, vector<1x16xf32>,
      %get3A_519 = vector.shape_cast %get3A_518 : vector<1x16xf32> to vector<16xf32>
      %mul3A_520 = arith.constant 2.500000e-01 : f32
      %mul3A_521 = vector.broadcast %mul3A_520 : f32 to vector<16xf32>
      %mul3A_522 = arith.mulf %get3A_519, %mul3A_521 : vector<16xf32>
      %swap3A = arith.index_cast %scan3A_516 : i32 to index
      %swap3A_523 = arith.constant 0 : index
      %swap3A_524 = tpu.vector_load %arg9[%swap3A, %swap3A_523] {strides = array<i32>} : memref<128x128xf32, #tpu.memory_space<vmem>>, vector<1x16xf32>,
      %swap3A_525 = vector.shape_cast %swap3A_524 : vector<1x16xf32> to vector<16xf32>
      %swap3A_526 = vector.shape_cast %mul3A_522 : vector<16xf32> to vector<1x16xf32>
      tpu.vector_store %arg9[%swap3A, %swap3A_523], %swap3A_526 {strides = array<i32>} : memref<128x128xf32, #tpu.memory_space<vmem>>, vector<1x16xf32>,
      %get3A_527 = arith.index_cast %scan3A_516 : i32 to index
      %get3A_528 = arith.constant 16 : index
      %get3A_529 = tpu.vector_load %arg9[%get3A_527, %get3A_528] {strides = array<i32>} : memref<128x128xf32, #tpu.memory_space<vmem>>, vector<1x16xf32>,
      %get3A_530 = vector.shape_cast %get3A_529 : vector<1x16xf32> to vector<16xf32>
      %mul3A_531 = arith.constant 2.500000e-01 : f32
      %mul3A_532 = vector.broadcast %mul3A_531 : f32 to vector<16xf32>
      %mul3A_533 = arith.mulf %get3A_530, %mul3A_532 : vector<16xf32>
      %swap3A_534 = arith.index_cast %scan3A_516 : i32 to index
      %swap3A_535 = arith.constant 16 : index
      %swap3A_536 = tpu.vector_load %arg9[%swap3A_534, %swap3A_535] {strides = array<i32>} : memref<128x128xf32, #tpu.memory_space<vmem>>, vector<1x16xf32>,
      %swap3A_537 = vector.shape_cast %swap3A_536 : vector<1x16xf32> to vector<16xf32>
      %swap3A_538 = vector.shape_cast %mul3A_533 : vector<16xf32> to vector<1x16xf32>
      tpu.vector_store %arg9[%swap3A_534, %swap3A_535], %swap3A_538 {strides = array<i32>} : memref<128x128xf32, #tpu.memory_space<vmem>>, vector<1x16xf32>,
      %get3A_539 = arith.index_cast %scan3A_516 : i32 to index
      %get3A_540 = arith.constant 32 : index
      %get3A_541 = tpu.vector_load %arg9[%get3A_539, %get3A_540] {strides = array<i32>} : memref<128x128xf32, #tpu.memory_space<vmem>>, vector<1x16xf32>,
      %get3A_542 = vector.shape_cast %get3A_541 : vector<1x16xf32> to vector<16xf32>
      %mul3A_543 = arith.constant 2.500000e-01 : f32
      %mul3A_544 = vector.broadcast %mul3A_543 : f32 to vector<16xf32>
      %mul3A_545 = arith.mulf %get3A_542, %mul3A_544 : vector<16xf32>
      %swap3A_546 = arith.index_cast %scan3A_516 : i32 to index
      %swap3A_547 = arith.constant 32 : index
      %swap3A_548 = tpu.vector_load %arg9[%swap3A_546, %swap3A_547] {strides = array<i32>} : memref<128x128xf32, #tpu.memory_space<vmem>>, vector<1x16xf32>,
      %swap3A_549 = vector.shape_cast %swap3A_548 : vector<1x16xf32> to vector<16xf32>
      %swap3A_550 = vector.shape_cast %mul3A_545 : vector<16xf32> to vector<1x16xf32>
      tpu.vector_store %arg9[%swap3A_546, %swap3A_547], %swap3A_550 {strides = array<i32>} : memref<128x128xf32, #tpu.memory_space<vmem>>, vector<1x16xf32>,
      %get3A_551 = arith.index_cast %scan3A_516 : i32 to index
      %get3A_552 = arith.constant 48 : index
      %get3A_553 = tpu.vector_load %arg9[%get3A_551, %get3A_552] {strides = array<i32>} : memref<128x128xf32, #tpu.memory_space<vmem>>, vector<1x16xf32>,
      %get3A_554 = vector.shape_cast %get3A_553 : vector<1x16xf32> to vector<16xf32>
      %mul3A_555 = arith.constant 2.500000e-01 : f32
      %mul3A_556 = vector.broadcast %mul3A_555 : f32 to vector<16xf32>
      %mul3A_557 = arith.mulf %get3A_554, %mul3A_556 : vector<16xf32>
      %swap3A_558 = arith.index_cast %scan3A_516 : i32 to index
      %swap3A_559 = arith.constant 48 : index
      %swap3A_560 = tpu.vector_load %arg9[%swap3A_558, %swap3A_559] {strides = array<i32>} : memref<128x128xf32, #tpu.memory_space<vmem>>, vector<1x16xf32>,
      %swap3A_561 = vector.shape_cast %swap3A_560 : vector<1x16xf32> to vector<16xf32>
      %swap3A_562 = vector.shape_cast %mul3A_557 : vector<16xf32> to vector<1x16xf32>
      tpu.vector_store %arg9[%swap3A_558, %swap3A_559], %swap3A_562 {strides = array<i32>} : memref<128x128xf32, #tpu.memory_space<vmem>>, vector<1x16xf32>,
      %get3A_563 = arith.index_cast %scan3A_516 : i32 to index
      %get3A_564 = arith.constant 64 : index
      %get3A_565 = tpu.vector_load %arg9[%get3A_563, %get3A_564] {strides = array<i32>} : memref<128x128xf32, #tpu.memory_space<vmem>>, vector<1x16xf32>,
      %get3A_566 = vector.shape_cast %get3A_565 : vector<1x16xf32> to vector<16xf32>
      %mul3A_567 = arith.constant 2.500000e-01 : f32
      %mul3A_568 = vector.broadcast %mul3A_567 : f32 to vector<16xf32>
      %mul3A_569 = arith.mulf %get3A_566, %mul3A_568 : vector<16xf32>
      %swap3A_570 = arith.index_cast %scan3A_516 : i32 to index
      %swap3A_571 = arith.constant 64 : index
      %swap3A_572 = tpu.vector_load %arg9[%swap3A_570, %swap3A_571] {strides = array<i32>} : memref<128x128xf32, #tpu.memory_space<vmem>>, vector<1x16xf32>,
      %swap3A_573 = vector.shape_cast %swap3A_572 : vector<1x16xf32> to vector<16xf32>
      %swap3A_574 = vector.shape_cast %mul3A_569 : vector<16xf32> to vector<1x16xf32>
      tpu.vector_store %arg9[%swap3A_570, %swap3A_571], %swap3A_574 {strides = array<i32>} : memref<128x128xf32, #tpu.memory_space<vmem>>, vector<1x16xf32>,
      %get3A_575 = arith.index_cast %scan3A_516 : i32 to index
      %get3A_576 = arith.constant 80 : index
      %get3A_577 = tpu.vector_load %arg9[%get3A_575, %get3A_576] {strides = array<i32>} : memref<128x128xf32, #tpu.memory_space<vmem>>, vector<1x16xf32>,
      %get3A_578 = vector.shape_cast %get3A_577 : vector<1x16xf32> to vector<16xf32>
      %mul3A_579 = arith.constant 2.500000e-01 : f32
      %mul3A_580 = vector.broadcast %mul3A_579 : f32 to vector<16xf32>
      %mul3A_581 = arith.mulf %get3A_578, %mul3A_580 : vector<16xf32>
      %swap3A_582 = arith.index_cast %scan3A_516 : i32 to index
      %swap3A_583 = arith.constant 80 : index
      %swap3A_584 = tpu.vector_load %arg9[%swap3A_582, %swap3A_583] {strides = array<i32>} : memref<128x128xf32, #tpu.memory_space<vmem>>, vector<1x16xf32>,
      %swap3A_585 = vector.shape_cast %swap3A_584 : vector<1x16xf32> to vector<16xf32>
      %swap3A_586 = vector.shape_cast %mul3A_581 : vector<16xf32> to vector<1x16xf32>
      tpu.vector_store %arg9[%swap3A_582, %swap3A_583], %swap3A_586 {strides = array<i32>} : memref<128x128xf32, #tpu.memory_space<vmem>>, vector<1x16xf32>,
      %get3A_587 = arith.index_cast %scan3A_516 : i32 to index
      %get3A_588 = arith.constant 96 : index
      %get3A_589 = tpu.vector_load %arg9[%get3A_587, %get3A_588] {strides = array<i32>} : memref<128x128xf32, #tpu.memory_space<vmem>>, vector<1x16xf32>,
      %get3A_590 = vector.shape_cast %get3A_589 : vector<1x16xf32> to vector<16xf32>
      %mul3A_591 = arith.constant 2.500000e-01 : f32
      %mul3A_592 = vector.broadcast %mul3A_591 : f32 to vector<16xf32>
      %mul3A_593 = arith.mulf %get3A_590, %mul3A_592 : vector<16xf32>
      %swap3A_594 = arith.index_cast %scan3A_516 : i32 to index
      %swap3A_595 = arith.constant 96 : index
      %swap3A_596 = tpu.vector_load %arg9[%swap3A_594, %swap3A_595] {strides = array<i32>} : memref<128x128xf32, #tpu.memory_space<vmem>>, vector<1x16xf32>,
      %swap3A_597 = vector.shape_cast %swap3A_596 : vector<1x16xf32> to vector<16xf32>
      %swap3A_598 = vector.shape_cast %mul3A_593 : vector<16xf32> to vector<1x16xf32>
      tpu.vector_store %arg9[%swap3A_594, %swap3A_595], %swap3A_598 {strides = array<i32>} : memref<128x128xf32, #tpu.memory_space<vmem>>, vector<1x16xf32>,
      %get3A_599 = arith.index_cast %scan3A_516 : i32 to index
      %get3A_600 = arith.constant 112 : index
      %get3A_601 = tpu.vector_load %arg9[%get3A_599, %get3A_600] {strides = array<i32>} : memref<128x128xf32, #tpu.memory_space<vmem>>, vector<1x16xf32>,
      %get3A_602 = vector.shape_cast %get3A_601 : vector<1x16xf32> to vector<16xf32>
      %mul3A_603 = arith.constant 2.500000e-01 : f32
      %mul3A_604 = vector.broadcast %mul3A_603 : f32 to vector<16xf32>
      %mul3A_605 = arith.mulf %get3A_602, %mul3A_604 : vector<16xf32>
      %swap3A_606 = arith.index_cast %scan3A_516 : i32 to index
      %swap3A_607 = arith.constant 112 : index
      %swap3A_608 = tpu.vector_load %arg9[%swap3A_606, %swap3A_607] {strides = array<i32>} : memref<128x128xf32, #tpu.memory_space<vmem>>, vector<1x16xf32>,
      %swap3A_609 = vector.shape_cast %swap3A_608 : vector<1x16xf32> to vector<16xf32>
      %swap3A_610 = vector.shape_cast %mul3A_605 : vector<16xf32> to vector<1x16xf32>
      tpu.vector_store %arg9[%swap3A_606, %swap3A_607], %swap3A_610 {strides = array<i32>} : memref<128x128xf32, #tpu.memory_space<vmem>>, vector<1x16xf32>,
    }
    %scan3A_251 = arith.constant 104 : i32
    %add3A_252 = arith.constant 0 : i32
    %add3A_253 = arith.addi %mul3A_5, %add3A_252 : i32
    %dma_start3A_254 = arith.constant 0 : i32
    %dma_start3A_255 = arith.constant 0 : i32
    %dma_start3A_256 = tpu.memref_slice %arg9[%dma_start3A_254, %dma_start3A_255] : memref<128x128xf32, #tpu.memory_space<vmem>> -> memref<104x128xf32, #tpu.memory_space<vmem>>
    %dma_start3A_257 = tpu.memref_slice %arg4[%add3A_253, %mul3A_0] : memref<10000x256xf32, #tpu.memory_space<hbm>> -> memref<104x128xf32, #tpu.memory_space<hbm>>
    %dma_start3A_258 = tpu.memref_slice %arg4[%add3A_253, %mul3A_0] : memref<10000x256xf32, #tpu.memory_space<hbm>> -> memref<104x128xf32, #tpu.memory_space<hbm>>
    %dma_start3A_259 = arith.constant 0 : i32
    %dma_start3A_260 = arith.constant 0 : i32
    %dma_start3A_261 = tpu.memref_slice %arg9[%dma_start3A_259, %dma_start3A_260] : memref<128x128xf32, #tpu.memory_space<vmem>> -> memref<104x128xf32, #tpu.memory_space<vmem>>
    tpu.enqueue_dma source(%dma_start3A_261 : memref<104x128xf32, #tpu.memory_space<vmem>>) target(%dma_start3A_258 : memref<104x128xf32, #tpu.memory_space<hbm>>) target_semaphore(%arg16 : memref<!tpu.dma_semaphore, #tpu.memory_space<semaphore_mem>>)
    %add3A_262 = arith.constant 104 : i32
    %add3A_263 = arith.addi %mul3A_5, %add3A_262 : i32
    %dma_wait3A_264 = arith.constant 0 : i32
    %dma_wait3A_265 = arith.constant 0 : i32
    %dma_wait3A_266 = tpu.memref_slice %arg10[%dma_wait3A_264, %dma_wait3A_265] : memref<128x128xf32, #tpu.memory_space<vmem>> -> memref<104x128xf32, #tpu.memory_space<vmem>>
    %dma_wait3A_267 = arith.constant 0 : i32
    %dma_wait3A_268 = tpu.memref_slice %arg5[%add3A_263, %dma_wait3A_267] : memref<10000x128xf32, #tpu.memory_space<vmem_shared>> -> memref<104x128xf32, #tpu.memory_space<vmem_shared>>
    %dma_wait3A_269 = arith.constant 0 : i32
    %dma_wait3A_270 = arith.constant 0 : i32
    %dma_wait3A_271 = tpu.memref_slice %arg10[%dma_wait3A_269, %dma_wait3A_270] : memref<128x128xf32, #tpu.memory_space<vmem>> -> memref<104x128xf32, #tpu.memory_space<vmem>>
    %dma_wait3A_272 = arith.constant 0 : i32
    %dma_wait3A_273 = tpu.memref_slice %arg5[%add3A_263, %dma_wait3A_272] : memref<10000x128xf32, #tpu.memory_space<vmem_shared>> -> memref<104x128xf32, #tpu.memory_space<vmem_shared>>
    tpu.wait_dma2 semaphore(%arg13 : memref<!tpu.dma_semaphore, #tpu.memory_space<semaphore_mem>>) src(%dma_wait3A_273 : memref<104x128xf32, #tpu.memory_space<vmem_shared>>) dst(%dma_wait3A_271 : memref<104x128xf32, #tpu.memory_space<vmem>>)
    %add3A_274 = arith.constant 0 : i32
    %add3A_275 = arith.addi %mul3A_5, %add3A_274 : i32
    %dma_wait3A_276 = arith.constant 0 : i32
    %dma_wait3A_277 = arith.constant 0 : i32
    %dma_wait3A_278 = tpu.memref_slice %arg9[%dma_wait3A_276, %dma_wait3A_277] : memref<128x128xf32, #tpu.memory_space<vmem>> -> memref<104x128xf32, #tpu.memory_space<vmem>>
    %dma_wait3A_279 = tpu.memref_slice %arg4[%add3A_275, %mul3A_0] : memref<10000x256xf32, #tpu.memory_space<hbm>> -> memref<104x128xf32, #tpu.memory_space<hbm>>
    %dma_wait3A_280 = tpu.memref_slice %arg4[%add3A_275, %mul3A_0] : memref<10000x256xf32, #tpu.memory_space<hbm>> -> memref<104x128xf32, #tpu.memory_space<hbm>>
    %dma_wait3A_281 = arith.constant 0 : i32
    %dma_wait3A_282 = arith.constant 0 : i32
    %dma_wait3A_283 = tpu.memref_slice %arg9[%dma_wait3A_281, %dma_wait3A_282] : memref<128x128xf32, #tpu.memory_space<vmem>> -> memref<104x128xf32, #tpu.memory_space<vmem>>
    tpu.wait_dma2 semaphore(%arg16 : memref<!tpu.dma_semaphore, #tpu.memory_space<semaphore_mem>>) src(%dma_wait3A_283 : memref<104x128xf32, #tpu.memory_space<vmem>>) dst(%dma_wait3A_280 : memref<104x128xf32, #tpu.memory_space<hbm>>)
    %add3A_284 = arith.constant 208 : i32
    %add3A_285 = arith.addi %mul3A_5, %add3A_284 : i32
    %dma_start3A_286 = arith.constant 0 : i32
    %dma_start3A_287 = arith.constant 0 : i32
    %dma_start3A_288 = tpu.memref_slice %arg9[%dma_start3A_286, %dma_start3A_287] : memref<128x128xf32, #tpu.memory_space<vmem>> -> memref<104x128xf32, #tpu.memory_space<vmem>>
    %dma_start3A_289 = arith.constant 0 : i32
    %dma_start3A_290 = tpu.memref_slice %arg5[%add3A_285, %dma_start3A_289] : memref<10000x128xf32, #tpu.memory_space<vmem_shared>> -> memref<104x128xf32, #tpu.memory_space<vmem_shared>>
    %dma_start3A_291 = arith.constant 0 : i32
    %dma_start3A_292 = arith.constant 0 : i32
    %dma_start3A_293 = tpu.memref_slice %arg9[%dma_start3A_291, %dma_start3A_292] : memref<128x128xf32, #tpu.memory_space<vmem>> -> memref<104x128xf32, #tpu.memory_space<vmem>>
    %dma_start3A_294 = arith.constant 0 : i32
    %dma_start3A_295 = tpu.memref_slice %arg5[%add3A_285, %dma_start3A_294] : memref<10000x128xf32, #tpu.memory_space<vmem_shared>> -> memref<104x128xf32, #tpu.memory_space<vmem_shared>>
    tpu.enqueue_dma source(%dma_start3A_295 : memref<104x128xf32, #tpu.memory_space<vmem_shared>>) target(%dma_start3A_293 : memref<104x128xf32, #tpu.memory_space<vmem>>) target_semaphore(%arg12 : memref<!tpu.dma_semaphore, #tpu.memory_space<semaphore_mem>>)
    %scan3A_296 = arith.constant 0 : i32
    %scan3A_297 = arith.constant 0 : i32
    %scan3A_298 = arith.constant 104 : i32
    %scan3A_299 = arith.addi %scan3A_297, %scan3A_298 : i32
    %scan3A_300 = arith.constant 1 : i32
    scf.for %scan3A_516 = %scan3A_297 to %scan3A_299 step %scan3A_300  : i32 {
      %get3A = arith.index_cast %scan3A_516 : i32 to index
      %get3A_517 = arith.constant 0 : index
      %get3A_518 = tpu.vector_load %arg10[%get3A, %get3A_517] {strides = array<i32>} : memref<128x128xf32, #tpu.memory_space<vmem>>, vector<1x16xf32>,
      %get3A_519 = vector.shape_cast %get3A_518 : vector<1x16xf32> to vector<16xf32>
      %mul3A_520 = arith.constant 2.500000e-01 : f32
      %mul3A_521 = vector.broadcast %mul3A_520 : f32 to vector<16xf32>
      %mul3A_522 = arith.mulf %get3A_519, %mul3A_521 : vector<16xf32>
      %swap3A = arith.index_cast %scan3A_516 : i32 to index
      %swap3A_523 = arith.constant 0 : index
      %swap3A_524 = tpu.vector_load %arg10[%swap3A, %swap3A_523] {strides = array<i32>} : memref<128x128xf32, #tpu.memory_space<vmem>>, vector<1x16xf32>,
      %swap3A_525 = vector.shape_cast %swap3A_524 : vector<1x16xf32> to vector<16xf32>
      %swap3A_526 = vector.shape_cast %mul3A_522 : vector<16xf32> to vector<1x16xf32>
      tpu.vector_store %arg10[%swap3A, %swap3A_523], %swap3A_526 {strides = array<i32>} : memref<128x128xf32, #tpu.memory_space<vmem>>, vector<1x16xf32>,
      %get3A_527 = arith.index_cast %scan3A_516 : i32 to index
      %get3A_528 = arith.constant 16 : index
      %get3A_529 = tpu.vector_load %arg10[%get3A_527, %get3A_528] {strides = array<i32>} : memref<128x128xf32, #tpu.memory_space<vmem>>, vector<1x16xf32>,
      %get3A_530 = vector.shape_cast %get3A_529 : vector<1x16xf32> to vector<16xf32>
      %mul3A_531 = arith.constant 2.500000e-01 : f32
      %mul3A_532 = vector.broadcast %mul3A_531 : f32 to vector<16xf32>
      %mul3A_533 = arith.mulf %get3A_530, %mul3A_532 : vector<16xf32>
      %swap3A_534 = arith.index_cast %scan3A_516 : i32 to index
      %swap3A_535 = arith.constant 16 : index
      %swap3A_536 = tpu.vector_load %arg10[%swap3A_534, %swap3A_535] {strides = array<i32>} : memref<128x128xf32, #tpu.memory_space<vmem>>, vector<1x16xf32>,
      %swap3A_537 = vector.shape_cast %swap3A_536 : vector<1x16xf32> to vector<16xf32>
      %swap3A_538 = vector.shape_cast %mul3A_533 : vector<16xf32> to vector<1x16xf32>
      tpu.vector_store %arg10[%swap3A_534, %swap3A_535], %swap3A_538 {strides = array<i32>} : memref<128x128xf32, #tpu.memory_space<vmem>>, vector<1x16xf32>,
      %get3A_539 = arith.index_cast %scan3A_516 : i32 to index
      %get3A_540 = arith.constant 32 : index
      %get3A_541 = tpu.vector_load %arg10[%get3A_539, %get3A_540] {strides = array<i32>} : memref<128x128xf32, #tpu.memory_space<vmem>>, vector<1x16xf32>,
      %get3A_542 = vector.shape_cast %get3A_541 : vector<1x16xf32> to vector<16xf32>
      %mul3A_543 = arith.constant 2.500000e-01 : f32
      %mul3A_544 = vector.broadcast %mul3A_543 : f32 to vector<16xf32>
      %mul3A_545 = arith.mulf %get3A_542, %mul3A_544 : vector<16xf32>
      %swap3A_546 = arith.index_cast %scan3A_516 : i32 to index
      %swap3A_547 = arith.constant 32 : index
      %swap3A_548 = tpu.vector_load %arg10[%swap3A_546, %swap3A_547] {strides = array<i32>} : memref<128x128xf32, #tpu.memory_space<vmem>>, vector<1x16xf32>,
      %swap3A_549 = vector.shape_cast %swap3A_548 : vector<1x16xf32> to vector<16xf32>
      %swap3A_550 = vector.shape_cast %mul3A_545 : vector<16xf32> to vector<1x16xf32>
      tpu.vector_store %arg10[%swap3A_546, %swap3A_547], %swap3A_550 {strides = array<i32>} : memref<128x128xf32, #tpu.memory_space<vmem>>, vector<1x16xf32>,
      %get3A_551 = arith.index_cast %scan3A_516 : i32 to index
      %get3A_552 = arith.constant 48 : index
      %get3A_553 = tpu.vector_load %arg10[%get3A_551, %get3A_552] {strides = array<i32>} : memref<128x128xf32, #tpu.memory_space<vmem>>, vector<1x16xf32>,
      %get3A_554 = vector.shape_cast %get3A_553 : vector<1x16xf32> to vector<16xf32>
      %mul3A_555 = arith.constant 2.500000e-01 : f32
      %mul3A_556 = vector.broadcast %mul3A_555 : f32 to vector<16xf32>
      %mul3A_557 = arith.mulf %get3A_554, %mul3A_556 : vector<16xf32>
      %swap3A_558 = arith.index_cast %scan3A_516 : i32 to index
      %swap3A_559 = arith.constant 48 : index
      %swap3A_560 = tpu.vector_load %arg10[%swap3A_558, %swap3A_559] {strides = array<i32>} : memref<128x128xf32, #tpu.memory_space<vmem>>, vector<1x16xf32>,
      %swap3A_561 = vector.shape_cast %swap3A_560 : vector<1x16xf32> to vector<16xf32>
      %swap3A_562 = vector.shape_cast %mul3A_557 : vector<16xf32> to vector<1x16xf32>
      tpu.vector_store %arg10[%swap3A_558, %swap3A_559], %swap3A_562 {strides = array<i32>} : memref<128x128xf32, #tpu.memory_space<vmem>>, vector<1x16xf32>,
      %get3A_563 = arith.index_cast %scan3A_516 : i32 to index
      %get3A_564 = arith.constant 64 : index
      %get3A_565 = tpu.vector_load %arg10[%get3A_563, %get3A_564] {strides = array<i32>} : memref<128x128xf32, #tpu.memory_space<vmem>>, vector<1x16xf32>,
      %get3A_566 = vector.shape_cast %get3A_565 : vector<1x16xf32> to vector<16xf32>
      %mul3A_567 = arith.constant 2.500000e-01 : f32
      %mul3A_568 = vector.broadcast %mul3A_567 : f32 to vector<16xf32>
      %mul3A_569 = arith.mulf %get3A_566, %mul3A_568 : vector<16xf32>
      %swap3A_570 = arith.index_cast %scan3A_516 : i32 to index
      %swap3A_571 = arith.constant 64 : index
      %swap3A_572 = tpu.vector_load %arg10[%swap3A_570, %swap3A_571] {strides = array<i32>} : memref<128x128xf32, #tpu.memory_space<vmem>>, vector<1x16xf32>,
      %swap3A_573 = vector.shape_cast %swap3A_572 : vector<1x16xf32> to vector<16xf32>
      %swap3A_574 = vector.shape_cast %mul3A_569 : vector<16xf32> to vector<1x16xf32>
      tpu.vector_store %arg10[%swap3A_570, %swap3A_571], %swap3A_574 {strides = array<i32>} : memref<128x128xf32, #tpu.memory_space<vmem>>, vector<1x16xf32>,
      %get3A_575 = arith.index_cast %scan3A_516 : i32 to index
      %get3A_576 = arith.constant 80 : index
      %get3A_577 = tpu.vector_load %arg10[%get3A_575, %get3A_576] {strides = array<i32>} : memref<128x128xf32, #tpu.memory_space<vmem>>, vector<1x16xf32>,
      %get3A_578 = vector.shape_cast %get3A_577 : vector<1x16xf32> to vector<16xf32>
      %mul3A_579 = arith.constant 2.500000e-01 : f32
      %mul3A_580 = vector.broadcast %mul3A_579 : f32 to vector<16xf32>
      %mul3A_581 = arith.mulf %get3A_578, %mul3A_580 : vector<16xf32>
      %swap3A_582 = arith.index_cast %scan3A_516 : i32 to index
      %swap3A_583 = arith.constant 80 : index
      %swap3A_584 = tpu.vector_load %arg10[%swap3A_582, %swap3A_583] {strides = array<i32>} : memref<128x128xf32, #tpu.memory_space<vmem>>, vector<1x16xf32>,
      %swap3A_585 = vector.shape_cast %swap3A_584 : vector<1x16xf32> to vector<16xf32>
      %swap3A_586 = vector.shape_cast %mul3A_581 : vector<16xf32> to vector<1x16xf32>
      tpu.vector_store %arg10[%swap3A_582, %swap3A_583], %swap3A_586 {strides = array<i32>} : memref<128x128xf32, #tpu.memory_space<vmem>>, vector<1x16xf32>,
      %get3A_587 = arith.index_cast %scan3A_516 : i32 to index
      %get3A_588 = arith.constant 96 : index
      %get3A_589 = tpu.vector_load %arg10[%get3A_587, %get3A_588] {strides = array<i32>} : memref<128x128xf32, #tpu.memory_space<vmem>>, vector<1x16xf32>,
      %get3A_590 = vector.shape_cast %get3A_589 : vector<1x16xf32> to vector<16xf32>
      %mul3A_591 = arith.constant 2.500000e-01 : f32
      %mul3A_592 = vector.broadcast %mul3A_591 : f32 to vector<16xf32>
      %mul3A_593 = arith.mulf %get3A_590, %mul3A_592 : vector<16xf32>
      %swap3A_594 = arith.index_cast %scan3A_516 : i32 to index
      %swap3A_595 = arith.constant 96 : index
      %swap3A_596 = tpu.vector_load %arg10[%swap3A_594, %swap3A_595] {strides = array<i32>} : memref<128x128xf32, #tpu.memory_space<vmem>>, vector<1x16xf32>,
      %swap3A_597 = vector.shape_cast %swap3A_596 : vector<1x16xf32> to vector<16xf32>
      %swap3A_598 = vector.shape_cast %mul3A_593 : vector<16xf32> to vector<1x16xf32>
      tpu.vector_store %arg10[%swap3A_594, %swap3A_595], %swap3A_598 {strides = array<i32>} : memref<128x128xf32, #tpu.memory_space<vmem>>, vector<1x16xf32>,
      %get3A_599 = arith.index_cast %scan3A_516 : i32 to index
      %get3A_600 = arith.constant 112 : index
      %get3A_601 = tpu.vector_load %arg10[%get3A_599, %get3A_600] {strides = array<i32>} : memref<128x128xf32, #tpu.memory_space<vmem>>, vector<1x16xf32>,
      %get3A_602 = vector.shape_cast %get3A_601 : vector<1x16xf32> to vector<16xf32>
      %mul3A_603 = arith.constant 2.500000e-01 : f32
      %mul3A_604 = vector.broadcast %mul3A_603 : f32 to vector<16xf32>
      %mul3A_605 = arith.mulf %get3A_602, %mul3A_604 : vector<16xf32>
      %swap3A_606 = arith.index_cast %scan3A_516 : i32 to index
      %swap3A_607 = arith.constant 112 : index
      %swap3A_608 = tpu.vector_load %arg10[%swap3A_606, %swap3A_607] {strides = array<i32>} : memref<128x128xf32, #tpu.memory_space<vmem>>, vector<1x16xf32>,
      %swap3A_609 = vector.shape_cast %swap3A_608 : vector<1x16xf32> to vector<16xf32>
      %swap3A_610 = vector.shape_cast %mul3A_605 : vector<16xf32> to vector<1x16xf32>
      tpu.vector_store %arg10[%swap3A_606, %swap3A_607], %swap3A_610 {strides = array<i32>} : memref<128x128xf32, #tpu.memory_space<vmem>>, vector<1x16xf32>,
    }
    %scan3A_301 = arith.constant 104 : i32
    %add3A_302 = arith.constant 104 : i32
    %add3A_303 = arith.addi %mul3A_5, %add3A_302 : i32
    %dma_start3A_304 = arith.constant 0 : i32
    %dma_start3A_305 = arith.constant 0 : i32
    %dma_start3A_306 = tpu.memref_slice %arg10[%dma_start3A_304, %dma_start3A_305] : memref<128x128xf32, #tpu.memory_space<vmem>> -> memref<104x128xf32, #tpu.memory_space<vmem>>
    %dma_start3A_307 = tpu.memref_slice %arg4[%add3A_303, %mul3A_0] : memref<10000x256xf32, #tpu.memory_space<hbm>> -> memref<104x128xf32, #tpu.memory_space<hbm>>
    %dma_start3A_308 = tpu.memref_slice %arg4[%add3A_303, %mul3A_0] : memref<10000x256xf32, #tpu.memory_space<hbm>> -> memref<104x128xf32, #tpu.memory_space<hbm>>
    %dma_start3A_309 = arith.constant 0 : i32
    %dma_start3A_310 = arith.constant 0 : i32
    %dma_start3A_311 = tpu.memref_slice %arg10[%dma_start3A_309, %dma_start3A_310] : memref<128x128xf32, #tpu.memory_space<vmem>> -> memref<104x128xf32, #tpu.memory_space<vmem>>
    tpu.enqueue_dma source(%dma_start3A_311 : memref<104x128xf32, #tpu.memory_space<vmem>>) target(%dma_start3A_308 : memref<104x128xf32, #tpu.memory_space<hbm>>) target_semaphore(%arg17 : memref<!tpu.dma_semaphore, #tpu.memory_space<semaphore_mem>>)
    %add3A_312 = arith.constant 208 : i32
    %add3A_313 = arith.addi %mul3A_5, %add3A_312 : i32
    %dma_wait3A_314 = arith.constant 0 : i32
    %dma_wait3A_315 = arith.constant 0 : i32
    %dma_wait3A_316 = tpu.memref_slice %arg9[%dma_wait3A_314, %dma_wait3A_315] : memref<128x128xf32, #tpu.memory_space<vmem>> -> memref<104x128xf32, #tpu.memory_space<vmem>>
    %dma_wait3A_317 = arith.constant 0 : i32
    %dma_wait3A_318 = tpu.memref_slice %arg5[%add3A_313, %dma_wait3A_317] : memref<10000x128xf32, #tpu.memory_space<vmem_shared>> -> memref<104x128xf32, #tpu.memory_space<vmem_shared>>
    %dma_wait3A_319 = arith.constant 0 : i32
    %dma_wait3A_320 = arith.constant 0 : i32
    %dma_wait3A_321 = tpu.memref_slice %arg9[%dma_wait3A_319, %dma_wait3A_320] : memref<128x128xf32, #tpu.memory_space<vmem>> -> memref<104x128xf32, #tpu.memory_space<vmem>>
    %dma_wait3A_322 = arith.constant 0 : i32
    %dma_wait3A_323 = tpu.memref_slice %arg5[%add3A_313, %dma_wait3A_322] : memref<10000x128xf32, #tpu.memory_space<vmem_shared>> -> memref<104x128xf32, #tpu.memory_space<vmem_shared>>
    tpu.wait_dma2 semaphore(%arg12 : memref<!tpu.dma_semaphore, #tpu.memory_space<semaphore_mem>>) src(%dma_wait3A_323 : memref<104x128xf32, #tpu.memory_space<vmem_shared>>) dst(%dma_wait3A_321 : memref<104x128xf32, #tpu.memory_space<vmem>>)
    %add3A_324 = arith.constant 104 : i32
    %add3A_325 = arith.addi %mul3A_5, %add3A_324 : i32
    %dma_wait3A_326 = arith.constant 0 : i32
    %dma_wait3A_327 = arith.constant 0 : i32
    %dma_wait3A_328 = tpu.memref_slice %arg10[%dma_wait3A_326, %dma_wait3A_327] : memref<128x128xf32, #tpu.memory_space<vmem>> -> memref<104x128xf32, #tpu.memory_space<vmem>>
    %dma_wait3A_329 = tpu.memref_slice %arg4[%add3A_325, %mul3A_0] : memref<10000x256xf32, #tpu.memory_space<hbm>> -> memref<104x128xf32, #tpu.memory_space<hbm>>
    %dma_wait3A_330 = tpu.memref_slice %arg4[%add3A_325, %mul3A_0] : memref<10000x256xf32, #tpu.memory_space<hbm>> -> memref<104x128xf32, #tpu.memory_space<hbm>>
    %dma_wait3A_331 = arith.constant 0 : i32
    %dma_wait3A_332 = arith.constant 0 : i32
    %dma_wait3A_333 = tpu.memref_slice %arg10[%dma_wait3A_331, %dma_wait3A_332] : memref<128x128xf32, #tpu.memory_space<vmem>> -> memref<104x128xf32, #tpu.memory_space<vmem>>
    tpu.wait_dma2 semaphore(%arg17 : memref<!tpu.dma_semaphore, #tpu.memory_space<semaphore_mem>>) src(%dma_wait3A_333 : memref<104x128xf32, #tpu.memory_space<vmem>>) dst(%dma_wait3A_330 : memref<104x128xf32, #tpu.memory_space<hbm>>)
    %add3A_334 = arith.constant 312 : i32
    %add3A_335 = arith.addi %mul3A_5, %add3A_334 : i32
    %dma_start3A_336 = arith.constant 0 : i32
    %dma_start3A_337 = arith.constant 0 : i32
    %dma_start3A_338 = tpu.memref_slice %arg10[%dma_start3A_336, %dma_start3A_337] : memref<128x128xf32, #tpu.memory_space<vmem>> -> memref<104x128xf32, #tpu.memory_space<vmem>>
    %dma_start3A_339 = arith.constant 0 : i32
    %dma_start3A_340 = tpu.memref_slice %arg5[%add3A_335, %dma_start3A_339] : memref<10000x128xf32, #tpu.memory_space<vmem_shared>> -> memref<104x128xf32, #tpu.memory_space<vmem_shared>>
    %dma_start3A_341 = arith.constant 0 : i32
    %dma_start3A_342 = arith.constant 0 : i32
    %dma_start3A_343 = tpu.memref_slice %arg10[%dma_start3A_341, %dma_start3A_342] : memref<128x128xf32, #tpu.memory_space<vmem>> -> memref<104x128xf32, #tpu.memory_space<vmem>>
    %dma_start3A_344 = arith.constant 0 : i32
    %dma_start3A_345 = tpu.memref_slice %arg5[%add3A_335, %dma_start3A_344] : memref<10000x128xf32, #tpu.memory_space<vmem_shared>> -> memref<104x128xf32, #tpu.memory_space<vmem_shared>>
    tpu.enqueue_dma source(%dma_start3A_345 : memref<104x128xf32, #tpu.memory_space<vmem_shared>>) target(%dma_start3A_343 : memref<104x128xf32, #tpu.memory_space<vmem>>) target_semaphore(%arg13 : memref<!tpu.dma_semaphore, #tpu.memory_space<semaphore_mem>>)
    %scan3A_346 = arith.constant 0 : i32
    %scan3A_347 = arith.constant 0 : i32
    %scan3A_348 = arith.constant 104 : i32
    %scan3A_349 = arith.addi %scan3A_347, %scan3A_348 : i32
    %scan3A_350 = arith.constant 1 : i32
    scf.for %scan3A_516 = %scan3A_347 to %scan3A_349 step %scan3A_350  : i32 {
      %get3A = arith.index_cast %scan3A_516 : i32 to index
      %get3A_517 = arith.constant 0 : index
      %get3A_518 = tpu.vector_load %arg9[%get3A, %get3A_517] {strides = array<i32>} : memref<128x128xf32, #tpu.memory_space<vmem>>, vector<1x16xf32>,
      %get3A_519 = vector.shape_cast %get3A_518 : vector<1x16xf32> to vector<16xf32>
      %mul3A_520 = arith.constant 2.500000e-01 : f32
      %mul3A_521 = vector.broadcast %mul3A_520 : f32 to vector<16xf32>
      %mul3A_522 = arith.mulf %get3A_519, %mul3A_521 : vector<16xf32>
      %swap3A = arith.index_cast %scan3A_516 : i32 to index
      %swap3A_523 = arith.constant 0 : index
      %swap3A_524 = tpu.vector_load %arg9[%swap3A, %swap3A_523] {strides = array<i32>} : memref<128x128xf32, #tpu.memory_space<vmem>>, vector<1x16xf32>,
      %swap3A_525 = vector.shape_cast %swap3A_524 : vector<1x16xf32> to vector<16xf32>
      %swap3A_526 = vector.shape_cast %mul3A_522 : vector<16xf32> to vector<1x16xf32>
      tpu.vector_store %arg9[%swap3A, %swap3A_523], %swap3A_526 {strides = array<i32>} : memref<128x128xf32, #tpu.memory_space<vmem>>, vector<1x16xf32>,
      %get3A_527 = arith.index_cast %scan3A_516 : i32 to index
      %get3A_528 = arith.constant 16 : index
      %get3A_529 = tpu.vector_load %arg9[%get3A_527, %get3A_528] {strides = array<i32>} : memref<128x128xf32, #tpu.memory_space<vmem>>, vector<1x16xf32>,
      %get3A_530 = vector.shape_cast %get3A_529 : vector<1x16xf32> to vector<16xf32>
      %mul3A_531 = arith.constant 2.500000e-01 : f32
      %mul3A_532 = vector.broadcast %mul3A_531 : f32 to vector<16xf32>
      %mul3A_533 = arith.mulf %get3A_530, %mul3A_532 : vector<16xf32>
      %swap3A_534 = arith.index_cast %scan3A_516 : i32 to index
      %swap3A_535 = arith.constant 16 : index
      %swap3A_536 = tpu.vector_load %arg9[%swap3A_534, %swap3A_535] {strides = array<i32>} : memref<128x128xf32, #tpu.memory_space<vmem>>, vector<1x16xf32>,
      %swap3A_537 = vector.shape_cast %swap3A_536 : vector<1x16xf32> to vector<16xf32>
      %swap3A_538 = vector.shape_cast %mul3A_533 : vector<16xf32> to vector<1x16xf32>
      tpu.vector_store %arg9[%swap3A_534, %swap3A_535], %swap3A_538 {strides = array<i32>} : memref<128x128xf32, #tpu.memory_space<vmem>>, vector<1x16xf32>,
      %get3A_539 = arith.index_cast %scan3A_516 : i32 to index
      %get3A_540 = arith.constant 32 : index
      %get3A_541 = tpu.vector_load %arg9[%get3A_539, %get3A_540] {strides = array<i32>} : memref<128x128xf32, #tpu.memory_space<vmem>>, vector<1x16xf32>,
      %get3A_542 = vector.shape_cast %get3A_541 : vector<1x16xf32> to vector<16xf32>
      %mul3A_543 = arith.constant 2.500000e-01 : f32
      %mul3A_544 = vector.broadcast %mul3A_543 : f32 to vector<16xf32>
      %mul3A_545 = arith.mulf %get3A_542, %mul3A_544 : vector<16xf32>
      %swap3A_546 = arith.index_cast %scan3A_516 : i32 to index
      %swap3A_547 = arith.constant 32 : index
      %swap3A_548 = tpu.vector_load %arg9[%swap3A_546, %swap3A_547] {strides = array<i32>} : memref<128x128xf32, #tpu.memory_space<vmem>>, vector<1x16xf32>,
      %swap3A_549 = vector.shape_cast %swap3A_548 : vector<1x16xf32> to vector<16xf32>
      %swap3A_550 = vector.shape_cast %mul3A_545 : vector<16xf32> to vector<1x16xf32>
      tpu.vector_store %arg9[%swap3A_546, %swap3A_547], %swap3A_550 {strides = array<i32>} : memref<128x128xf32, #tpu.memory_space<vmem>>, vector<1x16xf32>,
      %get3A_551 = arith.index_cast %scan3A_516 : i32 to index
      %get3A_552 = arith.constant 48 : index
      %get3A_553 = tpu.vector_load %arg9[%get3A_551, %get3A_552] {strides = array<i32>} : memref<128x128xf32, #tpu.memory_space<vmem>>, vector<1x16xf32>,
      %get3A_554 = vector.shape_cast %get3A_553 : vector<1x16xf32> to vector<16xf32>
      %mul3A_555 = arith.constant 2.500000e-01 : f32
      %mul3A_556 = vector.broadcast %mul3A_555 : f32 to vector<16xf32>
      %mul3A_557 = arith.mulf %get3A_554, %mul3A_556 : vector<16xf32>
      %swap3A_558 = arith.index_cast %scan3A_516 : i32 to index
      %swap3A_559 = arith.constant 48 : index
      %swap3A_560 = tpu.vector_load %arg9[%swap3A_558, %swap3A_559] {strides = array<i32>} : memref<128x128xf32, #tpu.memory_space<vmem>>, vector<1x16xf32>,
      %swap3A_561 = vector.shape_cast %swap3A_560 : vector<1x16xf32> to vector<16xf32>
      %swap3A_562 = vector.shape_cast %mul3A_557 : vector<16xf32> to vector<1x16xf32>
      tpu.vector_store %arg9[%swap3A_558, %swap3A_559], %swap3A_562 {strides = array<i32>} : memref<128x128xf32, #tpu.memory_space<vmem>>, vector<1x16xf32>,
      %get3A_563 = arith.index_cast %scan3A_516 : i32 to index
      %get3A_564 = arith.constant 64 : index
      %get3A_565 = tpu.vector_load %arg9[%get3A_563, %get3A_564] {strides = array<i32>} : memref<128x128xf32, #tpu.memory_space<vmem>>, vector<1x16xf32>,
      %get3A_566 = vector.shape_cast %get3A_565 : vector<1x16xf32> to vector<16xf32>
      %mul3A_567 = arith.constant 2.500000e-01 : f32
      %mul3A_568 = vector.broadcast %mul3A_567 : f32 to vector<16xf32>
      %mul3A_569 = arith.mulf %get3A_566, %mul3A_568 : vector<16xf32>
      %swap3A_570 = arith.index_cast %scan3A_516 : i32 to index
      %swap3A_571 = arith.constant 64 : index
      %swap3A_572 = tpu.vector_load %arg9[%swap3A_570, %swap3A_571] {strides = array<i32>} : memref<128x128xf32, #tpu.memory_space<vmem>>, vector<1x16xf32>,
      %swap3A_573 = vector.shape_cast %swap3A_572 : vector<1x16xf32> to vector<16xf32>
      %swap3A_574 = vector.shape_cast %mul3A_569 : vector<16xf32> to vector<1x16xf32>
      tpu.vector_store %arg9[%swap3A_570, %swap3A_571], %swap3A_574 {strides = array<i32>} : memref<128x128xf32, #tpu.memory_space<vmem>>, vector<1x16xf32>,
      %get3A_575 = arith.index_cast %scan3A_516 : i32 to index
      %get3A_576 = arith.constant 80 : index
      %get3A_577 = tpu.vector_load %arg9[%get3A_575, %get3A_576] {strides = array<i32>} : memref<128x128xf32, #tpu.memory_space<vmem>>, vector<1x16xf32>,
      %get3A_578 = vector.shape_cast %get3A_577 : vector<1x16xf32> to vector<16xf32>
      %mul3A_579 = arith.constant 2.500000e-01 : f32
      %mul3A_580 = vector.broadcast %mul3A_579 : f32 to vector<16xf32>
      %mul3A_581 = arith.mulf %get3A_578, %mul3A_580 : vector<16xf32>
      %swap3A_582 = arith.index_cast %scan3A_516 : i32 to index
      %swap3A_583 = arith.constant 80 : index
      %swap3A_584 = tpu.vector_load %arg9[%swap3A_582, %swap3A_583] {strides = array<i32>} : memref<128x128xf32, #tpu.memory_space<vmem>>, vector<1x16xf32>,
      %swap3A_585 = vector.shape_cast %swap3A_584 : vector<1x16xf32> to vector<16xf32>
      %swap3A_586 = vector.shape_cast %mul3A_581 : vector<16xf32> to vector<1x16xf32>
      tpu.vector_store %arg9[%swap3A_582, %swap3A_583], %swap3A_586 {strides = array<i32>} : memref<128x128xf32, #tpu.memory_space<vmem>>, vector<1x16xf32>,
      %get3A_587 = arith.index_cast %scan3A_516 : i32 to index
      %get3A_588 = arith.constant 96 : index
      %get3A_589 = tpu.vector_load %arg9[%get3A_587, %get3A_588] {strides = array<i32>} : memref<128x128xf32, #tpu.memory_space<vmem>>, vector<1x16xf32>,
      %get3A_590 = vector.shape_cast %get3A_589 : vector<1x16xf32> to vector<16xf32>
      %mul3A_591 = arith.constant 2.500000e-01 : f32
      %mul3A_592 = vector.broadcast %mul3A_591 : f32 to vector<16xf32>
      %mul3A_593 = arith.mulf %get3A_590, %mul3A_592 : vector<16xf32>
      %swap3A_594 = arith.index_cast %scan3A_516 : i32 to index
      %swap3A_595 = arith.constant 96 : index
      %swap3A_596 = tpu.vector_load %arg9[%swap3A_594, %swap3A_595] {strides = array<i32>} : memref<128x128xf32, #tpu.memory_space<vmem>>, vector<1x16xf32>,
      %swap3A_597 = vector.shape_cast %swap3A_596 : vector<1x16xf32> to vector<16xf32>
      %swap3A_598 = vector.shape_cast %mul3A_593 : vector<16xf32> to vector<1x16xf32>
      tpu.vector_store %arg9[%swap3A_594, %swap3A_595], %swap3A_598 {strides = array<i32>} : memref<128x128xf32, #tpu.memory_space<vmem>>, vector<1x16xf32>,
      %get3A_599 = arith.index_cast %scan3A_516 : i32 to index
      %get3A_600 = arith.constant 112 : index
      %get3A_601 = tpu.vector_load %arg9[%get3A_599, %get3A_600] {strides = array<i32>} : memref<128x128xf32, #tpu.memory_space<vmem>>, vector<1x16xf32>,
      %get3A_602 = vector.shape_cast %get3A_601 : vector<1x16xf32> to vector<16xf32>
      %mul3A_603 = arith.constant 2.500000e-01 : f32
      %mul3A_604 = vector.broadcast %mul3A_603 : f32 to vector<16xf32>
      %mul3A_605 = arith.mulf %get3A_602, %mul3A_604 : vector<16xf32>
      %swap3A_606 = arith.index_cast %scan3A_516 : i32 to index
      %swap3A_607 = arith.constant 112 : index
      %swap3A_608 = tpu.vector_load %arg9[%swap3A_606, %swap3A_607] {strides = array<i32>} : memref<128x128xf32, #tpu.memory_space<vmem>>, vector<1x16xf32>,
      %swap3A_609 = vector.shape_cast %swap3A_608 : vector<1x16xf32> to vector<16xf32>
      %swap3A_610 = vector.shape_cast %mul3A_605 : vector<16xf32> to vector<1x16xf32>
      tpu.vector_store %arg9[%swap3A_606, %swap3A_607], %swap3A_610 {strides = array<i32>} : memref<128x128xf32, #tpu.memory_space<vmem>>, vector<1x16xf32>,
    }
    %scan3A_351 = arith.constant 104 : i32
    %add3A_352 = arith.constant 208 : i32
    %add3A_353 = arith.addi %mul3A_5, %add3A_352 : i32
    %dma_start3A_354 = arith.constant 0 : i32
    %dma_start3A_355 = arith.constant 0 : i32
    %dma_start3A_356 = tpu.memref_slice %arg9[%dma_start3A_354, %dma_start3A_355] : memref<128x128xf32, #tpu.memory_space<vmem>> -> memref<104x128xf32, #tpu.memory_space<vmem>>
    %dma_start3A_357 = tpu.memref_slice %arg4[%add3A_353, %mul3A_0] : memref<10000x256xf32, #tpu.memory_space<hbm>> -> memref<104x128xf32, #tpu.memory_space<hbm>>
    %dma_start3A_358 = tpu.memref_slice %arg4[%add3A_353, %mul3A_0] : memref<10000x256xf32, #tpu.memory_space<hbm>> -> memref<104x128xf32, #tpu.memory_space<hbm>>
    %dma_start3A_359 = arith.constant 0 : i32
    %dma_start3A_360 = arith.constant 0 : i32
    %dma_start3A_361 = tpu.memref_slice %arg9[%dma_start3A_359, %dma_start3A_360] : memref<128x128xf32, #tpu.memory_space<vmem>> -> memref<104x128xf32, #tpu.memory_space<vmem>>
    tpu.enqueue_dma source(%dma_start3A_361 : memref<104x128xf32, #tpu.memory_space<vmem>>) target(%dma_start3A_358 : memref<104x128xf32, #tpu.memory_space<hbm>>) target_semaphore(%arg16 : memref<!tpu.dma_semaphore, #tpu.memory_space<semaphore_mem>>)
    %add3A_362 = arith.constant 312 : i32
    %add3A_363 = arith.addi %mul3A_5, %add3A_362 : i32
    %dma_wait3A_364 = arith.constant 0 : i32
    %dma_wait3A_365 = arith.constant 0 : i32
    %dma_wait3A_366 = tpu.memref_slice %arg10[%dma_wait3A_364, %dma_wait3A_365] : memref<128x128xf32, #tpu.memory_space<vmem>> -> memref<104x128xf32, #tpu.memory_space<vmem>>
    %dma_wait3A_367 = arith.constant 0 : i32
    %dma_wait3A_368 = tpu.memref_slice %arg5[%add3A_363, %dma_wait3A_367] : memref<10000x128xf32, #tpu.memory_space<vmem_shared>> -> memref<104x128xf32, #tpu.memory_space<vmem_shared>>
    %dma_wait3A_369 = arith.constant 0 : i32
    %dma_wait3A_370 = arith.constant 0 : i32
    %dma_wait3A_371 = tpu.memref_slice %arg10[%dma_wait3A_369, %dma_wait3A_370] : memref<128x128xf32, #tpu.memory_space<vmem>> -> memref<104x128xf32, #tpu.memory_space<vmem>>
    %dma_wait3A_372 = arith.constant 0 : i32
    %dma_wait3A_373 = tpu.memref_slice %arg5[%add3A_363, %dma_wait3A_372] : memref<10000x128xf32, #tpu.memory_space<vmem_shared>> -> memref<104x128xf32, #tpu.memory_space<vmem_shared>>
    tpu.wait_dma2 semaphore(%arg13 : memref<!tpu.dma_semaphore, #tpu.memory_space<semaphore_mem>>) src(%dma_wait3A_373 : memref<104x128xf32, #tpu.memory_space<vmem_shared>>) dst(%dma_wait3A_371 : memref<104x128xf32, #tpu.memory_space<vmem>>)
    %add3A_374 = arith.constant 208 : i32
    %add3A_375 = arith.addi %mul3A_5, %add3A_374 : i32
    %dma_wait3A_376 = arith.constant 0 : i32
    %dma_wait3A_377 = arith.constant 0 : i32
    %dma_wait3A_378 = tpu.memref_slice %arg9[%dma_wait3A_376, %dma_wait3A_377] : memref<128x128xf32, #tpu.memory_space<vmem>> -> memref<104x128xf32, #tpu.memory_space<vmem>>
    %dma_wait3A_379 = tpu.memref_slice %arg4[%add3A_375, %mul3A_0] : memref<10000x256xf32, #tpu.memory_space<hbm>> -> memref<104x128xf32, #tpu.memory_space<hbm>>
    %dma_wait3A_380 = tpu.memref_slice %arg4[%add3A_375, %mul3A_0] : memref<10000x256xf32, #tpu.memory_space<hbm>> -> memref<104x128xf32, #tpu.memory_space<hbm>>
    %dma_wait3A_381 = arith.constant 0 : i32
    %dma_wait3A_382 = arith.constant 0 : i32
    %dma_wait3A_383 = tpu.memref_slice %arg9[%dma_wait3A_381, %dma_wait3A_382] : memref<128x128xf32, #tpu.memory_space<vmem>> -> memref<104x128xf32, #tpu.memory_space<vmem>>
    tpu.wait_dma2 semaphore(%arg16 : memref<!tpu.dma_semaphore, #tpu.memory_space<semaphore_mem>>) src(%dma_wait3A_383 : memref<104x128xf32, #tpu.memory_space<vmem>>) dst(%dma_wait3A_380 : memref<104x128xf32, #tpu.memory_space<hbm>>)
    %add3A_384 = arith.constant 416 : i32
    %add3A_385 = arith.addi %mul3A_5, %add3A_384 : i32
    %dma_start3A_386 = arith.constant 0 : i32
    %dma_start3A_387 = arith.constant 0 : i32
    %dma_start3A_388 = tpu.memref_slice %arg9[%dma_start3A_386, %dma_start3A_387] : memref<128x128xf32, #tpu.memory_space<vmem>> -> memref<104x128xf32, #tpu.memory_space<vmem>>
    %dma_start3A_389 = arith.constant 0 : i32
    %dma_start3A_390 = tpu.memref_slice %arg5[%add3A_385, %dma_start3A_389] : memref<10000x128xf32, #tpu.memory_space<vmem_shared>> -> memref<104x128xf32, #tpu.memory_space<vmem_shared>>
    %dma_start3A_391 = arith.constant 0 : i32
    %dma_start3A_392 = arith.constant 0 : i32
    %dma_start3A_393 = tpu.memref_slice %arg9[%dma_start3A_391, %dma_start3A_392] : memref<128x128xf32, #tpu.memory_space<vmem>> -> memref<104x128xf32, #tpu.memory_space<vmem>>
    %dma_start3A_394 = arith.constant 0 : i32
    %dma_start3A_395 = tpu.memref_slice %arg5[%add3A_385, %dma_start3A_394] : memref<10000x128xf32, #tpu.memory_space<vmem_shared>> -> memref<104x128xf32, #tpu.memory_space<vmem_shared>>
    tpu.enqueue_dma source(%dma_start3A_395 : memref<104x128xf32, #tpu.memory_space<vmem_shared>>) target(%dma_start3A_393 : memref<104x128xf32, #tpu.memory_space<vmem>>) target_semaphore(%arg12 : memref<!tpu.dma_semaphore, #tpu.memory_space<semaphore_mem>>)
    %scan3A_396 = arith.constant 0 : i32
    %scan3A_397 = arith.constant 0 : i32
    %scan3A_398 = arith.constant 104 : i32
    %scan3A_399 = arith.addi %scan3A_397, %scan3A_398 : i32
    %scan3A_400 = arith.constant 1 : i32
    scf.for %scan3A_516 = %scan3A_397 to %scan3A_399 step %scan3A_400  : i32 {
      %get3A = arith.index_cast %scan3A_516 : i32 to index
      %get3A_517 = arith.constant 0 : index
      %get3A_518 = tpu.vector_load %arg10[%get3A, %get3A_517] {strides = array<i32>} : memref<128x128xf32, #tpu.memory_space<vmem>>, vector<1x16xf32>,
      %get3A_519 = vector.shape_cast %get3A_518 : vector<1x16xf32> to vector<16xf32>
      %mul3A_520 = arith.constant 2.500000e-01 : f32
      %mul3A_521 = vector.broadcast %mul3A_520 : f32 to vector<16xf32>
      %mul3A_522 = arith.mulf %get3A_519, %mul3A_521 : vector<16xf32>
      %swap3A = arith.index_cast %scan3A_516 : i32 to index
      %swap3A_523 = arith.constant 0 : index
      %swap3A_524 = tpu.vector_load %arg10[%swap3A, %swap3A_523] {strides = array<i32>} : memref<128x128xf32, #tpu.memory_space<vmem>>, vector<1x16xf32>,
      %swap3A_525 = vector.shape_cast %swap3A_524 : vector<1x16xf32> to vector<16xf32>
      %swap3A_526 = vector.shape_cast %mul3A_522 : vector<16xf32> to vector<1x16xf32>
      tpu.vector_store %arg10[%swap3A, %swap3A_523], %swap3A_526 {strides = array<i32>} : memref<128x128xf32, #tpu.memory_space<vmem>>, vector<1x16xf32>,
      %get3A_527 = arith.index_cast %scan3A_516 : i32 to index
      %get3A_528 = arith.constant 16 : index
      %get3A_529 = tpu.vector_load %arg10[%get3A_527, %get3A_528] {strides = array<i32>} : memref<128x128xf32, #tpu.memory_space<vmem>>, vector<1x16xf32>,
      %get3A_530 = vector.shape_cast %get3A_529 : vector<1x16xf32> to vector<16xf32>
      %mul3A_531 = arith.constant 2.500000e-01 : f32
      %mul3A_532 = vector.broadcast %mul3A_531 : f32 to vector<16xf32>
      %mul3A_533 = arith.mulf %get3A_530, %mul3A_532 : vector<16xf32>
      %swap3A_534 = arith.index_cast %scan3A_516 : i32 to index
      %swap3A_535 = arith.constant 16 : index
      %swap3A_536 = tpu.vector_load %arg10[%swap3A_534, %swap3A_535] {strides = array<i32>} : memref<128x128xf32, #tpu.memory_space<vmem>>, vector<1x16xf32>,
      %swap3A_537 = vector.shape_cast %swap3A_536 : vector<1x16xf32> to vector<16xf32>
      %swap3A_538 = vector.shape_cast %mul3A_533 : vector<16xf32> to vector<1x16xf32>
      tpu.vector_store %arg10[%swap3A_534, %swap3A_535], %swap3A_538 {strides = array<i32>} : memref<128x128xf32, #tpu.memory_space<vmem>>, vector<1x16xf32>,
      %get3A_539 = arith.index_cast %scan3A_516 : i32 to index
      %get3A_540 = arith.constant 32 : index
      %get3A_541 = tpu.vector_load %arg10[%get3A_539, %get3A_540] {strides = array<i32>} : memref<128x128xf32, #tpu.memory_space<vmem>>, vector<1x16xf32>,
      %get3A_542 = vector.shape_cast %get3A_541 : vector<1x16xf32> to vector<16xf32>
      %mul3A_543 = arith.constant 2.500000e-01 : f32
      %mul3A_544 = vector.broadcast %mul3A_543 : f32 to vector<16xf32>
      %mul3A_545 = arith.mulf %get3A_542, %mul3A_544 : vector<16xf32>
      %swap3A_546 = arith.index_cast %scan3A_516 : i32 to index
      %swap3A_547 = arith.constant 32 : index
      %swap3A_548 = tpu.vector_load %arg10[%swap3A_546, %swap3A_547] {strides = array<i32>} : memref<128x128xf32, #tpu.memory_space<vmem>>, vector<1x16xf32>,
      %swap3A_549 = vector.shape_cast %swap3A_548 : vector<1x16xf32> to vector<16xf32>
      %swap3A_550 = vector.shape_cast %mul3A_545 : vector<16xf32> to vector<1x16xf32>
      tpu.vector_store %arg10[%swap3A_546, %swap3A_547], %swap3A_550 {strides = array<i32>} : memref<128x128xf32, #tpu.memory_space<vmem>>, vector<1x16xf32>,
      %get3A_551 = arith.index_cast %scan3A_516 : i32 to index
      %get3A_552 = arith.constant 48 : index
      %get3A_553 = tpu.vector_load %arg10[%get3A_551, %get3A_552] {strides = array<i32>} : memref<128x128xf32, #tpu.memory_space<vmem>>, vector<1x16xf32>,
      %get3A_554 = vector.shape_cast %get3A_553 : vector<1x16xf32> to vector<16xf32>
      %mul3A_555 = arith.constant 2.500000e-01 : f32
      %mul3A_556 = vector.broadcast %mul3A_555 : f32 to vector<16xf32>
      %mul3A_557 = arith.mulf %get3A_554, %mul3A_556 : vector<16xf32>
      %swap3A_558 = arith.index_cast %scan3A_516 : i32 to index
      %swap3A_559 = arith.constant 48 : index
      %swap3A_560 = tpu.vector_load %arg10[%swap3A_558, %swap3A_559] {strides = array<i32>} : memref<128x128xf32, #tpu.memory_space<vmem>>, vector<1x16xf32>,
      %swap3A_561 = vector.shape_cast %swap3A_560 : vector<1x16xf32> to vector<16xf32>
      %swap3A_562 = vector.shape_cast %mul3A_557 : vector<16xf32> to vector<1x16xf32>
      tpu.vector_store %arg10[%swap3A_558, %swap3A_559], %swap3A_562 {strides = array<i32>} : memref<128x128xf32, #tpu.memory_space<vmem>>, vector<1x16xf32>,
      %get3A_563 = arith.index_cast %scan3A_516 : i32 to index
      %get3A_564 = arith.constant 64 : index
      %get3A_565 = tpu.vector_load %arg10[%get3A_563, %get3A_564] {strides = array<i32>} : memref<128x128xf32, #tpu.memory_space<vmem>>, vector<1x16xf32>,
      %get3A_566 = vector.shape_cast %get3A_565 : vector<1x16xf32> to vector<16xf32>
      %mul3A_567 = arith.constant 2.500000e-01 : f32
      %mul3A_568 = vector.broadcast %mul3A_567 : f32 to vector<16xf32>
      %mul3A_569 = arith.mulf %get3A_566, %mul3A_568 : vector<16xf32>
      %swap3A_570 = arith.index_cast %scan3A_516 : i32 to index
      %swap3A_571 = arith.constant 64 : index
      %swap3A_572 = tpu.vector_load %arg10[%swap3A_570, %swap3A_571] {strides = array<i32>} : memref<128x128xf32, #tpu.memory_space<vmem>>, vector<1x16xf32>,
      %swap3A_573 = vector.shape_cast %swap3A_572 : vector<1x16xf32> to vector<16xf32>
      %swap3A_574 = vector.shape_cast %mul3A_569 : vector<16xf32> to vector<1x16xf32>
      tpu.vector_store %arg10[%swap3A_570, %swap3A_571], %swap3A_574 {strides = array<i32>} : memref<128x128xf32, #tpu.memory_space<vmem>>, vector<1x16xf32>,
      %get3A_575 = arith.index_cast %scan3A_516 : i32 to index
      %get3A_576 = arith.constant 80 : index
      %get3A_577 = tpu.vector_load %arg10[%get3A_575, %get3A_576] {strides = array<i32>} : memref<128x128xf32, #tpu.memory_space<vmem>>, vector<1x16xf32>,
      %get3A_578 = vector.shape_cast %get3A_577 : vector<1x16xf32> to vector<16xf32>
      %mul3A_579 = arith.constant 2.500000e-01 : f32
      %mul3A_580 = vector.broadcast %mul3A_579 : f32 to vector<16xf32>
      %mul3A_581 = arith.mulf %get3A_578, %mul3A_580 : vector<16xf32>
      %swap3A_582 = arith.index_cast %scan3A_516 : i32 to index
      %swap3A_583 = arith.constant 80 : index
      %swap3A_584 = tpu.vector_load %arg10[%swap3A_582, %swap3A_583] {strides = array<i32>} : memref<128x128xf32, #tpu.memory_space<vmem>>, vector<1x16xf32>,
      %swap3A_585 = vector.shape_cast %swap3A_584 : vector<1x16xf32> to vector<16xf32>
      %swap3A_586 = vector.shape_cast %mul3A_581 : vector<16xf32> to vector<1x16xf32>
      tpu.vector_store %arg10[%swap3A_582, %swap3A_583], %swap3A_586 {strides = array<i32>} : memref<128x128xf32, #tpu.memory_space<vmem>>, vector<1x16xf32>,
      %get3A_587 = arith.index_cast %scan3A_516 : i32 to index
      %get3A_588 = arith.constant 96 : index
      %get3A_589 = tpu.vector_load %arg10[%get3A_587, %get3A_588] {strides = array<i32>} : memref<128x128xf32, #tpu.memory_space<vmem>>, vector<1x16xf32>,
      %get3A_590 = vector.shape_cast %get3A_589 : vector<1x16xf32> to vector<16xf32>
      %mul3A_591 = arith.constant 2.500000e-01 : f32
      %mul3A_592 = vector.broadcast %mul3A_591 : f32 to vector<16xf32>
      %mul3A_593 = arith.mulf %get3A_590, %mul3A_592 : vector<16xf32>
      %swap3A_594 = arith.index_cast %scan3A_516 : i32 to index
      %swap3A_595 = arith.constant 96 : index
      %swap3A_596 = tpu.vector_load %arg10[%swap3A_594, %swap3A_595] {strides = array<i32>} : memref<128x128xf32, #tpu.memory_space<vmem>>, vector<1x16xf32>,
      %swap3A_597 = vector.shape_cast %swap3A_596 : vector<1x16xf32> to vector<16xf32>
      %swap3A_598 = vector.shape_cast %mul3A_593 : vector<16xf32> to vector<1x16xf32>
      tpu.vector_store %arg10[%swap3A_594, %swap3A_595], %swap3A_598 {strides = array<i32>} : memref<128x128xf32, #tpu.memory_space<vmem>>, vector<1x16xf32>,
      %get3A_599 = arith.index_cast %scan3A_516 : i32 to index
      %get3A_600 = arith.constant 112 : index
      %get3A_601 = tpu.vector_load %arg10[%get3A_599, %get3A_600] {strides = array<i32>} : memref<128x128xf32, #tpu.memory_space<vmem>>, vector<1x16xf32>,
      %get3A_602 = vector.shape_cast %get3A_601 : vector<1x16xf32> to vector<16xf32>
      %mul3A_603 = arith.constant 2.500000e-01 : f32
      %mul3A_604 = vector.broadcast %mul3A_603 : f32 to vector<16xf32>
      %mul3A_605 = arith.mulf %get3A_602, %mul3A_604 : vector<16xf32>
      %swap3A_606 = arith.index_cast %scan3A_516 : i32 to index
      %swap3A_607 = arith.constant 112 : index
      %swap3A_608 = tpu.vector_load %arg10[%swap3A_606, %swap3A_607] {strides = array<i32>} : memref<128x128xf32, #tpu.memory_space<vmem>>, vector<1x16xf32>,
      %swap3A_609 = vector.shape_cast %swap3A_608 : vector<1x16xf32> to vector<16xf32>
      %swap3A_610 = vector.shape_cast %mul3A_605 : vector<16xf32> to vector<1x16xf32>
      tpu.vector_store %arg10[%swap3A_606, %swap3A_607], %swap3A_610 {strides = array<i32>} : memref<128x128xf32, #tpu.memory_space<vmem>>, vector<1x16xf32>,
    }
    %scan3A_401 = arith.constant 104 : i32
    %add3A_402 = arith.constant 312 : i32
    %add3A_403 = arith.addi %mul3A_5, %add3A_402 : i32
    %dma_start3A_404 = arith.constant 0 : i32
    %dma_start3A_405 = arith.constant 0 : i32
    %dma_start3A_406 = tpu.memref_slice %arg10[%dma_start3A_404, %dma_start3A_405] : memref<128x128xf32, #tpu.memory_space<vmem>> -> memref<104x128xf32, #tpu.memory_space<vmem>>
    %dma_start3A_407 = tpu.memref_slice %arg4[%add3A_403, %mul3A_0] : memref<10000x256xf32, #tpu.memory_space<hbm>> -> memref<104x128xf32, #tpu.memory_space<hbm>>
    %dma_start3A_408 = tpu.memref_slice %arg4[%add3A_403, %mul3A_0] : memref<10000x256xf32, #tpu.memory_space<hbm>> -> memref<104x128xf32, #tpu.memory_space<hbm>>
    %dma_start3A_409 = arith.constant 0 : i32
    %dma_start3A_410 = arith.constant 0 : i32
    %dma_start3A_411 = tpu.memref_slice %arg10[%dma_start3A_409, %dma_start3A_410] : memref<128x128xf32, #tpu.memory_space<vmem>> -> memref<104x128xf32, #tpu.memory_space<vmem>>
    tpu.enqueue_dma source(%dma_start3A_411 : memref<104x128xf32, #tpu.memory_space<vmem>>) target(%dma_start3A_408 : memref<104x128xf32, #tpu.memory_space<hbm>>) target_semaphore(%arg17 : memref<!tpu.dma_semaphore, #tpu.memory_space<semaphore_mem>>)
    %add3A_412 = arith.constant 416 : i32
    %add3A_413 = arith.addi %mul3A_5, %add3A_412 : i32
    %dma_wait3A_414 = arith.constant 0 : i32
    %dma_wait3A_415 = arith.constant 0 : i32
    %dma_wait3A_416 = tpu.memref_slice %arg9[%dma_wait3A_414, %dma_wait3A_415] : memref<128x128xf32, #tpu.memory_space<vmem>> -> memref<104x128xf32, #tpu.memory_space<vmem>>
    %dma_wait3A_417 = arith.constant 0 : i32
    %dma_wait3A_418 = tpu.memref_slice %arg5[%add3A_413, %dma_wait3A_417] : memref<10000x128xf32, #tpu.memory_space<vmem_shared>> -> memref<104x128xf32, #tpu.memory_space<vmem_shared>>
    %dma_wait3A_419 = arith.constant 0 : i32
    %dma_wait3A_420 = arith.constant 0 : i32
    %dma_wait3A_421 = tpu.memref_slice %arg9[%dma_wait3A_419, %dma_wait3A_420] : memref<128x128xf32, #tpu.memory_space<vmem>> -> memref<104x128xf32, #tpu.memory_space<vmem>>
    %dma_wait3A_422 = arith.constant 0 : i32
    %dma_wait3A_423 = tpu.memref_slice %arg5[%add3A_413, %dma_wait3A_422] : memref<10000x128xf32, #tpu.memory_space<vmem_shared>> -> memref<104x128xf32, #tpu.memory_space<vmem_shared>>
    tpu.wait_dma2 semaphore(%arg12 : memref<!tpu.dma_semaphore, #tpu.memory_space<semaphore_mem>>) src(%dma_wait3A_423 : memref<104x128xf32, #tpu.memory_space<vmem_shared>>) dst(%dma_wait3A_421 : memref<104x128xf32, #tpu.memory_space<vmem>>)
    %add3A_424 = arith.constant 312 : i32
    %add3A_425 = arith.addi %mul3A_5, %add3A_424 : i32
    %dma_wait3A_426 = arith.constant 0 : i32
    %dma_wait3A_427 = arith.constant 0 : i32
    %dma_wait3A_428 = tpu.memref_slice %arg10[%dma_wait3A_426, %dma_wait3A_427] : memref<128x128xf32, #tpu.memory_space<vmem>> -> memref<104x128xf32, #tpu.memory_space<vmem>>
    %dma_wait3A_429 = tpu.memref_slice %arg4[%add3A_425, %mul3A_0] : memref<10000x256xf32, #tpu.memory_space<hbm>> -> memref<104x128xf32, #tpu.memory_space<hbm>>
    %dma_wait3A_430 = tpu.memref_slice %arg4[%add3A_425, %mul3A_0] : memref<10000x256xf32, #tpu.memory_space<hbm>> -> memref<104x128xf32, #tpu.memory_space<hbm>>
    %dma_wait3A_431 = arith.constant 0 : i32
    %dma_wait3A_432 = arith.constant 0 : i32
    %dma_wait3A_433 = tpu.memref_slice %arg10[%dma_wait3A_431, %dma_wait3A_432] : memref<128x128xf32, #tpu.memory_space<vmem>> -> memref<104x128xf32, #tpu.memory_space<vmem>>
    tpu.wait_dma2 semaphore(%arg17 : memref<!tpu.dma_semaphore, #tpu.memory_space<semaphore_mem>>) src(%dma_wait3A_433 : memref<104x128xf32, #tpu.memory_space<vmem>>) dst(%dma_wait3A_430 : memref<104x128xf32, #tpu.memory_space<hbm>>)
    %add3A_434 = arith.constant 520 : i32
    %add3A_435 = arith.addi %mul3A_5, %add3A_434 : i32
    %dma_start3A_436 = arith.constant 0 : i32
    %dma_start3A_437 = arith.constant 0 : i32
    %dma_start3A_438 = tpu.memref_slice %arg10[%dma_start3A_436, %dma_start3A_437] : memref<128x128xf32, #tpu.memory_space<vmem>> -> memref<104x128xf32, #tpu.memory_space<vmem>>
    %dma_start3A_439 = arith.constant 0 : i32
    %dma_start3A_440 = tpu.memref_slice %arg5[%add3A_435, %dma_start3A_439] : memref<10000x128xf32, #tpu.memory_space<vmem_shared>> -> memref<104x128xf32, #tpu.memory_space<vmem_shared>>
    %dma_start3A_441 = arith.constant 0 : i32
    %dma_start3A_442 = arith.constant 0 : i32
    %dma_start3A_443 = tpu.memref_slice %arg10[%dma_start3A_441, %dma_start3A_442] : memref<128x128xf32, #tpu.memory_space<vmem>> -> memref<104x128xf32, #tpu.memory_space<vmem>>
    %dma_start3A_444 = arith.constant 0 : i32
    %dma_start3A_445 = tpu.memref_slice %arg5[%add3A_435, %dma_start3A_444] : memref<10000x128xf32, #tpu.memory_space<vmem_shared>> -> memref<104x128xf32, #tpu.memory_space<vmem_shared>>
    tpu.enqueue_dma source(%dma_start3A_445 : memref<104x128xf32, #tpu.memory_space<vmem_shared>>) target(%dma_start3A_443 : memref<104x128xf32, #tpu.memory_space<vmem>>) target_semaphore(%arg13 : memref<!tpu.dma_semaphore, #tpu.memory_space<semaphore_mem>>)
    %scan3A_446 = arith.constant 0 : i32
    %scan3A_447 = arith.constant 0 : i32
    %scan3A_448 = arith.constant 104 : i32
    %scan3A_449 = arith.addi %scan3A_447, %scan3A_448 : i32
    %scan3A_450 = arith.constant 1 : i32
    scf.for %scan3A_516 = %scan3A_447 to %scan3A_449 step %scan3A_450  : i32 {
      %get3A = arith.index_cast %scan3A_516 : i32 to index
      %get3A_517 = arith.constant 0 : index
      %get3A_518 = tpu.vector_load %arg9[%get3A, %get3A_517] {strides = array<i32>} : memref<128x128xf32, #tpu.memory_space<vmem>>, vector<1x16xf32>,
      %get3A_519 = vector.shape_cast %get3A_518 : vector<1x16xf32> to vector<16xf32>
      %mul3A_520 = arith.constant 2.500000e-01 : f32
      %mul3A_521 = vector.broadcast %mul3A_520 : f32 to vector<16xf32>
      %mul3A_522 = arith.mulf %get3A_519, %mul3A_521 : vector<16xf32>
      %swap3A = arith.index_cast %scan3A_516 : i32 to index
      %swap3A_523 = arith.constant 0 : index
      %swap3A_524 = tpu.vector_load %arg9[%swap3A, %swap3A_523] {strides = array<i32>} : memref<128x128xf32, #tpu.memory_space<vmem>>, vector<1x16xf32>,
      %swap3A_525 = vector.shape_cast %swap3A_524 : vector<1x16xf32> to vector<16xf32>
      %swap3A_526 = vector.shape_cast %mul3A_522 : vector<16xf32> to vector<1x16xf32>
      tpu.vector_store %arg9[%swap3A, %swap3A_523], %swap3A_526 {strides = array<i32>} : memref<128x128xf32, #tpu.memory_space<vmem>>, vector<1x16xf32>,
      %get3A_527 = arith.index_cast %scan3A_516 : i32 to index
      %get3A_528 = arith.constant 16 : index
      %get3A_529 = tpu.vector_load %arg9[%get3A_527, %get3A_528] {strides = array<i32>} : memref<128x128xf32, #tpu.memory_space<vmem>>, vector<1x16xf32>,
      %get3A_530 = vector.shape_cast %get3A_529 : vector<1x16xf32> to vector<16xf32>
      %mul3A_531 = arith.constant 2.500000e-01 : f32
      %mul3A_532 = vector.broadcast %mul3A_531 : f32 to vector<16xf32>
      %mul3A_533 = arith.mulf %get3A_530, %mul3A_532 : vector<16xf32>
      %swap3A_534 = arith.index_cast %scan3A_516 : i32 to index
      %swap3A_535 = arith.constant 16 : index
      %swap3A_536 = tpu.vector_load %arg9[%swap3A_534, %swap3A_535] {strides = array<i32>} : memref<128x128xf32, #tpu.memory_space<vmem>>, vector<1x16xf32>,
      %swap3A_537 = vector.shape_cast %swap3A_536 : vector<1x16xf32> to vector<16xf32>
      %swap3A_538 = vector.shape_cast %mul3A_533 : vector<16xf32> to vector<1x16xf32>
      tpu.vector_store %arg9[%swap3A_534, %swap3A_535], %swap3A_538 {strides = array<i32>} : memref<128x128xf32, #tpu.memory_space<vmem>>, vector<1x16xf32>,
      %get3A_539 = arith.index_cast %scan3A_516 : i32 to index
      %get3A_540 = arith.constant 32 : index
      %get3A_541 = tpu.vector_load %arg9[%get3A_539, %get3A_540] {strides = array<i32>} : memref<128x128xf32, #tpu.memory_space<vmem>>, vector<1x16xf32>,
      %get3A_542 = vector.shape_cast %get3A_541 : vector<1x16xf32> to vector<16xf32>
      %mul3A_543 = arith.constant 2.500000e-01 : f32
      %mul3A_544 = vector.broadcast %mul3A_543 : f32 to vector<16xf32>
      %mul3A_545 = arith.mulf %get3A_542, %mul3A_544 : vector<16xf32>
      %swap3A_546 = arith.index_cast %scan3A_516 : i32 to index
      %swap3A_547 = arith.constant 32 : index
      %swap3A_548 = tpu.vector_load %arg9[%swap3A_546, %swap3A_547] {strides = array<i32>} : memref<128x128xf32, #tpu.memory_space<vmem>>, vector<1x16xf32>,
      %swap3A_549 = vector.shape_cast %swap3A_548 : vector<1x16xf32> to vector<16xf32>
      %swap3A_550 = vector.shape_cast %mul3A_545 : vector<16xf32> to vector<1x16xf32>
      tpu.vector_store %arg9[%swap3A_546, %swap3A_547], %swap3A_550 {strides = array<i32>} : memref<128x128xf32, #tpu.memory_space<vmem>>, vector<1x16xf32>,
      %get3A_551 = arith.index_cast %scan3A_516 : i32 to index
      %get3A_552 = arith.constant 48 : index
      %get3A_553 = tpu.vector_load %arg9[%get3A_551, %get3A_552] {strides = array<i32>} : memref<128x128xf32, #tpu.memory_space<vmem>>, vector<1x16xf32>,
      %get3A_554 = vector.shape_cast %get3A_553 : vector<1x16xf32> to vector<16xf32>
      %mul3A_555 = arith.constant 2.500000e-01 : f32
      %mul3A_556 = vector.broadcast %mul3A_555 : f32 to vector<16xf32>
      %mul3A_557 = arith.mulf %get3A_554, %mul3A_556 : vector<16xf32>
      %swap3A_558 = arith.index_cast %scan3A_516 : i32 to index
      %swap3A_559 = arith.constant 48 : index
      %swap3A_560 = tpu.vector_load %arg9[%swap3A_558, %swap3A_559] {strides = array<i32>} : memref<128x128xf32, #tpu.memory_space<vmem>>, vector<1x16xf32>,
      %swap3A_561 = vector.shape_cast %swap3A_560 : vector<1x16xf32> to vector<16xf32>
      %swap3A_562 = vector.shape_cast %mul3A_557 : vector<16xf32> to vector<1x16xf32>
      tpu.vector_store %arg9[%swap3A_558, %swap3A_559], %swap3A_562 {strides = array<i32>} : memref<128x128xf32, #tpu.memory_space<vmem>>, vector<1x16xf32>,
      %get3A_563 = arith.index_cast %scan3A_516 : i32 to index
      %get3A_564 = arith.constant 64 : index
      %get3A_565 = tpu.vector_load %arg9[%get3A_563, %get3A_564] {strides = array<i32>} : memref<128x128xf32, #tpu.memory_space<vmem>>, vector<1x16xf32>,
      %get3A_566 = vector.shape_cast %get3A_565 : vector<1x16xf32> to vector<16xf32>
      %mul3A_567 = arith.constant 2.500000e-01 : f32
      %mul3A_568 = vector.broadcast %mul3A_567 : f32 to vector<16xf32>
      %mul3A_569 = arith.mulf %get3A_566, %mul3A_568 : vector<16xf32>
      %swap3A_570 = arith.index_cast %scan3A_516 : i32 to index
      %swap3A_571 = arith.constant 64 : index
      %swap3A_572 = tpu.vector_load %arg9[%swap3A_570, %swap3A_571] {strides = array<i32>} : memref<128x128xf32, #tpu.memory_space<vmem>>, vector<1x16xf32>,
      %swap3A_573 = vector.shape_cast %swap3A_572 : vector<1x16xf32> to vector<16xf32>
      %swap3A_574 = vector.shape_cast %mul3A_569 : vector<16xf32> to vector<1x16xf32>
      tpu.vector_store %arg9[%swap3A_570, %swap3A_571], %swap3A_574 {strides = array<i32>} : memref<128x128xf32, #tpu.memory_space<vmem>>, vector<1x16xf32>,
      %get3A_575 = arith.index_cast %scan3A_516 : i32 to index
      %get3A_576 = arith.constant 80 : index
      %get3A_577 = tpu.vector_load %arg9[%get3A_575, %get3A_576] {strides = array<i32>} : memref<128x128xf32, #tpu.memory_space<vmem>>, vector<1x16xf32>,
      %get3A_578 = vector.shape_cast %get3A_577 : vector<1x16xf32> to vector<16xf32>
      %mul3A_579 = arith.constant 2.500000e-01 : f32
      %mul3A_580 = vector.broadcast %mul3A_579 : f32 to vector<16xf32>
      %mul3A_581 = arith.mulf %get3A_578, %mul3A_580 : vector<16xf32>
      %swap3A_582 = arith.index_cast %scan3A_516 : i32 to index
      %swap3A_583 = arith.constant 80 : index
      %swap3A_584 = tpu.vector_load %arg9[%swap3A_582, %swap3A_583] {strides = array<i32>} : memref<128x128xf32, #tpu.memory_space<vmem>>, vector<1x16xf32>,
      %swap3A_585 = vector.shape_cast %swap3A_584 : vector<1x16xf32> to vector<16xf32>
      %swap3A_586 = vector.shape_cast %mul3A_581 : vector<16xf32> to vector<1x16xf32>
      tpu.vector_store %arg9[%swap3A_582, %swap3A_583], %swap3A_586 {strides = array<i32>} : memref<128x128xf32, #tpu.memory_space<vmem>>, vector<1x16xf32>,
      %get3A_587 = arith.index_cast %scan3A_516 : i32 to index
      %get3A_588 = arith.constant 96 : index
      %get3A_589 = tpu.vector_load %arg9[%get3A_587, %get3A_588] {strides = array<i32>} : memref<128x128xf32, #tpu.memory_space<vmem>>, vector<1x16xf32>,
      %get3A_590 = vector.shape_cast %get3A_589 : vector<1x16xf32> to vector<16xf32>
      %mul3A_591 = arith.constant 2.500000e-01 : f32
      %mul3A_592 = vector.broadcast %mul3A_591 : f32 to vector<16xf32>
      %mul3A_593 = arith.mulf %get3A_590, %mul3A_592 : vector<16xf32>
      %swap3A_594 = arith.index_cast %scan3A_516 : i32 to index
      %swap3A_595 = arith.constant 96 : index
      %swap3A_596 = tpu.vector_load %arg9[%swap3A_594, %swap3A_595] {strides = array<i32>} : memref<128x128xf32, #tpu.memory_space<vmem>>, vector<1x16xf32>,
      %swap3A_597 = vector.shape_cast %swap3A_596 : vector<1x16xf32> to vector<16xf32>
      %swap3A_598 = vector.shape_cast %mul3A_593 : vector<16xf32> to vector<1x16xf32>
      tpu.vector_store %arg9[%swap3A_594, %swap3A_595], %swap3A_598 {strides = array<i32>} : memref<128x128xf32, #tpu.memory_space<vmem>>, vector<1x16xf32>,
      %get3A_599 = arith.index_cast %scan3A_516 : i32 to index
      %get3A_600 = arith.constant 112 : index
      %get3A_601 = tpu.vector_load %arg9[%get3A_599, %get3A_600] {strides = array<i32>} : memref<128x128xf32, #tpu.memory_space<vmem>>, vector<1x16xf32>,
      %get3A_602 = vector.shape_cast %get3A_601 : vector<1x16xf32> to vector<16xf32>
      %mul3A_603 = arith.constant 2.500000e-01 : f32
      %mul3A_604 = vector.broadcast %mul3A_603 : f32 to vector<16xf32>
      %mul3A_605 = arith.mulf %get3A_602, %mul3A_604 : vector<16xf32>
      %swap3A_606 = arith.index_cast %scan3A_516 : i32 to index
      %swap3A_607 = arith.constant 112 : index
      %swap3A_608 = tpu.vector_load %arg9[%swap3A_606, %swap3A_607] {strides = array<i32>} : memref<128x128xf32, #tpu.memory_space<vmem>>, vector<1x16xf32>,
      %swap3A_609 = vector.shape_cast %swap3A_608 : vector<1x16xf32> to vector<16xf32>
      %swap3A_610 = vector.shape_cast %mul3A_605 : vector<16xf32> to vector<1x16xf32>
      tpu.vector_store %arg9[%swap3A_606, %swap3A_607], %swap3A_610 {strides = array<i32>} : memref<128x128xf32, #tpu.memory_space<vmem>>, vector<1x16xf32>,
    }
    %scan3A_451 = arith.constant 104 : i32
    %add3A_452 = arith.constant 416 : i32
    %add3A_453 = arith.addi %mul3A_5, %add3A_452 : i32
    %dma_start3A_454 = arith.constant 0 : i32
    %dma_start3A_455 = arith.constant 0 : i32
    %dma_start3A_456 = tpu.memref_slice %arg9[%dma_start3A_454, %dma_start3A_455] : memref<128x128xf32, #tpu.memory_space<vmem>> -> memref<104x128xf32, #tpu.memory_space<vmem>>
    %dma_start3A_457 = tpu.memref_slice %arg4[%add3A_453, %mul3A_0] : memref<10000x256xf32, #tpu.memory_space<hbm>> -> memref<104x128xf32, #tpu.memory_space<hbm>>
    %dma_start3A_458 = tpu.memref_slice %arg4[%add3A_453, %mul3A_0] : memref<10000x256xf32, #tpu.memory_space<hbm>> -> memref<104x128xf32, #tpu.memory_space<hbm>>
    %dma_start3A_459 = arith.constant 0 : i32
    %dma_start3A_460 = arith.constant 0 : i32
    %dma_start3A_461 = tpu.memref_slice %arg9[%dma_start3A_459, %dma_start3A_460] : memref<128x128xf32, #tpu.memory_space<vmem>> -> memref<104x128xf32, #tpu.memory_space<vmem>>
    tpu.enqueue_dma source(%dma_start3A_461 : memref<104x128xf32, #tpu.memory_space<vmem>>) target(%dma_start3A_458 : memref<104x128xf32, #tpu.memory_space<hbm>>) target_semaphore(%arg16 : memref<!tpu.dma_semaphore, #tpu.memory_space<semaphore_mem>>)
    %add3A_462 = arith.constant 520 : i32
    %add3A_463 = arith.addi %mul3A_5, %add3A_462 : i32
    %dma_wait3A_464 = arith.constant 0 : i32
    %dma_wait3A_465 = arith.constant 0 : i32
    %dma_wait3A_466 = tpu.memref_slice %arg10[%dma_wait3A_464, %dma_wait3A_465] : memref<128x128xf32, #tpu.memory_space<vmem>> -> memref<104x128xf32, #tpu.memory_space<vmem>>
    %dma_wait3A_467 = arith.constant 0 : i32
    %dma_wait3A_468 = tpu.memref_slice %arg5[%add3A_463, %dma_wait3A_467] : memref<10000x128xf32, #tpu.memory_space<vmem_shared>> -> memref<104x128xf32, #tpu.memory_space<vmem_shared>>
    %dma_wait3A_469 = arith.constant 0 : i32
    %dma_wait3A_470 = arith.constant 0 : i32
    %dma_wait3A_471 = tpu.memref_slice %arg10[%dma_wait3A_469, %dma_wait3A_470] : memref<128x128xf32, #tpu.memory_space<vmem>> -> memref<104x128xf32, #tpu.memory_space<vmem>>
    %dma_wait3A_472 = arith.constant 0 : i32
    %dma_wait3A_473 = tpu.memref_slice %arg5[%add3A_463, %dma_wait3A_472] : memref<10000x128xf32, #tpu.memory_space<vmem_shared>> -> memref<104x128xf32, #tpu.memory_space<vmem_shared>>
    tpu.wait_dma2 semaphore(%arg13 : memref<!tpu.dma_semaphore, #tpu.memory_space<semaphore_mem>>) src(%dma_wait3A_473 : memref<104x128xf32, #tpu.memory_space<vmem_shared>>) dst(%dma_wait3A_471 : memref<104x128xf32, #tpu.memory_space<vmem>>)
    %add3A_474 = arith.constant 416 : i32
    %add3A_475 = arith.addi %mul3A_5, %add3A_474 : i32
    %dma_wait3A_476 = arith.constant 0 : i32
    %dma_wait3A_477 = arith.constant 0 : i32
    %dma_wait3A_478 = tpu.memref_slice %arg9[%dma_wait3A_476, %dma_wait3A_477] : memref<128x128xf32, #tpu.memory_space<vmem>> -> memref<104x128xf32, #tpu.memory_space<vmem>>
    %dma_wait3A_479 = tpu.memref_slice %arg4[%add3A_475, %mul3A_0] : memref<10000x256xf32, #tpu.memory_space<hbm>> -> memref<104x128xf32, #tpu.memory_space<hbm>>
    %dma_wait3A_480 = tpu.memref_slice %arg4[%add3A_475, %mul3A_0] : memref<10000x256xf32, #tpu.memory_space<hbm>> -> memref<104x128xf32, #tpu.memory_space<hbm>>
    %dma_wait3A_481 = arith.constant 0 : i32
    %dma_wait3A_482 = arith.constant 0 : i32
    %dma_wait3A_483 = tpu.memref_slice %arg9[%dma_wait3A_481, %dma_wait3A_482] : memref<128x128xf32, #tpu.memory_space<vmem>> -> memref<104x128xf32, #tpu.memory_space<vmem>>
    tpu.wait_dma2 semaphore(%arg16 : memref<!tpu.dma_semaphore, #tpu.memory_space<semaphore_mem>>) src(%dma_wait3A_483 : memref<104x128xf32, #tpu.memory_space<vmem>>) dst(%dma_wait3A_480 : memref<104x128xf32, #tpu.memory_space<hbm>>)
    %convert_element_type3A_484 = arith.extui %lt3A_6 : i1 to i32
    %cond3A_485 = arith.constant 0 : i32
    %cond3A_486 = arith.cmpi ne, %convert_element_type3A_484, %cond3A_485 : i32
    scf.if %cond3A_486 {
      %dma_start3A_516 = arith.constant 0 : i32
      %dma_start3A_517 = arith.constant 0 : i32
      %dma_start3A_518 = tpu.memref_slice %arg9[%dma_start3A_516, %dma_start3A_517] : memref<128x128xf32, #tpu.memory_space<vmem>> -> memref<8x128xf32, #tpu.memory_space<vmem>>
      %dma_start3A_519 = arith.constant 0 : i32
      %dma_start3A_520 = tpu.memref_slice %arg5[%add3A_8, %dma_start3A_519] : memref<10000x128xf32, #tpu.memory_space<vmem_shared>> -> memref<8x128xf32, #tpu.memory_space<vmem_shared>>
      %dma_start3A_521 = arith.constant 0 : i32
      %dma_start3A_522 = arith.constant 0 : i32
      %dma_start3A_523 = tpu.memref_slice %arg9[%dma_start3A_521, %dma_start3A_522] : memref<128x128xf32, #tpu.memory_space<vmem>> -> memref<8x128xf32, #tpu.memory_space<vmem>>
      %dma_start3A_524 = arith.constant 0 : i32
      %dma_start3A_525 = tpu.memref_slice %arg5[%add3A_8, %dma_start3A_524] : memref<10000x128xf32, #tpu.memory_space<vmem_shared>> -> memref<8x128xf32, #tpu.memory_space<vmem_shared>>
      tpu.enqueue_dma source(%dma_start3A_525 : memref<8x128xf32, #tpu.memory_space<vmem_shared>>) target(%dma_start3A_523 : memref<8x128xf32, #tpu.memory_space<vmem>>) target_semaphore(%arg12 : memref<!tpu.dma_semaphore, #tpu.memory_space<semaphore_mem>>)
    } else {
    }
    %scan3A_487 = arith.constant 0 : i32
    %scan3A_488 = arith.constant 0 : i32
    %scan3A_489 = arith.constant 104 : i32
    %scan3A_490 = arith.addi %scan3A_488, %scan3A_489 : i32
    %scan3A_491 = arith.constant 1 : i32
    scf.for %scan3A_516 = %scan3A_488 to %scan3A_490 step %scan3A_491  : i32 {
      %get3A = arith.index_cast %scan3A_516 : i32 to index
      %get3A_517 = arith.constant 0 : index
      %get3A_518 = tpu.vector_load %arg10[%get3A, %get3A_517] {strides = array<i32>} : memref<128x128xf32, #tpu.memory_space<vmem>>, vector<1x16xf32>,
      %get3A_519 = vector.shape_cast %get3A_518 : vector<1x16xf32> to vector<16xf32>
      %mul3A_520 = arith.constant 2.500000e-01 : f32
      %mul3A_521 = vector.broadcast %mul3A_520 : f32 to vector<16xf32>
      %mul3A_522 = arith.mulf %get3A_519, %mul3A_521 : vector<16xf32>
      %swap3A = arith.index_cast %scan3A_516 : i32 to index
      %swap3A_523 = arith.constant 0 : index
      %swap3A_524 = tpu.vector_load %arg10[%swap3A, %swap3A_523] {strides = array<i32>} : memref<128x128xf32, #tpu.memory_space<vmem>>, vector<1x16xf32>,
      %swap3A_525 = vector.shape_cast %swap3A_524 : vector<1x16xf32> to vector<16xf32>
      %swap3A_526 = vector.shape_cast %mul3A_522 : vector<16xf32> to vector<1x16xf32>
      tpu.vector_store %arg10[%swap3A, %swap3A_523], %swap3A_526 {strides = array<i32>} : memref<128x128xf32, #tpu.memory_space<vmem>>, vector<1x16xf32>,
      %get3A_527 = arith.index_cast %scan3A_516 : i32 to index
      %get3A_528 = arith.constant 16 : index
      %get3A_529 = tpu.vector_load %arg10[%get3A_527, %get3A_528] {strides = array<i32>} : memref<128x128xf32, #tpu.memory_space<vmem>>, vector<1x16xf32>,
      %get3A_530 = vector.shape_cast %get3A_529 : vector<1x16xf32> to vector<16xf32>
      %mul3A_531 = arith.constant 2.500000e-01 : f32
      %mul3A_532 = vector.broadcast %mul3A_531 : f32 to vector<16xf32>
      %mul3A_533 = arith.mulf %get3A_530, %mul3A_532 : vector<16xf32>
      %swap3A_534 = arith.index_cast %scan3A_516 : i32 to index
      %swap3A_535 = arith.constant 16 : index
      %swap3A_536 = tpu.vector_load %arg10[%swap3A_534, %swap3A_535] {strides = array<i32>} : memref<128x128xf32, #tpu.memory_space<vmem>>, vector<1x16xf32>,
      %swap3A_537 = vector.shape_cast %swap3A_536 : vector<1x16xf32> to vector<16xf32>
      %swap3A_538 = vector.shape_cast %mul3A_533 : vector<16xf32> to vector<1x16xf32>
      tpu.vector_store %arg10[%swap3A_534, %swap3A_535], %swap3A_538 {strides = array<i32>} : memref<128x128xf32, #tpu.memory_space<vmem>>, vector<1x16xf32>,
      %get3A_539 = arith.index_cast %scan3A_516 : i32 to index
      %get3A_540 = arith.constant 32 : index
      %get3A_541 = tpu.vector_load %arg10[%get3A_539, %get3A_540] {strides = array<i32>} : memref<128x128xf32, #tpu.memory_space<vmem>>, vector<1x16xf32>,
      %get3A_542 = vector.shape_cast %get3A_541 : vector<1x16xf32> to vector<16xf32>
      %mul3A_543 = arith.constant 2.500000e-01 : f32
      %mul3A_544 = vector.broadcast %mul3A_543 : f32 to vector<16xf32>
      %mul3A_545 = arith.mulf %get3A_542, %mul3A_544 : vector<16xf32>
      %swap3A_546 = arith.index_cast %scan3A_516 : i32 to index
      %swap3A_547 = arith.constant 32 : index
      %swap3A_548 = tpu.vector_load %arg10[%swap3A_546, %swap3A_547] {strides = array<i32>} : memref<128x128xf32, #tpu.memory_space<vmem>>, vector<1x16xf32>,
      %swap3A_549 = vector.shape_cast %swap3A_548 : vector<1x16xf32> to vector<16xf32>
      %swap3A_550 = vector.shape_cast %mul3A_545 : vector<16xf32> to vector<1x16xf32>
      tpu.vector_store %arg10[%swap3A_546, %swap3A_547], %swap3A_550 {strides = array<i32>} : memref<128x128xf32, #tpu.memory_space<vmem>>, vector<1x16xf32>,
      %get3A_551 = arith.index_cast %scan3A_516 : i32 to index
      %get3A_552 = arith.constant 48 : index
      %get3A_553 = tpu.vector_load %arg10[%get3A_551, %get3A_552] {strides = array<i32>} : memref<128x128xf32, #tpu.memory_space<vmem>>, vector<1x16xf32>,
      %get3A_554 = vector.shape_cast %get3A_553 : vector<1x16xf32> to vector<16xf32>
      %mul3A_555 = arith.constant 2.500000e-01 : f32
      %mul3A_556 = vector.broadcast %mul3A_555 : f32 to vector<16xf32>
      %mul3A_557 = arith.mulf %get3A_554, %mul3A_556 : vector<16xf32>
      %swap3A_558 = arith.index_cast %scan3A_516 : i32 to index
      %swap3A_559 = arith.constant 48 : index
      %swap3A_560 = tpu.vector_load %arg10[%swap3A_558, %swap3A_559] {strides = array<i32>} : memref<128x128xf32, #tpu.memory_space<vmem>>, vector<1x16xf32>,
      %swap3A_561 = vector.shape_cast %swap3A_560 : vector<1x16xf32> to vector<16xf32>
      %swap3A_562 = vector.shape_cast %mul3A_557 : vector<16xf32> to vector<1x16xf32>
      tpu.vector_store %arg10[%swap3A_558, %swap3A_559], %swap3A_562 {strides = array<i32>} : memref<128x128xf32, #tpu.memory_space<vmem>>, vector<1x16xf32>,
      %get3A_563 = arith.index_cast %scan3A_516 : i32 to index
      %get3A_564 = arith.constant 64 : index
      %get3A_565 = tpu.vector_load %arg10[%get3A_563, %get3A_564] {strides = array<i32>} : memref<128x128xf32, #tpu.memory_space<vmem>>, vector<1x16xf32>,
      %get3A_566 = vector.shape_cast %get3A_565 : vector<1x16xf32> to vector<16xf32>
      %mul3A_567 = arith.constant 2.500000e-01 : f32
      %mul3A_568 = vector.broadcast %mul3A_567 : f32 to vector<16xf32>
      %mul3A_569 = arith.mulf %get3A_566, %mul3A_568 : vector<16xf32>
      %swap3A_570 = arith.index_cast %scan3A_516 : i32 to index
      %swap3A_571 = arith.constant 64 : index
      %swap3A_572 = tpu.vector_load %arg10[%swap3A_570, %swap3A_571] {strides = array<i32>} : memref<128x128xf32, #tpu.memory_space<vmem>>, vector<1x16xf32>,
      %swap3A_573 = vector.shape_cast %swap3A_572 : vector<1x16xf32> to vector<16xf32>
      %swap3A_574 = vector.shape_cast %mul3A_569 : vector<16xf32> to vector<1x16xf32>
      tpu.vector_store %arg10[%swap3A_570, %swap3A_571], %swap3A_574 {strides = array<i32>} : memref<128x128xf32, #tpu.memory_space<vmem>>, vector<1x16xf32>,
      %get3A_575 = arith.index_cast %scan3A_516 : i32 to index
      %get3A_576 = arith.constant 80 : index
      %get3A_577 = tpu.vector_load %arg10[%get3A_575, %get3A_576] {strides = array<i32>} : memref<128x128xf32, #tpu.memory_space<vmem>>, vector<1x16xf32>,
      %get3A_578 = vector.shape_cast %get3A_577 : vector<1x16xf32> to vector<16xf32>
      %mul3A_579 = arith.constant 2.500000e-01 : f32
      %mul3A_580 = vector.broadcast %mul3A_579 : f32 to vector<16xf32>
      %mul3A_581 = arith.mulf %get3A_578, %mul3A_580 : vector<16xf32>
      %swap3A_582 = arith.index_cast %scan3A_516 : i32 to index
      %swap3A_583 = arith.constant 80 : index
      %swap3A_584 = tpu.vector_load %arg10[%swap3A_582, %swap3A_583] {strides = array<i32>} : memref<128x128xf32, #tpu.memory_space<vmem>>, vector<1x16xf32>,
      %swap3A_585 = vector.shape_cast %swap3A_584 : vector<1x16xf32> to vector<16xf32>
      %swap3A_586 = vector.shape_cast %mul3A_581 : vector<16xf32> to vector<1x16xf32>
      tpu.vector_store %arg10[%swap3A_582, %swap3A_583], %swap3A_586 {strides = array<i32>} : memref<128x128xf32, #tpu.memory_space<vmem>>, vector<1x16xf32>,
      %get3A_587 = arith.index_cast %scan3A_516 : i32 to index
      %get3A_588 = arith.constant 96 : index
      %get3A_589 = tpu.vector_load %arg10[%get3A_587, %get3A_588] {strides = array<i32>} : memref<128x128xf32, #tpu.memory_space<vmem>>, vector<1x16xf32>,
      %get3A_590 = vector.shape_cast %get3A_589 : vector<1x16xf32> to vector<16xf32>
      %mul3A_591 = arith.constant 2.500000e-01 : f32
      %mul3A_592 = vector.broadcast %mul3A_591 : f32 to vector<16xf32>
      %mul3A_593 = arith.mulf %get3A_590, %mul3A_592 : vector<16xf32>
      %swap3A_594 = arith.index_cast %scan3A_516 : i32 to index
      %swap3A_595 = arith.constant 96 : index
      %swap3A_596 = tpu.vector_load %arg10[%swap3A_594, %swap3A_595] {strides = array<i32>} : memref<128x128xf32, #tpu.memory_space<vmem>>, vector<1x16xf32>,
      %swap3A_597 = vector.shape_cast %swap3A_596 : vector<1x16xf32> to vector<16xf32>
      %swap3A_598 = vector.shape_cast %mul3A_593 : vector<16xf32> to vector<1x16xf32>
      tpu.vector_store %arg10[%swap3A_594, %swap3A_595], %swap3A_598 {strides = array<i32>} : memref<128x128xf32, #tpu.memory_space<vmem>>, vector<1x16xf32>,
      %get3A_599 = arith.index_cast %scan3A_516 : i32 to index
      %get3A_600 = arith.constant 112 : index
      %get3A_601 = tpu.vector_load %arg10[%get3A_599, %get3A_600] {strides = array<i32>} : memref<128x128xf32, #tpu.memory_space<vmem>>, vector<1x16xf32>,
      %get3A_602 = vector.shape_cast %get3A_601 : vector<1x16xf32> to vector<16xf32>
      %mul3A_603 = arith.constant 2.500000e-01 : f32
      %mul3A_604 = vector.broadcast %mul3A_603 : f32 to vector<16xf32>
      %mul3A_605 = arith.mulf %get3A_602, %mul3A_604 : vector<16xf32>
      %swap3A_606 = arith.index_cast %scan3A_516 : i32 to index
      %swap3A_607 = arith.constant 112 : index
      %swap3A_608 = tpu.vector_load %arg10[%swap3A_606, %swap3A_607] {strides = array<i32>} : memref<128x128xf32, #tpu.memory_space<vmem>>, vector<1x16xf32>,
      %swap3A_609 = vector.shape_cast %swap3A_608 : vector<1x16xf32> to vector<16xf32>
      %swap3A_610 = vector.shape_cast %mul3A_605 : vector<16xf32> to vector<1x16xf32>
      tpu.vector_store %arg10[%swap3A_606, %swap3A_607], %swap3A_610 {strides = array<i32>} : memref<128x128xf32, #tpu.memory_space<vmem>>, vector<1x16xf32>,
    }
    %scan3A_492 = arith.constant 104 : i32
    %add3A_493 = arith.constant 520 : i32
    %add3A_494 = arith.addi %mul3A_5, %add3A_493 : i32
    %dma_start3A_495 = arith.constant 0 : i32
    %dma_start3A_496 = arith.constant 0 : i32
    %dma_start3A_497 = tpu.memref_slice %arg10[%dma_start3A_495, %dma_start3A_496] : memref<128x128xf32, #tpu.memory_space<vmem>> -> memref<104x128xf32, #tpu.memory_space<vmem>>
    %dma_start3A_498 = tpu.memref_slice %arg4[%add3A_494, %mul3A_0] : memref<10000x256xf32, #tpu.memory_space<hbm>> -> memref<104x128xf32, #tpu.memory_space<hbm>>
    %dma_start3A_499 = tpu.memref_slice %arg4[%add3A_494, %mul3A_0] : memref<10000x256xf32, #tpu.memory_space<hbm>> -> memref<104x128xf32, #tpu.memory_space<hbm>>
    %dma_start3A_500 = arith.constant 0 : i32
    %dma_start3A_501 = arith.constant 0 : i32
    %dma_start3A_502 = tpu.memref_slice %arg10[%dma_start3A_500, %dma_start3A_501] : memref<128x128xf32, #tpu.memory_space<vmem>> -> memref<104x128xf32, #tpu.memory_space<vmem>>
    tpu.enqueue_dma source(%dma_start3A_502 : memref<104x128xf32, #tpu.memory_space<vmem>>) target(%dma_start3A_499 : memref<104x128xf32, #tpu.memory_space<hbm>>) target_semaphore(%arg17 : memref<!tpu.dma_semaphore, #tpu.memory_space<semaphore_mem>>)
    %add3A_503 = arith.constant 520 : i32
    %add3A_504 = arith.addi %mul3A_5, %add3A_503 : i32
    %dma_wait3A_505 = arith.constant 0 : i32
    %dma_wait3A_506 = arith.constant 0 : i32
    %dma_wait3A_507 = tpu.memref_slice %arg10[%dma_wait3A_505, %dma_wait3A_506] : memref<128x128xf32, #tpu.memory_space<vmem>> -> memref<104x128xf32, #tpu.memory_space<vmem>>
    %dma_wait3A_508 = tpu.memref_slice %arg4[%add3A_504, %mul3A_0] : memref<10000x256xf32, #tpu.memory_space<hbm>> -> memref<104x128xf32, #tpu.memory_space<hbm>>
    %dma_wait3A_509 = tpu.memref_slice %arg4[%add3A_504, %mul3A_0] : memref<10000x256xf32, #tpu.memory_space<hbm>> -> memref<104x128xf32, #tpu.memory_space<hbm>>
    %dma_wait3A_510 = arith.constant 0 : i32
    %dma_wait3A_511 = arith.constant 0 : i32
    %dma_wait3A_512 = tpu.memref_slice %arg10[%dma_wait3A_510, %dma_wait3A_511] : memref<128x128xf32, #tpu.memory_space<vmem>> -> memref<104x128xf32, #tpu.memory_space<vmem>>
    tpu.wait_dma2 semaphore(%arg17 : memref<!tpu.dma_semaphore, #tpu.memory_space<semaphore_mem>>) src(%dma_wait3A_512 : memref<104x128xf32, #tpu.memory_space<vmem>>) dst(%dma_wait3A_509 : memref<104x128xf32, #tpu.memory_space<hbm>>)
    %convert_element_type3A_513 = arith.extui %lt3A_6 : i1 to i32
    %cond3A_514 = arith.constant 0 : i32
    %cond3A_515 = arith.cmpi ne, %convert_element_type3A_513, %cond3A_514 : i32
    scf.if %cond3A_515 {
      %dma_wait3A_516 = arith.constant 0 : i32
      %dma_wait3A_517 = arith.constant 0 : i32
      %dma_wait3A_518 = tpu.memref_slice %arg9[%dma_wait3A_516, %dma_wait3A_517] : memref<128x128xf32, #tpu.memory_space<vmem>> -> memref<8x128xf32, #tpu.memory_space<vmem>>
      %dma_wait3A_519 = arith.constant 0 : i32
      %dma_wait3A_520 = tpu.memref_slice %arg5[%add3A_8, %dma_wait3A_519] : memref<10000x128xf32, #tpu.memory_space<vmem_shared>> -> memref<8x128xf32, #tpu.memory_space<vmem_shared>>
      %dma_wait3A_521 = arith.constant 0 : i32
      %dma_wait3A_522 = arith.constant 0 : i32
      %dma_wait3A_523 = tpu.memref_slice %arg9[%dma_wait3A_521, %dma_wait3A_522] : memref<128x128xf32, #tpu.memory_space<vmem>> -> memref<8x128xf32, #tpu.memory_space<vmem>>
      %dma_wait3A_524 = arith.constant 0 : i32
      %dma_wait3A_525 = tpu.memref_slice %arg5[%add3A_8, %dma_wait3A_524] : memref<10000x128xf32, #tpu.memory_space<vmem_shared>> -> memref<8x128xf32, #tpu.memory_space<vmem_shared>>
      tpu.wait_dma2 semaphore(%arg12 : memref<!tpu.dma_semaphore, #tpu.memory_space<semaphore_mem>>) src(%dma_wait3A_525 : memref<8x128xf32, #tpu.memory_space<vmem_shared>>) dst(%dma_wait3A_523 : memref<8x128xf32, #tpu.memory_space<vmem>>)
      %scan3A_526 = arith.constant 0 : i32
      %scan3A_527 = arith.constant 0 : i32
      %scan3A_528 = arith.constant 8 : i32
      %scan3A_529 = arith.addi %scan3A_527, %scan3A_528 : i32
      %scan3A_530 = arith.constant 1 : i32
      scf.for %scan3A_532 = %scan3A_527 to %scan3A_529 step %scan3A_530  : i32 {
        %get3A = arith.index_cast %scan3A_532 : i32 to index
        %get3A_533 = arith.constant 0 : index
        %get3A_534 = tpu.vector_load %arg9[%get3A, %get3A_533] {strides = array<i32>} : memref<128x128xf32, #tpu.memory_space<vmem>>, vector<1x16xf32>,
        %get3A_535 = vector.shape_cast %get3A_534 : vector<1x16xf32> to vector<16xf32>
        %mul3A_536 = arith.constant 2.500000e-01 : f32
        %mul3A_537 = vector.broadcast %mul3A_536 : f32 to vector<16xf32>
        %mul3A_538 = arith.mulf %get3A_535, %mul3A_537 : vector<16xf32>
        %swap3A = arith.index_cast %scan3A_532 : i32 to index
        %swap3A_539 = arith.constant 0 : index
        %swap3A_540 = tpu.vector_load %arg9[%swap3A, %swap3A_539] {strides = array<i32>} : memref<128x128xf32, #tpu.memory_space<vmem>>, vector<1x16xf32>,
        %swap3A_541 = vector.shape_cast %swap3A_540 : vector<1x16xf32> to vector<16xf32>
        %swap3A_542 = vector.shape_cast %mul3A_538 : vector<16xf32> to vector<1x16xf32>
        tpu.vector_store %arg9[%swap3A, %swap3A_539], %swap3A_542 {strides = array<i32>} : memref<128x128xf32, #tpu.memory_space<vmem>>, vector<1x16xf32>,
        %get3A_543 = arith.index_cast %scan3A_532 : i32 to index
        %get3A_544 = arith.constant 16 : index
        %get3A_545 = tpu.vector_load %arg9[%get3A_543, %get3A_544] {strides = array<i32>} : memref<128x128xf32, #tpu.memory_space<vmem>>, vector<1x16xf32>,
        %get3A_546 = vector.shape_cast %get3A_545 : vector<1x16xf32> to vector<16xf32>
        %mul3A_547 = arith.constant 2.500000e-01 : f32
        %mul3A_548 = vector.broadcast %mul3A_547 : f32 to vector<16xf32>
        %mul3A_549 = arith.mulf %get3A_546, %mul3A_548 : vector<16xf32>
        %swap3A_550 = arith.index_cast %scan3A_532 : i32 to index
        %swap3A_551 = arith.constant 16 : index
        %swap3A_552 = tpu.vector_load %arg9[%swap3A_550, %swap3A_551] {strides = array<i32>} : memref<128x128xf32, #tpu.memory_space<vmem>>, vector<1x16xf32>,
        %swap3A_553 = vector.shape_cast %swap3A_552 : vector<1x16xf32> to vector<16xf32>
        %swap3A_554 = vector.shape_cast %mul3A_549 : vector<16xf32> to vector<1x16xf32>
        tpu.vector_store %arg9[%swap3A_550, %swap3A_551], %swap3A_554 {strides = array<i32>} : memref<128x128xf32, #tpu.memory_space<vmem>>, vector<1x16xf32>,
        %get3A_555 = arith.index_cast %scan3A_532 : i32 to index
        %get3A_556 = arith.constant 32 : index
        %get3A_557 = tpu.vector_load %arg9[%get3A_555, %get3A_556] {strides = array<i32>} : memref<128x128xf32, #tpu.memory_space<vmem>>, vector<1x16xf32>,
        %get3A_558 = vector.shape_cast %get3A_557 : vector<1x16xf32> to vector<16xf32>
        %mul3A_559 = arith.constant 2.500000e-01 : f32
        %mul3A_560 = vector.broadcast %mul3A_559 : f32 to vector<16xf32>
        %mul3A_561 = arith.mulf %get3A_558, %mul3A_560 : vector<16xf32>
        %swap3A_562 = arith.index_cast %scan3A_532 : i32 to index
        %swap3A_563 = arith.constant 32 : index
        %swap3A_564 = tpu.vector_load %arg9[%swap3A_562, %swap3A_563] {strides = array<i32>} : memref<128x128xf32, #tpu.memory_space<vmem>>, vector<1x16xf32>,
        %swap3A_565 = vector.shape_cast %swap3A_564 : vector<1x16xf32> to vector<16xf32>
        %swap3A_566 = vector.shape_cast %mul3A_561 : vector<16xf32> to vector<1x16xf32>
        tpu.vector_store %arg9[%swap3A_562, %swap3A_563], %swap3A_566 {strides = array<i32>} : memref<128x128xf32, #tpu.memory_space<vmem>>, vector<1x16xf32>,
        %get3A_567 = arith.index_cast %scan3A_532 : i32 to index
        %get3A_568 = arith.constant 48 : index
        %get3A_569 = tpu.vector_load %arg9[%get3A_567, %get3A_568] {strides = array<i32>} : memref<128x128xf32, #tpu.memory_space<vmem>>, vector<1x16xf32>,
        %get3A_570 = vector.shape_cast %get3A_569 : vector<1x16xf32> to vector<16xf32>
        %mul3A_571 = arith.constant 2.500000e-01 : f32
        %mul3A_572 = vector.broadcast %mul3A_571 : f32 to vector<16xf32>
        %mul3A_573 = arith.mulf %get3A_570, %mul3A_572 : vector<16xf32>
        %swap3A_574 = arith.index_cast %scan3A_532 : i32 to index
        %swap3A_575 = arith.constant 48 : index
        %swap3A_576 = tpu.vector_load %arg9[%swap3A_574, %swap3A_575] {strides = array<i32>} : memref<128x128xf32, #tpu.memory_space<vmem>>, vector<1x16xf32>,
        %swap3A_577 = vector.shape_cast %swap3A_576 : vector<1x16xf32> to vector<16xf32>
        %swap3A_578 = vector.shape_cast %mul3A_573 : vector<16xf32> to vector<1x16xf32>
        tpu.vector_store %arg9[%swap3A_574, %swap3A_575], %swap3A_578 {strides = array<i32>} : memref<128x128xf32, #tpu.memory_space<vmem>>, vector<1x16xf32>,
        %get3A_579 = arith.index_cast %scan3A_532 : i32 to index
        %get3A_580 = arith.constant 64 : index
        %get3A_581 = tpu.vector_load %arg9[%get3A_579, %get3A_580] {strides = array<i32>} : memref<128x128xf32, #tpu.memory_space<vmem>>, vector<1x16xf32>,
        %get3A_582 = vector.shape_cast %get3A_581 : vector<1x16xf32> to vector<16xf32>
        %mul3A_583 = arith.constant 2.500000e-01 : f32
        %mul3A_584 = vector.broadcast %mul3A_583 : f32 to vector<16xf32>
        %mul3A_585 = arith.mulf %get3A_582, %mul3A_584 : vector<16xf32>
        %swap3A_586 = arith.index_cast %scan3A_532 : i32 to index
        %swap3A_587 = arith.constant 64 : index
        %swap3A_588 = tpu.vector_load %arg9[%swap3A_586, %swap3A_587] {strides = array<i32>} : memref<128x128xf32, #tpu.memory_space<vmem>>, vector<1x16xf32>,
        %swap3A_589 = vector.shape_cast %swap3A_588 : vector<1x16xf32> to vector<16xf32>
        %swap3A_590 = vector.shape_cast %mul3A_585 : vector<16xf32> to vector<1x16xf32>
        tpu.vector_store %arg9[%swap3A_586, %swap3A_587], %swap3A_590 {strides = array<i32>} : memref<128x128xf32, #tpu.memory_space<vmem>>, vector<1x16xf32>,
        %get3A_591 = arith.index_cast %scan3A_532 : i32 to index
        %get3A_592 = arith.constant 80 : index
        %get3A_593 = tpu.vector_load %arg9[%get3A_591, %get3A_592] {strides = array<i32>} : memref<128x128xf32, #tpu.memory_space<vmem>>, vector<1x16xf32>,
        %get3A_594 = vector.shape_cast %get3A_593 : vector<1x16xf32> to vector<16xf32>
        %mul3A_595 = arith.constant 2.500000e-01 : f32
        %mul3A_596 = vector.broadcast %mul3A_595 : f32 to vector<16xf32>
        %mul3A_597 = arith.mulf %get3A_594, %mul3A_596 : vector<16xf32>
        %swap3A_598 = arith.index_cast %scan3A_532 : i32 to index
        %swap3A_599 = arith.constant 80 : index
        %swap3A_600 = tpu.vector_load %arg9[%swap3A_598, %swap3A_599] {strides = array<i32>} : memref<128x128xf32, #tpu.memory_space<vmem>>, vector<1x16xf32>,
        %swap3A_601 = vector.shape_cast %swap3A_600 : vector<1x16xf32> to vector<16xf32>
        %swap3A_602 = vector.shape_cast %mul3A_597 : vector<16xf32> to vector<1x16xf32>
        tpu.vector_store %arg9[%swap3A_598, %swap3A_599], %swap3A_602 {strides = array<i32>} : memref<128x128xf32, #tpu.memory_space<vmem>>, vector<1x16xf32>,
        %get3A_603 = arith.index_cast %scan3A_532 : i32 to index
        %get3A_604 = arith.constant 96 : index
        %get3A_605 = tpu.vector_load %arg9[%get3A_603, %get3A_604] {strides = array<i32>} : memref<128x128xf32, #tpu.memory_space<vmem>>, vector<1x16xf32>,
        %get3A_606 = vector.shape_cast %get3A_605 : vector<1x16xf32> to vector<16xf32>
        %mul3A_607 = arith.constant 2.500000e-01 : f32
        %mul3A_608 = vector.broadcast %mul3A_607 : f32 to vector<16xf32>
        %mul3A_609 = arith.mulf %get3A_606, %mul3A_608 : vector<16xf32>
        %swap3A_610 = arith.index_cast %scan3A_532 : i32 to index
        %swap3A_611 = arith.constant 96 : index
        %swap3A_612 = tpu.vector_load %arg9[%swap3A_610, %swap3A_611] {strides = array<i32>} : memref<128x128xf32, #tpu.memory_space<vmem>>, vector<1x16xf32>,
        %swap3A_613 = vector.shape_cast %swap3A_612 : vector<1x16xf32> to vector<16xf32>
        %swap3A_614 = vector.shape_cast %mul3A_609 : vector<16xf32> to vector<1x16xf32>
        tpu.vector_store %arg9[%swap3A_610, %swap3A_611], %swap3A_614 {strides = array<i32>} : memref<128x128xf32, #tpu.memory_space<vmem>>, vector<1x16xf32>,
        %get3A_615 = arith.index_cast %scan3A_532 : i32 to index
        %get3A_616 = arith.constant 112 : index
        %get3A_617 = tpu.vector_load %arg9[%get3A_615, %get3A_616] {strides = array<i32>} : memref<128x128xf32, #tpu.memory_space<vmem>>, vector<1x16xf32>,
        %get3A_618 = vector.shape_cast %get3A_617 : vector<1x16xf32> to vector<16xf32>
        %mul3A_619 = arith.constant 2.500000e-01 : f32
        %mul3A_620 = vector.broadcast %mul3A_619 : f32 to vector<16xf32>
        %mul3A_621 = arith.mulf %get3A_618, %mul3A_620 : vector<16xf32>
        %swap3A_622 = arith.index_cast %scan3A_532 : i32 to index
        %swap3A_623 = arith.constant 112 : index
        %swap3A_624 = tpu.vector_load %arg9[%swap3A_622, %swap3A_623] {strides = array<i32>} : memref<128x128xf32, #tpu.memory_space<vmem>>, vector<1x16xf32>,
        %swap3A_625 = vector.shape_cast %swap3A_624 : vector<1x16xf32> to vector<16xf32>
        %swap3A_626 = vector.shape_cast %mul3A_621 : vector<16xf32> to vector<1x16xf32>
        tpu.vector_store %arg9[%swap3A_622, %swap3A_623], %swap3A_626 {strides = array<i32>} : memref<128x128xf32, #tpu.memory_space<vmem>>, vector<1x16xf32>,
      }
      %scan3A_531 = arith.constant 8 : i32
      "tpu.region"() ({
        %run_scoped3A = tpu.sem_alloc : memref<!tpu.dma_semaphore, #tpu.memory_space<semaphore_mem>>
        %dma_start3A_532 = arith.constant 0 : i32
        %dma_start3A_533 = arith.constant 0 : i32
        %dma_start3A_534 = tpu.memref_slice %arg9[%dma_start3A_532, %dma_start3A_533] : memref<128x128xf32, #tpu.memory_space<vmem>> -> memref<8x128xf32, #tpu.memory_space<vmem>>
        %dma_start3A_535 = tpu.memref_slice %arg4[%add3A_8, %mul3A_0] : memref<10000x256xf32, #tpu.memory_space<hbm>> -> memref<8x128xf32, #tpu.memory_space<hbm>>
        %dma_start3A_536 = tpu.memref_slice %arg4[%add3A_8, %mul3A_0] : memref<10000x256xf32, #tpu.memory_space<hbm>> -> memref<8x128xf32, #tpu.memory_space<hbm>>
        %dma_start3A_537 = arith.constant 0 : i32
        %dma_start3A_538 = arith.constant 0 : i32
        %dma_start3A_539 = tpu.memref_slice %arg9[%dma_start3A_537, %dma_start3A_538] : memref<128x128xf32, #tpu.memory_space<vmem>> -> memref<8x128xf32, #tpu.memory_space<vmem>>
        tpu.enqueue_dma source(%dma_start3A_539 : memref<8x128xf32, #tpu.memory_space<vmem>>) target(%dma_start3A_536 : memref<8x128xf32, #tpu.memory_space<hbm>>) target_semaphore(%run_scoped3A : memref<!tpu.dma_semaphore, #tpu.memory_space<semaphore_mem>>)
        %dma_wait3A_540 = arith.constant 0 : i32
        %dma_wait3A_541 = arith.constant 0 : i32
        %dma_wait3A_542 = tpu.memref_slice %arg9[%dma_wait3A_540, %dma_wait3A_541] : memref<128x128xf32, #tpu.memory_space<vmem>> -> memref<8x128xf32, #tpu.memory_space<vmem>>
        %dma_wait3A_543 = tpu.memref_slice %arg4[%add3A_8, %mul3A_0] : memref<10000x256xf32, #tpu.memory_space<hbm>> -> memref<8x128xf32, #tpu.memory_space<hbm>>
        %dma_wait3A_544 = tpu.memref_slice %arg4[%add3A_8, %mul3A_0] : memref<10000x256xf32, #tpu.memory_space<hbm>> -> memref<8x128xf32, #tpu.memory_space<hbm>>
        %dma_wait3A_545 = arith.constant 0 : i32
        %dma_wait3A_546 = arith.constant 0 : i32
        %dma_wait3A_547 = tpu.memref_slice %arg9[%dma_wait3A_545, %dma_wait3A_546] : memref<128x128xf32, #tpu.memory_space<vmem>> -> memref<8x128xf32, #tpu.memory_space<vmem>>
        tpu.wait_dma2 semaphore(%run_scoped3A : memref<!tpu.dma_semaphore, #tpu.memory_space<semaphore_mem>>) src(%dma_wait3A_547 : memref<8x128xf32, #tpu.memory_space<vmem>>) dst(%dma_wait3A_544 : memref<8x128xf32, #tpu.memory_space<hbm>>)
        tpu.yield
      }) : () -> ()
    } else {
    }
    return
  }
}

</mosaic_0001>

<sc_bundles>
// kernel: _scatter_sc.3.cloned.1.call-start
scs
__scs_entry_jumppad:
0x0: {  	(pc) =	sbr.rel $0x88, $3  }
0x1: {  	(tag) =	ssettag $0x0;
	lr =	simm.s32 $0x1  }
0x2: {  	[smem:$0x3F9F] =	sst lr;
	_ =	strace $0xD0000000  }
0x3: {  	_ = 	snop  }
0x4: {  	_ = 	snop  }
0x5: {  	_ = 	snop  }
0x6: {  	_ = 	snop  }
0x7: {  	_ = 	snop  }
__scs_overlays_trampoline_lowered:
0x8: {  	[smem:$0x3FAE] =	sst s0  }
0x9: {  	[smem:$0x3FAF] =	sst s1  }
0xa: {  	[smem:$0x3FB0] =	sst s2  }
0xb: {  	[smem:$0x3FB1] =	sst s3  }
0xc: {  	[smem:$0x3FB2] =	sst s4  }
0xd: {  	[smem:$0x3FB3] =	sst s5  }
0xe: {  	[smem:$0x3FB4] =	sst s6  }
0xf: {  	[smem:$0x3FB5] =	sst s7  }
0x10: {  	[smem:$0x3FB6] =	sst s8  }
0x11: {  	[smem:$0x3FB7] =	sst s9;
	s0 =	simm.s32 @!p0 $0x0  }
0x12: {  	s1 =	sld [smem:$0x3F9D];
	s0 =	simm.s32 @p0 $0x1  }
0x13: {  	[smem:$0x3FB8] =	sst s0;
	s0 =	simm.s32 @!p1 $0x0  }
0x14: {  	s2 =	sld [smem:$0x3F9C];
	s0 =	simm.s32 @p1 $0x1  }
0x15: {  	[smem:$0x3FB9] =	sst s0;
	s0 =	simm.s32 @!p2 $0x0  }
0x16: {  	s3 =	sld [smem:$0x3FDB];
	s0 =	simm.s32 @p2 $0x1  }
0x17: {  	s4 =	simm.s32 $0x1BF5;
	[smem:$0x3FBB] =	sst s0  }
0x18: {  	s0 =	sld [smem:$0x3F9E];
	_ =	swait.ge [sflag:s4], $0x0  }
0x19: {  	s7 =	sld [smem:$0x3F9F]  }
0x1a: {  	s8 =	sadd.s32 $0xFFFFE003, lr  }
0x1b: {  	s9 =	sadd.s32 $0xFFFFFEF7, lr;
	s5 =	simm.s32 $0xFFFFFFFF;
	p2 =	slt.u32 s8, $0xFFFFF086  }
0x1c: {  	p1 =	slt.u32 s9, $0xF7A;
	s5 =	simm.s32 @!p2 $0x0  }
0x1d: {  	s5 =	simm.s32 @p1 $0x1;
	p0 =	seq.s32 s7, s2  }
0x1e: {  	s7 =	smul.u32 @!p0 $0xF7A, s2;
	p2 =	seq.s32 @!p0 s5, $0x0  }
0x1f: {  	s9 =	smul.u32 $0xF7A, s1;
	s8 =	simm.s32 @!p0 $0x1BF5;
	p2 =	por !p2, p0  }
0x20: {  	[sflag:s8] =	ssyncset.s32 @!p0 $0xFFFFF086;
	s6 =	sadd.s32 @!p0 s3, s7;
	s7 =	simm.s32 @!p0 $0x108  }
0x21: {  	s3 =	sadd.s32 s3, s9;
	s6 =	sadd.s32 @!p0 $0x88, s6;
	s7 =	simm.s32 @p2 $0x1082  }
0x22: {  	[simem:s7], [sflag:s8] =	dma.local @!p0 [hbm:s6], $0xF7A  }
0x23: {  	s9 =	sor.u32 $0xD0000000, s2;
	s6 =	simm.s32 $0x108;
	_ =	swait.ge @!p0 [sflag:s8], $0x0  }
0x24: {  	s3 =	sadd.s32 $0x88, s3;
	s6 =	simm.s32 @!p1 $0x1082;
	[sflag:s4] =	ssyncset.s32 $0xFFFFF086  }
0x25: {  	[simem:s6], [sflag:s4] =	dma.local [hbm:s3], $0xF7A  }
0x26: {  	[smem:$0x3F9F] =	sst s1;
	(tag) =	ssettag s2;
	_ =	strace s9  }
0x27: {  	s1 =	sld [smem:$0x3FAF]  }
0x28: {  	s2 =	sld [smem:$0x3FB0]  }
0x29: {  	s4 =	sld [smem:$0x3FB2]  }
0x2a: {  	p0 =	seq.s32 s5, $0x0;
	s5 =	sld [smem:$0x3FB3]  }
0x2b: {  	s6 =	sld [smem:$0x3FB4]  }
0x2c: {  	s7 =	sld [smem:$0x3FB5]  }
0x2d: {  	s3 =	simm.s32 $0x108;
	s8 =	sld [smem:$0x3FB6]  }
0x2e: {  	s3 =	simm.s32 @!p0 $0x1082;
	s9 =	sld [smem:$0x3FB7]  }
0x2f: {  	lr =	sadd.s32 s0, s3;
	s0 =	sld [smem:$0x3FAE]  }
0x30: {  	s3 =	sld [smem:$0x3FB1]  }
0x31: {  	[smem:$0x3FBA] =	sst s10  }
0x32: {  	s10 =	sld [smem:$0x3FB8];
	_ =	sdelay $0x3  }
0x33: {  	p0 =	seq.s32 s10, $0x1;
	s10 =	sld [smem:$0x3FBA];
	_ =	sdelay $0x3  }
0x34: {  	[smem:$0x3FBA] =	sst s10  }
0x35: {  	s10 =	sld [smem:$0x3FB9];
	_ =	sdelay $0x3  }
0x36: {  	p1 =	seq.s32 s10, $0x1;
	s10 =	sld [smem:$0x3FBA];
	_ =	sdelay $0x3  }
0x37: {  	[smem:$0x3FBA] =	sst s10  }
0x38: {  	s10 =	sld [smem:$0x3FBB]  }
0x39: {  	_ = 	snop;
	(pc) =	sbr.ind lr, $3  }
0x3a: {  	_ = 	snop  }
0x3b: {  	_ = 	snop  }
0x3c: {  	p2 =	seq.s32 s10, $0x1;
	s10 =	sld [smem:$0x3FBA]  }
0x3d: {  	_ =	shalt  }
0x3e: {  	_ =	shalt  }
0x3f: {  	_ =	shalt  }
0x40: {  	_ =	shalt  }
0x41: {  	_ =	shalt  }
0x42: {  	_ =	shalt  }
0x43: {  	_ =	shalt  }
0x44: {  	_ =	shalt  }
0x45: {  	_ =	shalt  }
0x46: {  	_ =	shalt  }
0x47: {  	_ =	shalt  }
0x48: {  	_ =	shalt  }
0x49: {  	_ =	shalt  }
0x4a: {  	_ =	shalt  }
0x4b: {  	_ =	shalt  }
0x4c: {  	_ =	shalt  }
0x4d: {  	_ =	shalt  }
0x4e: {  	_ =	shalt  }
0x4f: {  	_ =	shalt  }
0x50: {  	_ =	shalt  }
0x51: {  	_ =	shalt  }
0x52: {  	_ =	shalt  }
0x53: {  	_ =	shalt  }
0x54: {  	_ =	shalt  }
0x55: {  	_ =	shalt  }
0x56: {  	_ =	shalt  }
0x57: {  	_ =	shalt  }
0x58: {  	_ =	shalt  }
0x59: {  	_ =	shalt  }
0x5a: {  	_ =	shalt  }
0x5b: {  	_ =	shalt  }
0x5c: {  	_ =	shalt  }
0x5d: {  	_ =	shalt  }
0x5e: {  	_ =	shalt  }
0x5f: {  	_ =	shalt  }
0x60: {  	_ =	shalt  }
0x61: {  	_ =	shalt  }
0x62: {  	_ =	shalt  }
0x63: {  	_ =	shalt  }
0x64: {  	_ =	shalt  }
0x65: {  	_ =	shalt  }
0x66: {  	_ =	shalt  }
0x67: {  	_ =	shalt  }
0x68: {  	_ =	shalt  }
0x69: {  	_ =	shalt  }
0x6a: {  	_ =	shalt  }
0x6b: {  	_ =	shalt  }
0x6c: {  	_ =	shalt  }
0x6d: {  	_ =	shalt  }
0x6e: {  	_ =	shalt  }
0x6f: {  	_ =	shalt  }
0x70: {  	_ =	shalt  }
0x71: {  	_ =	shalt  }
0x72: {  	_ =	shalt  }
0x73: {  	_ =	shalt  }
0x74: {  	_ =	shalt  }
0x75: {  	_ =	shalt  }
0x76: {  	_ =	shalt  }
0x77: {  	_ =	shalt  }
0x78: {  	_ =	shalt  }
0x79: {  	_ =	shalt  }
0x7a: {  	_ =	shalt  }
0x7b: {  	_ =	shalt  }
0x7c: {  	_ =	shalt  }
0x7d: {  	_ =	shalt  }
0x7e: {  	_ =	shalt  }
0x7f: {  	_ =	shalt  }
0x80: {  	_ =	shalt  }
0x81: {  	_ =	shalt  }
0x82: {  	_ =	shalt  }
0x83: {  	_ =	shalt  }
0x84: {  	_ =	shalt  }
0x85: {  	_ =	shalt  }
0x86: {  	_ =	shalt  }
0x87: {  	_ =	shalt  }
.Lfunc_end0:
.L_simem_size_0:
called_computation_lowered:
.L_overlay_start_0:
0x88: {  	s2 =	sld [smem:$0x3FD9]  }
0x89: {  	s3 =	sld [smem:$0x3FFE];
	_ =	sdelay $0x1  }
0x8a: {  	s1 =	srdreg.scid  }
0x8b: {  	s0 =	sand.u32 $0x1, s1  }
0x8c: {  	s18 =	sshll.u32 s0, $0xA;
	s2 =	sadd.s32 s3, s2  }
0x8d: {  	s2 =	sadd.s32 s2, s18  }
0x8e: {  	[smem:$0x3FC6] =	sst s2  }
0x8f: {  	_ = 	snop  }
0x90: {  	s2 =	sld [smem:$0x3FC9]  }
0x91: {  	s19 =	sld [smem:$0x3FC8]  }
0x92: {  	s4 =	sld [smem:$0x3FD0];
	(tm) =	ssettm $0x1  }
0x93: {  	s5 =	sld [smem:$0x3FFB];
	_ =	sdelay $0x3  }
0x94: {  	_ =	strace s5  }
0x95: {  	s5 =	sld [smem:$0x3FFC];
	_ =	sdelay $0x3  }
0x96: {  	_ =	strace s5  }
0x97: {  	s5 =	sld [smem:$0x3FFD];
	_ =	sdelay $0x3  }
0x98: {  	_ =	strace s5  }
0x99: {  	_ =	strace $0x8FFFFFFF  }
0x9a: {  	s20 =	sld [smem:$0x3FDB];
	_ =	sdelay $0x1  }
0x9b: {  	s6 =	simm.s32 $_scs_section_size  }
0x9c: {  	s7 =	simm.s32 $_size__tile_overlayer_lowered;
	s8 =	simm.s32 $_tile_overlayer_lowered  }
0x9d: {  	s23 =	simm.s32 $0x1BFF;
	s22 =	sshll.u32 s8, $0x1;
	s5 =	sadd.s32 s6, s20  }
0x9e: {  	s9 =	simm.s32 $0x0;
	s21 =	sshll.u32 s7, $0x1;
	s7 =	sadd.s32 s22, s5  }
0x9f: {  	[timem:s9], [sflag:s23] =	dma.local [hbm:s7], s21  }
0xa0: {  	_ =	swait.ge [sflag:s23], s21  }
0xa1: {  	s6 =	ssub.s32 $0x0, s21;
	[sflag:s23] =	ssyncset.done $0x0  }
0xa2: {  	[sflag:s23] =	ssyncadd.s32 s6;
	_ =	sdelay $0x1  }
0xa3: {  	s24 =	simm.s32 $0x1B8B  }
0xa4: {  	_ =	swait.ge [sflag:s24], $0x1  }
0xa5: {  	[sflag:s24] =	ssyncset.done $0x0  }
0xa6: {  	s25 =	simm.s32 $0x1B8E;
	[sflag:s24] =	ssyncadd.s32 $0xFFFFFFFF  }
0xa7: {  	s26 =	simm.s32 $execute0_lowered;
	[smem:$0x3FD2] =	sst s25  }
0xa8: {  	s6 =	sshll.u32 s26, $0x1;
	_ =	strace $0x80000046;
	[dreg:$0x1] =	wrdreg $0xFFFFFFFF  }
0xa9: {  	s28 =	simm.s32 $_size_execute0_lowered;
	s5 =	sadd.s32 s5, s6;
	[dreg:$0x0] =	wrdreg $0x0  }
0xaa: {  	s6 =	sshll.u32 s28, $0x1;
	[dreg:$0x2] =	wrdreg s5  }
0xab: {  	[dreg:$0x3] =	wrdreg s6  }
0xac: {  	[dreg:$0x4] =	wrdreg $0xC0  }
0xad: {  	_ =	task [dreg:s9], $0x5FFFF  }
0xae: {  	[dreg:$0x1] =	wrdreg $0xFFFFFFFF  }
0xaf: {  	[dreg:$0x0] =	wrdreg $0x60  }
0xb0: {  	[dreg:$0x2] =	wrdreg s2  }
0xb1: {  	[dreg:$0x3] =	wrdreg s19  }
0xb2: {  	[dreg:$0x4] =	wrdreg s4  }
0xb3: {  	[dreg:$0x5] =	wrdreg $0x0  }
0xb4: {  	[dreg:$0x6] =	wrdreg $0x9  }
0xb5: {  	_ =	task.clear_ibuf [dreg:s9], $0x7FFFF;
	_ =	strace $0x90000046  }
0xb6: {  	s29 =	simm.s32 $0x9;
	_ =	strace $0x80000048  }
0xb7: {  	_ =	swait.ge [sflag:s29], $0x1  }
0xb8: {  	[sflag:s29] =	ssyncadd.s32 $0xFFFFFFFF  }
0xb9: {  	_ =	strace $0x90000048  }
0xba: {  	_ =	sfence  }
0xbb: {  	s30 =	sld [smem:$0x0];
	_ =	sdelay $0x2  }
0xbc: {  	s31 =	sshll.u32 s1, $0xD;
	s1 =	sshrl.u32 s1, $0x2  }
0xbd: {  	s3 =	sand.u32 $0x4000, s31;
	s1 =	sadd.s32 s1, s30  }
0xbe: {  	s0 =	sor.u32 s3, s0;
	s1 =	sshll.u32 s1, $0x11  }
0xbf: {  	s0 =	sor.u32 s1, s0  }
0xc0: {  	s0 =	sadd.s32 $0x8F2B, s0  }
0xc1: {  	[sflag:s0] =	ssyncadd.remote.s32 $0x1  }
0xc2: {  	_ =	sfence.sel $0xFFFF  }
0xc3: {  	[dreg:$0x0] =	wrdreg $0xFFFFFFFF;
	(pc) =	sbr.abs _section_cstart, $3  }
0xc4: {  	[dreg:$0x1] =	wrdreg $0xFFFFFFFF  }
0xc5: {  	_ =	task.clear_ibuf [dreg:s9], $0x2FFFF;
	_ =	strace $0x9FFFFFFF  }
0xc6: {  	(tm) =	ssettm $0x7FFFFFFF  }
0xc7: {  	_ =	shalt  }
tec
execute0_lowered:
.L_overlay_start_1:
0x0: {  	(tag) =	ssettag $0x1  }
0x1: {  	s1 =	rddreg [dreg:$0x0]  }
0x2: {  	s8 =	rddreg [dreg:$0x1]  }
0x3: {  	s9 =	rddreg [dreg:$0x2]  }
0x4: {  	s17 =	stileid.u32;
	s0 =	srdreg.scid;
	s3 =	simm.s32 $0x0  }
0x5: {  	s30 =	simm.s32 $0x400;
	s31 =	simm.s32 $0x800;
	s2 =	smul.u32 $0x4E, s17  }
0x6: {  	s4 =	sand.u32 $0x1, s0;
	s10 =	smin.u32 s17, $0x2;
	[smem:$0x7FF] =	sst s3  }
0x7: {  	p0 =	slt.u32 s17, $0x2;
	s16 =	ssub.s32 $0x2, s4;
	s12 =	sshll.u32 s4, $0xA  }
0x8: {  	s0 =	sadd.s32 s10, s2;
	s18 =	sshrl.u32 s16, $0x1;
	s10 =	sshll.u32 s10, $0xF  }
0x9: {  	s7 =	sshll.u32 s0, $0x3;
	s6 =	sshll.u32 s0, $0x7;
	s2 =	ssub.s32 s16, s18  }
0xa: {  	s19 =	sshll.u32 s0, $0x4;
	s16 =	sshll.u32 s0, $0xB;
	s3 =	sadd.s32 $0x270, s7  }
0xb: {  	s11 =	sadd.s32 $0x80, s6;
	s18 =	sadd.s32 s8, s19;
	s14 =	sadd.s32 $0x68, s7  }
0xc: {  	s4 =	sadd.s32 $0x138, s7;
	s15 =	sadd.s32 $0x100, s6;
	s6 =	sadd.s32 $0x1A0, s7  }
0xd: {  	s21 =	sor.u32 s12, s16;
	s2 =	smax.u32 s2, $0x1;
	s5 =	sshrl.u32 s11, $0x3  }
0xe: {  	s13 =	sshrl.u32 s15, $0x3;
	s22 =	sshll.u32 s14, $0x8;
	s26 =	sshll.u32 s4, $0x8  }
0xf: {  	s19 =	sshll.u32 s6, $0x8;
	s4 =	sshll.u32 s4, $0x7;
	s6 =	sshll.u32 s6, $0x7  }
0x10: {  	s20 =	sadd.s32 s8, s5;
	s5 =	sadd.s32 $0xD0, s7;
	s7 =	sadd.s32 $0x208, s7  }
0x11: {  	s8 =	sadd.s32 s8, s13;
	s24 =	sor.u32 s12, s22;
	[dreg:$0x9] =	wrdreg s20  }
0x12: {  	s16 =	sor.u32 s12, s26;
	s26 =	smul.u32 $0x270000, s17;
	[dreg:$0xa] =	wrdreg s8  }
0x13: {  	s8 =	sshrl.u32 s21, $0x3;
	s23 =	sshll.u32 s5, $0x8;
	s20 =	sshll.u32 s7, $0x8  }
0x14: {  	s21 =	sor.u32 s12, s19;
	s19 =	sshll.u32 s0, $0xF;
	s5 =	sshll.u32 s5, $0x7  }
0x15: {  	s8 =	sadd.s32 s9, s8;
	s25 =	sor.u32 s12, s23;
	s22 =	sor.u32 s12, s20  }
0x16: {  	s23 =	sshll.u32 s3, $0x8;
	[dreg:$0xb] =	wrdreg s8;
	s8 =	sshrl.u32 s24, $0x3  }
0x17: {  	s20 =	sadd.s32 $0x40, s18;
	s13 =	sshrl.u32 s25, $0x3;
	s8 =	sadd.s32 s9, s8  }
0x18: {  	s3 =	sshll.u32 s3, $0x7;
	s13 =	sadd.s32 s9, s13;
	[dreg:$0xc] =	wrdreg s8  }
0x19: {  	s25 =	sor.u32 s12, s23;
	s23 =	sadd.s32 $0x30, s18;
	[dreg:$0xd] =	wrdreg s13  }
0x1a: {  	s8 =	sshrl.u32 s16, $0x3;
	s13 =	sshrl.u32 s22, $0x3;
	s16 =	sadd.s32 $0x50, s18  }
0x1b: {  	s8 =	sadd.s32 s9, s8;
	s24 =	sadd.s32 s9, s13;
	s13 =	rddreg [dreg:$0x3]  }
0x1c: {  	s22 =	sshll.u32 s15, $0x8;
	[dreg:$0xe] =	wrdreg s8;
	s8 =	sshrl.u32 s21, $0x3  }
0x1d: {  	[dreg:$0x10] =	wrdreg s24;
	s21 =	sshll.u32 s11, $0x8;
	s11 =	sor.u32 s12, s22  }
0x1e: {  	s22 =	sadd.s32 s4, s13;
	s29 =	sadd.s32 s3, s13;
	s8 =	sadd.s32 s9, s8  }
0x1f: {  	s4 =	simm.s32 $0x13880;
	[dreg:$0xf] =	wrdreg s8;
	s8 =	sshrl.u32 s25, $0x3  }
0x20: {  	s25 =	sshll.u32 s14, $0x7;
	s8 =	sadd.s32 s9, s8;
	s9 =	sor.u32 s12, s19  }
0x21: {  	[dreg:$0x11] =	wrdreg s8;
	s8 =	sadd.s32 s10, s26;
	s10 =	sor.u32 s12, s21  }
0x22: {  	s9 =	sshrl.u32 s9, $0x3;
	_ =	strace $0x80000047;
	[dreg:$0x5] =	wrdreg s16  }
0x23: {  	s26 =	sshll.u32 s0, $0xA;
	s21 =	sadd.s32 s5, s13;
	[dreg:$0x6] =	wrdreg s20  }
0x24: {  	s5 =	simm.s32 $0x17A00;
	[dreg:$0x8] =	wrdreg s18;
	s8 =	sor.u32 s12, s8  }
0x25: {  	[dreg:$0x7] =	wrdreg s23;
	s12 =	simm.s32 $0x4F;
	s9 =	sadd.s32 s1, s9  }
0x26: {  	s24 =	sshrl.u32 s10, $0x3;
	s19 =	sadd.s32 s26, s13;
	[dreg:$0x1a] =	wrdreg s2  }
0x27: {  	s20 =	sadd.s32 s25, s13;
	s23 =	sadd.s32 s6, s13;
	[dreg:$0x14] =	wrdreg s21  }
0x28: {  	s10 =	sshrl.u32 s11, $0x3;
	s6 =	simm.s32 $0x13900;
	[dreg:$0x15] =	wrdreg s22  }
0x29: {  	s2 =	simm.s32 $0x0;
	[dreg:$0x18] =	wrdreg s29;
	s12 =	simm.s32 @!p0 $0x4E  }
0x2a: {  	[dreg:$0x12] =	wrdreg s9;
	s9 =	sadd.s32 s1, s24;
	s11 =	sadd.s32 s1, s10  }
0x2b: {  	s14 =	sadd.s32 $0x28000, s8;
	s15 =	sadd.s32 $0x20000, s8;
	s26 =	sadd.s32 $0x18000, s8  }
0x2c: {  	p0 =	sgt.u32 s17, $0x1;
	s8 =	simm.s32 $0x4;
	[dreg:$0x16] =	wrdreg s23  }
0x2d: {  	s10 =	simm.s32 $0x1;
	[dreg:$0x13] =	wrdreg s9;
	s9 =	sshll.u32 s7, $0x7  }
0x2e: {  	[dreg:$0x19] =	wrdreg s11;
	s25 =	sadd.s32 s12, s0;
	s3 =	sshrl.u32 s14, $0x3  }
0x2f: {  	s18 =	sshrl.u32 s15, $0x3;
	s0 =	sadd.s32 $0x5, s0;
	[dreg:$0x1e] =	wrdreg s26  }
.Ltmp0:
0x30: {  	s14 =	simm.s32 $0x13A00;
	s7 =	simm.s32 $0x1BA00;
	(pc) =	sbr.rel .LBB2_1-.Ltmp0, $4  }
0x31: {  	s11 =	simm.s32 $0x80;
	s16 =	sadd.s32 s3, s1;
	[dreg:$0x1c] =	wrdreg s0  }
0x32: {  	s15 =	simm.s32 $0x7;
	s24 =	sadd.s32 s18, s1;
	[dreg:$0x1b] =	wrdreg s16  }
0x33: {  	s28 =	sadd.s32 s9, s13;
	s9 =	simm.s32 $0x13980;
	[dreg:$0x1d] =	wrdreg s24  }
0x34: {  	v0 =	vimm.f32 $0.0e+00;
	s3 =	simm.s32 $0x3;
	s16 =	simm.s32 $0x2;
	[dreg:$0x17] =	wrdreg s28  }
.LBB2_20:
0x35: {  	[tilespmem:s17+$0x13A00] =	vst v7;
	v5 =	vmul.f32 $2.500000000e-01, v5;
	v63 =	vld [tilespmem:s17+$0x13A70]  }
0x36: {  	[tilespmem:s17+$0x13A10] =	vst v6;
	v3 =	vmul.f32 $2.500000000e-01, v3  }
0x37: {  	v1 =	vmul.f32 $2.500000000e-01, v1;
	[tilespmem:s17+$0x13A20] =	vst v5  }
0x38: {  	v2 =	vmul.f32 $2.500000000e-01, v2;
	[tilespmem:s17+$0x13A30] =	vst v3  }
0x39: {  	[tilespmem:s17+$0x13A40] =	vst v1;
	v1 =	vmul.f32 $2.500000000e-01, v4  }
0x3a: {  	[tilespmem:s17+$0x13A50] =	vst v2;
	v2 =	vmul.f32 $2.500000000e-01, v63  }
0x3b: {  	[tilespmem:s17+$0x13A60] =	vst v1  }
0x3c: {  	s0 =	simm.s32 $0x0;
	s12 =	rddreg [dreg:$0x11];
	[tilespmem:s17+$0x13A70] =	vst v2  }
0x3d: {  	[hbm4b:s12+s0] =	stream.linear.scatter [tilespmem:s14], [sflag:$0x7], $0x400, $0x38;
	[tilespmem:$0x1FA00] =	vst v63  }
0x3e: {  	_ =	swait.ge [sflag:s15], $0x400  }
0x3f: {  	[sflag:s15] =	ssyncset.done $0x0  }
0x40: {  	[sflag:s15] =	ssyncadd.s32 $0xFFFFFC00  }
.LBB2_21:
0x41: {  	s2 =	sadd.s32 $0x1, s2;
	s0 =	rddreg [dreg:$0x1a]  }
0x42: {  	p1 =	sne.s32 s2, s0  }
.Ltmp1:
0x43: {  	_ = 	snop;
	(pc) =	sbr.rel @!p1 .LBB2_22-.Ltmp1, $1  }
0x44: {  	_ =	sdelay $0x3  }
.LBB2_1:
0x45: {  	s0 =	rddreg [dreg:$0x12]  }
0x46: {  	[tilespmem:s14], [sflag:$0x1] =	stream.strided.gather [hbm4b:s0+s30], $0x4000, s31, s30, $0x38;
	[tilespmem:$0x1FA00] =	vst v63  }
0x47: {  	s18 =	simm.s32 $0x0;
	s12 =	rddreg [dreg:$0x8]  }
0x48: {  	[tilespmem:s4], [sflag:$0x1] =	stream.linear.gather [hbm4b:s12+s18], $0x80, $0x38;
	[tilespmem:$0x1FA00] =	vst v63  }
0x49: {  	s24 =	rddreg [dreg:$0x13]  }
0x4a: {  	[tilespmem:s5], [sflag:$0x2] =	stream.strided.gather [hbm4b:s24+s30], $0x4000, s31, s30, $0x38;
	[tilespmem:$0x1FA00] =	vst v63  }
0x4b: {  	s26 =	rddreg [dreg:$0x9]  }
0x4c: {  	[tilespmem:s6], [sflag:$0x2] =	stream.linear.gather [hbm4b:s26+s18], $0x80, $0x38;
	[tilespmem:$0x1FA00] =	vst v63  }
0x4d: {  	s17 =	simm.s32 $0x0;
	s18 =	simm.s32 $0x200  }
.LBB2_2:
0x4e: {  	p1 =	sne.s32 s18, $0xCE00;
	[tilespmem:s17+$0x1BA70] =	vst v0  }
0x4f: {  	[tilespmem:s17+$0x1BA00] =	vst v0  }
0x50: {  	[tilespmem:s17+$0x1BA10] =	vst v0  }
.Ltmp2:
0x51: {  	[tilespmem:s17+$0x1BA20] =	vst v0;
	(pc) =	sbr.rel @p1 .LBB2_2-.Ltmp2, $4  }
0x52: {  	[tilespmem:s17+$0x1BA30] =	vst v0  }
0x53: {  	[tilespmem:s17+$0x1BA40] =	vst v0  }
0x54: {  	[tilespmem:s17+$0x1BA50] =	vst v0  }
0x55: {  	[tilespmem:s17+$0x1BA60] =	vst v0;
	s17 =	sshra.s32 s18, $0x2;
	s18 =	sadd.s32 $0x200, s18  }
0x56: {  	[tilespmem:s17+$0x1BA70] =	vst v0  }
0x57: {  	[tilespmem:s17+$0x1BA00] =	vst v0  }
0x58: {  	[tilespmem:s17+$0x1BA10] =	vst v0  }
0x59: {  	[tilespmem:s17+$0x1BA20] =	vst v0  }
0x5a: {  	[tilespmem:s17+$0x1BA30] =	vst v0  }
0x5b: {  	[tilespmem:s17+$0x1BA40] =	vst v0  }
0x5c: {  	[tilespmem:s17+$0x1BA50] =	vst v0  }
0x5d: {  	[tilespmem:s17+$0x1BA60] =	vst v0  }
0x5e: {  	[spmem:s19] =	stream.linear.scatter [tilespmem:s7], [sflag:$0x4], $0x3400, $0x38;
	[tilespmem:$0x1FA00] =	vst v63  }
0x5f: {  	_ = 	snop  }
0x60: {  	[spmem:s20] =	stream.linear.scatter [tilespmem:s7], [sflag:$0x4], $0x3400, $0x38;
	[tilespmem:$0x1FA00] =	vst v63  }
0x61: {  	_ = 	snop  }
0x62: {  	[spmem:s21] =	stream.linear.scatter [tilespmem:s7], [sflag:$0x4], $0x3400, $0x38;
	[tilespmem:$0x1FA00] =	vst v63  }
0x63: {  	_ = 	snop  }
0x64: {  	[spmem:s22] =	stream.linear.scatter [tilespmem:s7], [sflag:$0x4], $0x3400, $0x38;
	[tilespmem:$0x1FA00] =	vst v63  }
0x65: {  	_ = 	snop  }
0x66: {  	[spmem:s23] =	stream.linear.scatter [tilespmem:s7], [sflag:$0x4], $0x3400, $0x38;
	[tilespmem:$0x1FA00] =	vst v63  }
0x67: {  	_ = 	snop  }
0x68: {  	[spmem:s28] =	stream.linear.scatter [tilespmem:s7], [sflag:$0x4], $0x3400, $0x38;
	[tilespmem:$0x1FA00] =	vst v63  }
0x69: {  	s17 =	simm.s32 @!p0 $0x1BA00  }
0x6a: {  	[spmem:s29] =	stream.linear.scatter @!p0 [tilespmem:s17], [sflag:$0x4], $0x400, $0x38;
	[tilespmem:$0x1FA00] =	vst v63  }
0x6b: {  	_ =	swait.ge [sflag:s8], $0x3400  }
0x6c: {  	[sflag:s8] =	ssyncset.done $0x0  }
0x6d: {  	[sflag:s8] =	ssyncadd.s32 $0xFFFFCC00  }
0x6e: {  	_ =	swait.ge [sflag:s8], $0x3400  }
0x6f: {  	[sflag:s8] =	ssyncset.done $0x0  }
0x70: {  	[sflag:s8] =	ssyncadd.s32 $0xFFFFCC00  }
0x71: {  	_ =	swait.ge [sflag:s8], $0x3400  }
0x72: {  	[sflag:s8] =	ssyncset.done $0x0  }
0x73: {  	[sflag:s8] =	ssyncadd.s32 $0xFFFFCC00  }
0x74: {  	_ =	swait.ge [sflag:s8], $0x3400  }
0x75: {  	[sflag:s8] =	ssyncset.done $0x0  }
0x76: {  	[sflag:s8] =	ssyncadd.s32 $0xFFFFCC00  }
0x77: {  	_ =	swait.ge [sflag:s8], $0x3400  }
0x78: {  	[sflag:s8] =	ssyncset.done $0x0  }
0x79: {  	[sflag:s8] =	ssyncadd.s32 $0xFFFFCC00  }
0x7a: {  	_ =	swait.ge [sflag:s8], $0x3400  }
0x7b: {  	[sflag:s8] =	ssyncset.done $0x0  }
0x7c: {  	s17 =	simm.s32 @!p0 $0x4;
	[sflag:s8] =	ssyncadd.s32 $0xFFFFCC00  }
0x7d: {  	_ =	swait.ge @!p0 [sflag:s17], $0x400  }
0x7e: {  	[sflag:s17] =	ssyncset.done @!p0 $0x0  }
0x7f: {  	s0 =	rddreg [dreg:$0x19];
	[sflag:s17] =	ssyncadd.s32 @!p0 $0xFFFFFC00  }
0x80: {  	[tilespmem:s7], [sflag:$0x3] =	stream.strided.gather [hbm4b:s0+s30], $0x4000, s31, s30, $0x38;
	[tilespmem:$0x1FA00] =	vst v63  }
0x81: {  	s21 =	rddreg [dreg:$0xa];
	s17 =	simm.s32 $0x0  }
0x82: {  	[tilespmem:s9], [sflag:$0x3] =	stream.linear.gather [hbm4b:s21+s17], $0x80, $0x38;
	[tilespmem:$0x1FA00] =	vst v63  }
0x83: {  	[bflag:$0x0] =	sbarrier.arrive $0xFFFF  }
0x84: {  	_ =	swait.ge [sflag:s10], $0x4000  }
0x85: {  	[sflag:s10] =	ssyncset.done $0x0  }
0x86: {  	[sflag:s10] =	ssyncadd.s32 $0xFFFFC000  }
0x87: {  	_ =	swait.ge [sflag:s10], $0x80  }
0x88: {  	s0 =	rddreg [dreg:$0x1c];
	[sflag:s10] =	ssyncset.done $0x0  }
0x89: {  	s24 =	smov.u32 s19;
	s18 =	sadd.s32 $0xFFFFFFFE, s0;
	[sflag:s10] =	ssyncadd.s32 $0xFFFFFF80  }
0x8a: {  	[spmem:s13] =	stream.indirect.scatter.add.f32 [tilespmem:s14], [sflag:$0x7], $0x80, s4, s11, $0xb8;
	[tilespmem:$0x1FA00] =	vst v63  }
0x8b: {  	s26 =	smov.u32 s20;
	p1 =	sge.u32 s18, s25;
	_ =	swait.ge [sflag:s15], $0x4000  }
0x8c: {  	s19 =	simm.s32 @!p1 $0x13A00;
	s21 =	simm.s32 @!p1 $0x400;
	s23 =	rddreg [dreg:$0x1e]  }
0x8d: {  	s22 =	simm.s32 @!p1 $0x800;
	[sflag:s15] =	ssyncset.done $0x0;
	s18 =	sshrl.u32 @!p1 s23, $0x3  }
0x8e: {  	s20 =	rddreg [dreg:$0x7];
	[sflag:s15] =	ssyncadd.s32 $0xFFFFC000;
	s18 =	sadd.s32 @!p1 s1, s18  }
0x8f: {  	[tilespmem:s19], [sflag:$0x1] =	stream.strided.gather @!p1 [hbm4b:s18+s21], $0x4000, s22, s21, $0x38;
	[tilespmem:$0x1FA00] =	vst v63  }
0x90: {  	s18 =	sadd.s32 @!p1 $0x0, s20;
	s19 =	simm.s32 @!p1 $0x0;
	s20 =	simm.s32 @!p1 $0x13880  }
0x91: {  	[tilespmem:s20], [sflag:$0x1] =	stream.linear.gather @!p1 [hbm4b:s18+s19], $0x80, $0x38;
	[tilespmem:$0x1FA00] =	vst v63  }
0x92: {  	_ =	swait.ge [sflag:s16], $0x4000  }
0x93: {  	[sflag:s16] =	ssyncset.done $0x0  }
0x94: {  	[sflag:s16] =	ssyncadd.s32 $0xFFFFC000  }
0x95: {  	_ =	swait.ge [sflag:s16], $0x80  }
0x96: {  	s22 =	sadd.s32 $0xFFFFFFFF, s0;
	[sflag:s16] =	ssyncset.done $0x0  }
0x97: {  	p1 =	sge.u32 s22, s25;
	[sflag:s16] =	ssyncadd.s32 $0xFFFFFF80  }
0x98: {  	[spmem:s13] =	stream.indirect.scatter.add.f32 [tilespmem:s5], [sflag:$0x7], $0x80, s6, s11, $0xb8;
	[tilespmem:$0x1FA00] =	vst v63  }
0x99: {  	s18 =	simm.s32 @!p1 $0x400;
	_ =	swait.ge [sflag:s15], $0x4000  }
0x9a: {  	s20 =	simm.s32 @!p1 $0x800;
	[sflag:s15] =	ssyncset.done $0x0;
	s19 =	rddreg [dreg:$0x6]  }
0x9b: {  	s21 =	simm.s32 @!p1 $0x17A00;
	s12 =	rddreg [dreg:$0x1d];
	[sflag:s15] =	ssyncadd.s32 $0xFFFFC000  }
0x9c: {  	[tilespmem:s21], [sflag:$0x2] =	stream.strided.gather @!p1 [hbm4b:s12+s18], $0x4000, s20, s18, $0x38;
	[tilespmem:$0x1FA00] =	vst v63  }
0x9d: {  	s19 =	sadd.s32 @!p1 $0x0, s19;
	s18 =	simm.s32 @!p1 $0x13900;
	s20 =	simm.s32 @!p1 $0x0  }
0x9e: {  	[tilespmem:s18], [sflag:$0x2] =	stream.linear.gather @!p1 [hbm4b:s19+s20], $0x80, $0x38;
	[tilespmem:$0x1FA00] =	vst v63  }
0x9f: {  	_ =	swait.ge [sflag:s3], $0x4000  }
0xa0: {  	[sflag:s3] =	ssyncset.done $0x0  }
0xa1: {  	p2 =	sge.u32 s0, s25;
	[sflag:s3] =	ssyncadd.s32 $0xFFFFC000  }
0xa2: {  	s30 =	simm.s32 @!p2 $0x400;
	s31 =	simm.s32 @!p2 $0x800;
	_ =	swait.ge [sflag:s3], $0x80  }
0xa3: {  	s29 =	simm.s32 @!p2 $0x1BA00;
	s21 =	sadd.s32 $0x3000, s12;
	[sflag:s3] =	ssyncset.done $0x0  }
0xa4: {  	s18 =	simm.s32 $0x30;
	s19 =	sadd.s32 $0x18000, s23;
	[sflag:s3] =	ssyncadd.s32 $0xFFFFFF80  }
0xa5: {  	[spmem:s13] =	stream.indirect.scatter.add.f32 [tilespmem:s7], [sflag:$0x7], $0x80, s9, s11, $0xb8;
	[tilespmem:$0x1FA00] =	vst v63  }
0xa6: {  	s20 =	sadd.s32 $0x3, s0;
	s28 =	rddreg [dreg:$0x1b];
	_ =	swait.ge [sflag:s15], $0x4000  }
0xa7: {  	s22 =	sadd.s32 $0x3000, s28;
	[sflag:s15] =	ssyncset.done $0x0;
	s23 =	rddreg [dreg:$0x5]  }
.LBB2_4:
0xa8: {  	[sflag:s15] =	ssyncadd.s32 $0xFFFFC000  }
0xa9: {  	[tilespmem:s29], [sflag:$0x3] =	stream.strided.gather @!p2 [hbm4b:s28+s30], $0x4000, s31, s30, $0x38;
	[tilespmem:$0x1FA00] =	vst v63  }
0xaa: {  	s12 =	simm.s32 @!p2 $0x0;
	s0 =	simm.s32 @!p2 $0x13980;
	s23 =	sadd.s32 @!p2 s17, s23  }
0xab: {  	[tilespmem:s0], [sflag:$0x3] =	stream.linear.gather @!p2 [hbm4b:s23+s12], $0x80, $0x38;
	[tilespmem:$0x1FA00] =	vst v63  }
0xac: {  	_ =	swait.ge [sflag:s10], $0x4000  }
0xad: {  	[sflag:s10] =	ssyncset.done $0x0  }
0xae: {  	[sflag:s10] =	ssyncadd.s32 $0xFFFFC000  }
0xaf: {  	_ =	swait.ge [sflag:s10], $0x80  }
0xb0: {  	s12 =	sadd.s32 $0xFFFFFFFE, s20;
	[sflag:s10] =	ssyncset.done $0x0  }
0xb1: {  	s17 =	smov.u32 s18;
	p2 =	sge.u32 s12, s25;
	[sflag:s10] =	ssyncadd.s32 $0xFFFFFF80  }
0xb2: {  	[spmem:s13] =	stream.indirect.scatter.add.f32 [tilespmem:s14], [sflag:$0x7], $0x80, s4, s11, $0xb8;
	[tilespmem:$0x1FA00] =	vst v63  }
0xb3: {  	s0 =	sshrl.u32 @!p2 s19, $0x3;
	s12 =	simm.s32 @!p2 $0x13A00;
	_ =	swait.ge [sflag:s15], $0x4000  }
0xb4: {  	s23 =	simm.s32 @!p2 $0x400;
	s29 =	simm.s32 @!p2 $0x800;
	[sflag:s15] =	ssyncset.done $0x0  }
0xb5: {  	s0 =	sadd.s32 @!p2 s1, s0;
	s31 =	rddreg [dreg:$0x7];
	[sflag:s15] =	ssyncadd.s32 $0xFFFFC000  }
0xb6: {  	[tilespmem:s12], [sflag:$0x1] =	stream.strided.gather @!p2 [hbm4b:s0+s23], $0x4000, s29, s23, $0x38;
	[tilespmem:$0x1FA00] =	vst v63  }
0xb7: {  	s0 =	sadd.s32 @!p2 s17, s31;
	s12 =	simm.s32 @!p2 $0x0;
	s23 =	simm.s32 @!p2 $0x13880  }
0xb8: {  	[tilespmem:s23], [sflag:$0x1] =	stream.linear.gather @!p2 [hbm4b:s0+s12], $0x80, $0x38;
	[tilespmem:$0x1FA00] =	vst v63  }
0xb9: {  	_ =	swait.ge [sflag:s16], $0x4000  }
0xba: {  	[sflag:s16] =	ssyncset.done $0x0  }
0xbb: {  	[sflag:s16] =	ssyncadd.s32 $0xFFFFC000  }
0xbc: {  	_ =	swait.ge [sflag:s16], $0x80  }
0xbd: {  	[sflag:s16] =	ssyncset.done $0x0  }
0xbe: {  	s23 =	sadd.s32 $0xFFFFFFFF, s20;
	[sflag:s16] =	ssyncadd.s32 $0xFFFFFF80  }
0xbf: {  	[spmem:s13] =	stream.indirect.scatter.add.f32 [tilespmem:s5], [sflag:$0x7], $0x80, s6, s11, $0xb8;
	[tilespmem:$0x1FA00] =	vst v63  }
0xc0: {  	p2 =	sge.u32 s23, s25;
	_ =	swait.ge [sflag:s15], $0x4000  }
0xc1: {  	s0 =	simm.s32 @!p2 $0x400;
	s12 =	simm.s32 @!p2 $0x800;
	[sflag:s15] =	ssyncset.done $0x0  }
0xc2: {  	s23 =	simm.s32 @!p2 $0x17A00;
	s29 =	rddreg [dreg:$0x6];
	[sflag:s15] =	ssyncadd.s32 $0xFFFFC000  }
0xc3: {  	[tilespmem:s23], [sflag:$0x2] =	stream.strided.gather @!p2 [hbm4b:s21+s0], $0x4000, s12, s0, $0x38;
	[tilespmem:$0x1FA00] =	vst v63  }
0xc4: {  	s31 =	simm.s32 @!p2 $0x13900;
	s0 =	sadd.s32 @!p2 s17, s29;
	s12 =	simm.s32 @!p2 $0x0  }
0xc5: {  	[tilespmem:s31], [sflag:$0x2] =	stream.linear.gather @!p2 [hbm4b:s0+s12], $0x80, $0x38;
	[tilespmem:$0x1FA00] =	vst v63  }
0xc6: {  	s18 =	sadd.s32 $0x30, s18;
	_ =	swait.ge [sflag:s3], $0x4000  }
0xc7: {  	p1 =	sne.s32 s18, $0x4E0;
	[sflag:s3] =	ssyncset.done $0x0  }
0xc8: {  	s30 =	smov.u32 s20;
	s28 =	smov.u32 s22;
	[sflag:s3] =	ssyncadd.s32 $0xFFFFC000  }
0xc9: {  	s22 =	sadd.s32 $0x3000, s22;
	s19 =	sadd.s32 $0x18000, s19;
	_ =	swait.ge [sflag:s3], $0x80  }
.Ltmp3:
0xca: {  	s20 =	sadd.s32 $0x3, s20;
	[sflag:s3] =	ssyncset.done $0x0;
	(pc) =	sbr.rel @p1 .LBB2_4-.Ltmp3, $4  }
0xcb: {  	s21 =	sadd.s32 $0x3000, s21;
	p2 =	sge.u32 s30, s25;
	[sflag:s3] =	ssyncadd.s32 $0xFFFFFF80  }
0xcc: {  	[spmem:s13] =	stream.indirect.scatter.add.f32 [tilespmem:s7], [sflag:$0x7], $0x80, s9, s11, $0xb8;
	[tilespmem:$0x1FA00] =	vst v63  }
0xcd: {  	s30 =	simm.s32 @!p2 $0x400;
	s31 =	simm.s32 @!p2 $0x800;
	_ =	swait.ge [sflag:s15], $0x4000  }
0xce: {  	s29 =	simm.s32 @!p2 $0x1BA00;
	[sflag:s15] =	ssyncset.done $0x0;
	s23 =	rddreg [dreg:$0x5]  }
0xcf: {  	[sflag:s15] =	ssyncadd.s32 $0xFFFFC000  }
0xd0: {  	[tilespmem:s29], [sflag:$0x3] =	stream.strided.gather @!p2 [hbm4b:s28+s30], $0x4000, s31, s30, $0x38;
	[tilespmem:$0x1FA00] =	vst v63  }
0xd1: {  	s0 =	simm.s32 @!p2 $0x0;
	s12 =	simm.s32 @!p2 $0x13980;
	s17 =	sadd.s32 @!p2 s17, s23  }
0xd2: {  	[tilespmem:s12], [sflag:$0x3] =	stream.linear.gather @!p2 [hbm4b:s17+s0], $0x80, $0x38;
	[tilespmem:$0x1FA00] =	vst v63  }
0xd3: {  	s0 =	simm.s32 @!p0 $0x1  }
0xd4: {  	_ =	swait.ge @!p0 [sflag:s0], $0x4000  }
0xd5: {  	[sflag:s0] =	ssyncset.done @!p0 $0x0  }
0xd6: {  	[sflag:s0] =	ssyncadd.s32 @!p0 $0xFFFFC000  }
0xd7: {  	_ =	swait.ge @!p0 [sflag:s0], $0x80  }
0xd8: {  	s12 =	simm.s32 @!p0 $0x13880;
	[sflag:s0] =	ssyncset.done @!p0 $0x0  }
0xd9: {  	s17 =	simm.s32 @!p0 $0x13A00;
	[sflag:s0] =	ssyncadd.s32 @!p0 $0xFFFFFF80;
	s0 =	simm.s32 @!p0 $0x80  }
0xda: {  	[spmem:s13] =	stream.indirect.scatter.add.f32 @!p0 [tilespmem:s17], [sflag:$0x7], $0x80, s12, s0, $0xb8;
	[tilespmem:$0x1FA00] =	vst v63  }
0xdb: {  	s0 =	simm.s32 @!p0 $0x7  }
0xdc: {  	_ =	swait.ge @!p0 [sflag:s0], $0x4000  }
0xdd: {  	[sflag:s0] =	ssyncset.done @!p0 $0x0  }
0xde: {  	[sflag:s0] =	ssyncadd.s32 @!p0 $0xFFFFC000  }
0xdf: {  	[bflag:$0x0] =	sbarrier.arrive $0xFFFF  }
0xe0: {  	[tilespmem:s14], [sflag:$0x1] =	stream.linear.gather [spmem:s24], $0x3400, $0x38;
	[tilespmem:$0x1FA00] =	vst v63  }
0xe1: {  	_ =	swait.ge [sflag:s10], $0x3400  }
0xe2: {  	[sflag:s10] =	ssyncset.done $0x0  }
0xe3: {  	s17 =	simm.s32 $0x0;
	[sflag:s10] =	ssyncadd.s32 $0xFFFFCC00  }
0xe4: {  	[tilespmem:s5], [sflag:$0x2] =	stream.linear.gather [spmem:s26], $0x3400, $0x38;
	[tilespmem:$0x1FA00] =	vst v63  }
0xe5: {  	v4 =	vld [tilespmem:s17+$0x13A00]  }
0xe6: {  	v6 =	vld [tilespmem:s17+$0x13A10]  }
0xe7: {  	v5 =	vld [tilespmem:s17+$0x13A20]  }
0xe8: {  	v3 =	vld [tilespmem:s17+$0x13A30]  }
0xe9: {  	v1 =	vld [tilespmem:s17+$0x13A40]  }
0xea: {  	v2 =	vld [tilespmem:s17+$0x13A50];
	v7 =	vmul.f32 $2.500000000e-01, v4  }
0xeb: {  	s19 =	smov.u32 s24;
	s20 =	smov.u32 s26;
	s18 =	simm.s32 $0x200;
	v6 =	vmul.f32 $2.500000000e-01, v6;
	v4 =	vld [tilespmem:s17+$0x13A60]  }
.LBB2_6:
0xec: {  	s0 =	sshra.s32 s18, $0x2;
	p1 =	sne.s32 s18, $0xCE00;
	[tilespmem:s17+$0x13A00] =	vst v7;
	v5 =	vmul.f32 $2.500000000e-01, v5;
	v7 =	vld [tilespmem:s17+$0x13A70]  }
0xed: {  	v8 =	vld [tilespmem:s0+$0x13A00];
	[tilespmem:s17+$0x13A10] =	vst v6;
	v3 =	vmul.f32 $2.500000000e-01, v3  }
0xee: {  	v6 =	vld [tilespmem:s0+$0x13A10];
	[tilespmem:s17+$0x13A20] =	vst v5;
	v1 =	vmul.f32 $2.500000000e-01, v1  }
.Ltmp4:
0xef: {  	v5 =	vld [tilespmem:s0+$0x13A20];
	[tilespmem:s17+$0x13A30] =	vst v3;
	v2 =	vmul.f32 $2.500000000e-01, v2;
	(pc) =	sbr.rel @p1 .LBB2_6-.Ltmp4, $4  }
0xf0: {  	v3 =	vld [tilespmem:s0+$0x13A30];
	[tilespmem:s17+$0x13A40] =	vst v1;
	v4 =	vmul.f32 $2.500000000e-01, v4  }
0xf1: {  	v1 =	vld [tilespmem:s0+$0x13A40];
	[tilespmem:s17+$0x13A50] =	vst v2;
	v9 =	vmul.f32 $2.500000000e-01, v7  }
0xf2: {  	v7 =	vmul.f32 $2.500000000e-01, v8;
	v2 =	vld [tilespmem:s0+$0x13A50];
	[tilespmem:s17+$0x13A60] =	vst v4  }
0xf3: {  	s18 =	sadd.s32 $0x200, s18;
	v6 =	vmul.f32 $2.500000000e-01, v6;
	v4 =	vld [tilespmem:s0+$0x13A60];
	[tilespmem:s17+$0x13A70] =	vst v9;
	s17 =	smov.u32 s0  }
0xf4: {  	[tilespmem:s17+$0x13A00] =	vst v7;
	v5 =	vmul.f32 $2.500000000e-01, v5;
	v7 =	vld [tilespmem:s17+$0x13A70]  }
0xf5: {  	[tilespmem:s17+$0x13A10] =	vst v6;
	v3 =	vmul.f32 $2.500000000e-01, v3  }
0xf6: {  	[tilespmem:s17+$0x13A20] =	vst v5;
	v1 =	vmul.f32 $2.500000000e-01, v1  }
0xf7: {  	[tilespmem:s17+$0x13A30] =	vst v3;
	v2 =	vmul.f32 $2.500000000e-01, v2  }
0xf8: {  	[tilespmem:s17+$0x13A40] =	vst v1;
	v1 =	vmul.f32 $2.500000000e-01, v4  }
0xf9: {  	[tilespmem:s17+$0x13A50] =	vst v2;
	v2 =	vmul.f32 $2.500000000e-01, v7  }
0xfa: {  	[tilespmem:s17+$0x13A60] =	vst v1  }
0xfb: {  	s0 =	rddreg [dreg:$0xb];
	s30 =	simm.s32 $0x400;
	s31 =	simm.s32 $0x800;
	[tilespmem:s17+$0x13A70] =	vst v2  }
0xfc: {  	[hbm4b:s0+s30] =	stream.strided.scatter [tilespmem:s14], [sflag:$0x5], $0x3400, s31, s30, $0x38;
	[tilespmem:$0x1FA00] =	vst v63  }
0xfd: {  	_ =	swait.ge [sflag:s16], $0x3400  }
0xfe: {  	[sflag:s16] =	ssyncset.done $0x0  }
0xff: {  	s12 =	simm.s32 $0x5;
	[sflag:s16] =	ssyncadd.s32 $0xFFFFCC00  }
0x100: {  	_ =	swait.ge [sflag:s12], $0x3400  }
0x101: {  	[sflag:s12] =	ssyncset.done $0x0  }
0x102: {  	s17 =	simm.s32 $0x0;
	s21 =	rddreg [dreg:$0x14];
	[sflag:s12] =	ssyncadd.s32 $0xFFFFCC00  }
0x103: {  	[tilespmem:s14], [sflag:$0x1] =	stream.linear.gather [spmem:s21], $0x3400, $0x38;
	[tilespmem:$0x1FA00] =	vst v63  }
0x104: {  	v4 =	vld [tilespmem:s17+$0x17A00]  }
0x105: {  	v6 =	vld [tilespmem:s17+$0x17A10]  }
0x106: {  	v5 =	vld [tilespmem:s17+$0x17A20]  }
0x107: {  	s22 =	rddreg [dreg:$0x15];
	v3 =	vld [tilespmem:s17+$0x17A30]  }
0x108: {  	s23 =	rddreg [dreg:$0x16];
	v1 =	vld [tilespmem:s17+$0x17A40]  }
0x109: {  	s28 =	rddreg [dreg:$0x17];
	v2 =	vld [tilespmem:s17+$0x17A50];
	v7 =	vmul.f32 $2.500000000e-01, v4  }
0x10a: {  	s18 =	simm.s32 $0x200;
	s24 =	simm.s32 $0x6;
	s29 =	rddreg [dreg:$0x18];
	v6 =	vmul.f32 $2.500000000e-01, v6;
	v4 =	vld [tilespmem:s17+$0x17A60]  }
.LBB2_8:
0x10b: {  	s0 =	sshra.s32 s18, $0x2;
	p1 =	sne.s32 s18, $0xCE00;
	[tilespmem:s17+$0x17A00] =	vst v7;
	v5 =	vmul.f32 $2.500000000e-01, v5;
	v7 =	vld [tilespmem:s17+$0x17A70]  }
0x10c: {  	v8 =	vld [tilespmem:s0+$0x17A00];
	[tilespmem:s17+$0x17A10] =	vst v6;
	v3 =	vmul.f32 $2.500000000e-01, v3  }
0x10d: {  	v6 =	vld [tilespmem:s0+$0x17A10];
	[tilespmem:s17+$0x17A20] =	vst v5;
	v1 =	vmul.f32 $2.500000000e-01, v1  }
.Ltmp5:
0x10e: {  	v5 =	vld [tilespmem:s0+$0x17A20];
	[tilespmem:s17+$0x17A30] =	vst v3;
	v2 =	vmul.f32 $2.500000000e-01, v2;
	(pc) =	sbr.rel @p1 .LBB2_8-.Ltmp5, $4  }
0x10f: {  	v3 =	vld [tilespmem:s0+$0x17A30];
	[tilespmem:s17+$0x17A40] =	vst v1;
	v4 =	vmul.f32 $2.500000000e-01, v4  }
0x110: {  	v1 =	vld [tilespmem:s0+$0x17A40];
	[tilespmem:s17+$0x17A50] =	vst v2;
	v9 =	vmul.f32 $2.500000000e-01, v7  }
0x111: {  	v7 =	vmul.f32 $2.500000000e-01, v8;
	v2 =	vld [tilespmem:s0+$0x17A50];
	[tilespmem:s17+$0x17A60] =	vst v4  }
0x112: {  	s18 =	sadd.s32 $0x200, s18;
	v6 =	vmul.f32 $2.500000000e-01, v6;
	v4 =	vld [tilespmem:s0+$0x17A60];
	[tilespmem:s17+$0x17A70] =	vst v9;
	s17 =	smov.u32 s0  }
0x113: {  	[tilespmem:s17+$0x17A00] =	vst v7;
	v5 =	vmul.f32 $2.500000000e-01, v5;
	v7 =	vld [tilespmem:s17+$0x17A70]  }
0x114: {  	[tilespmem:s17+$0x17A10] =	vst v6;
	v3 =	vmul.f32 $2.500000000e-01, v3  }
0x115: {  	[tilespmem:s17+$0x17A20] =	vst v5;
	v1 =	vmul.f32 $2.500000000e-01, v1  }
0x116: {  	[tilespmem:s17+$0x17A30] =	vst v3;
	v2 =	vmul.f32 $2.500000000e-01, v2  }
0x117: {  	[tilespmem:s17+$0x17A40] =	vst v1;
	v1 =	vmul.f32 $2.500000000e-01, v4  }
0x118: {  	[tilespmem:s17+$0x17A50] =	vst v2;
	v2 =	vmul.f32 $2.500000000e-01, v7  }
0x119: {  	[tilespmem:s17+$0x17A60] =	vst v1  }
0x11a: {  	s0 =	rddreg [dreg:$0xc];
	[tilespmem:s17+$0x17A70] =	vst v2  }
0x11b: {  	[hbm4b:s0+s30] =	stream.strided.scatter [tilespmem:s5], [sflag:$0x6], $0x3400, s31, s30, $0x38;
	[tilespmem:$0x1FA00] =	vst v63  }
0x11c: {  	_ =	swait.ge [sflag:s10], $0x3400  }
0x11d: {  	[sflag:s10] =	ssyncset.done $0x0  }
0x11e: {  	[sflag:s10] =	ssyncadd.s32 $0xFFFFCC00  }
0x11f: {  	_ =	swait.ge [sflag:s24], $0x3400  }
0x120: {  	[sflag:s24] =	ssyncset.done $0x0  }
0x121: {  	s17 =	simm.s32 $0x0;
	[sflag:s24] =	ssyncadd.s32 $0xFFFFCC00  }
0x122: {  	[tilespmem:s5], [sflag:$0x2] =	stream.linear.gather [spmem:s22], $0x3400, $0x38;
	[tilespmem:$0x1FA00] =	vst v63  }
0x123: {  	v4 =	vld [tilespmem:s17+$0x13A00]  }
0x124: {  	v6 =	vld [tilespmem:s17+$0x13A10]  }
0x125: {  	v5 =	vld [tilespmem:s17+$0x13A20]  }
0x126: {  	v3 =	vld [tilespmem:s17+$0x13A30]  }
0x127: {  	v1 =	vld [tilespmem:s17+$0x13A40]  }
0x128: {  	v2 =	vld [tilespmem:s17+$0x13A50];
	v7 =	vmul.f32 $2.500000000e-01, v4  }
0x129: {  	s18 =	simm.s32 $0x200;
	v6 =	vmul.f32 $2.500000000e-01, v6;
	v4 =	vld [tilespmem:s17+$0x13A60]  }
.LBB2_10:
0x12a: {  	s0 =	sshra.s32 s18, $0x2;
	p1 =	sne.s32 s18, $0xCE00;
	[tilespmem:s17+$0x13A00] =	vst v7;
	v5 =	vmul.f32 $2.500000000e-01, v5;
	v7 =	vld [tilespmem:s17+$0x13A70]  }
0x12b: {  	v8 =	vld [tilespmem:s0+$0x13A00];
	[tilespmem:s17+$0x13A10] =	vst v6;
	v3 =	vmul.f32 $2.500000000e-01, v3  }
0x12c: {  	v6 =	vld [tilespmem:s0+$0x13A10];
	[tilespmem:s17+$0x13A20] =	vst v5;
	v1 =	vmul.f32 $2.500000000e-01, v1  }
.Ltmp6:
0x12d: {  	v5 =	vld [tilespmem:s0+$0x13A20];
	[tilespmem:s17+$0x13A30] =	vst v3;
	v2 =	vmul.f32 $2.500000000e-01, v2;
	(pc) =	sbr.rel @p1 .LBB2_10-.Ltmp6, $4  }
0x12e: {  	v3 =	vld [tilespmem:s0+$0x13A30];
	[tilespmem:s17+$0x13A40] =	vst v1;
	v4 =	vmul.f32 $2.500000000e-01, v4  }
0x12f: {  	v1 =	vld [tilespmem:s0+$0x13A40];
	[tilespmem:s17+$0x13A50] =	vst v2;
	v9 =	vmul.f32 $2.500000000e-01, v7  }
0x130: {  	v7 =	vmul.f32 $2.500000000e-01, v8;
	v2 =	vld [tilespmem:s0+$0x13A50];
	[tilespmem:s17+$0x13A60] =	vst v4  }
0x131: {  	s18 =	sadd.s32 $0x200, s18;
	v6 =	vmul.f32 $2.500000000e-01, v6;
	v4 =	vld [tilespmem:s0+$0x13A60];
	[tilespmem:s17+$0x13A70] =	vst v9;
	s17 =	smov.u32 s0  }
0x132: {  	[tilespmem:s17+$0x13A00] =	vst v7;
	v5 =	vmul.f32 $2.500000000e-01, v5;
	v7 =	vld [tilespmem:s17+$0x13A70]  }
0x133: {  	[tilespmem:s17+$0x13A10] =	vst v6;
	v3 =	vmul.f32 $2.500000000e-01, v3  }
0x134: {  	[tilespmem:s17+$0x13A20] =	vst v5;
	v1 =	vmul.f32 $2.500000000e-01, v1  }
0x135: {  	[tilespmem:s17+$0x13A30] =	vst v3;
	v2 =	vmul.f32 $2.500000000e-01, v2  }
0x136: {  	[tilespmem:s17+$0x13A40] =	vst v1;
	v1 =	vmul.f32 $2.500000000e-01, v4  }
0x137: {  	[tilespmem:s17+$0x13A50] =	vst v2;
	v2 =	vmul.f32 $2.500000000e-01, v7  }
0x138: {  	[tilespmem:s17+$0x13A60] =	vst v1  }
0x139: {  	s0 =	rddreg [dreg:$0xd];
	[tilespmem:s17+$0x13A70] =	vst v2  }
0x13a: {  	[hbm4b:s0+s30] =	stream.strided.scatter [tilespmem:s14], [sflag:$0x5], $0x3400, s31, s30, $0x38;
	[tilespmem:$0x1FA00] =	vst v63  }
0x13b: {  	_ =	swait.ge [sflag:s16], $0x3400  }
0x13c: {  	[sflag:s16] =	ssyncset.done $0x0  }
0x13d: {  	[sflag:s16] =	ssyncadd.s32 $0xFFFFCC00  }
0x13e: {  	_ =	swait.ge [sflag:s12], $0x3400  }
0x13f: {  	[sflag:s12] =	ssyncset.done $0x0  }
0x140: {  	s17 =	simm.s32 $0x0;
	[sflag:s12] =	ssyncadd.s32 $0xFFFFCC00  }
0x141: {  	[tilespmem:s14], [sflag:$0x1] =	stream.linear.gather [spmem:s23], $0x3400, $0x38;
	[tilespmem:$0x1FA00] =	vst v63  }
0x142: {  	v4 =	vld [tilespmem:s17+$0x17A00]  }
0x143: {  	v6 =	vld [tilespmem:s17+$0x17A10]  }
0x144: {  	v5 =	vld [tilespmem:s17+$0x17A20]  }
0x145: {  	v3 =	vld [tilespmem:s17+$0x17A30]  }
0x146: {  	v1 =	vld [tilespmem:s17+$0x17A40]  }
0x147: {  	v2 =	vld [tilespmem:s17+$0x17A50];
	v7 =	vmul.f32 $2.500000000e-01, v4  }
0x148: {  	s18 =	simm.s32 $0x200;
	v6 =	vmul.f32 $2.500000000e-01, v6;
	v4 =	vld [tilespmem:s17+$0x17A60]  }
.LBB2_12:
0x149: {  	s0 =	sshra.s32 s18, $0x2;
	p1 =	sne.s32 s18, $0xCE00;
	[tilespmem:s17+$0x17A00] =	vst v7;
	v5 =	vmul.f32 $2.500000000e-01, v5;
	v7 =	vld [tilespmem:s17+$0x17A70]  }
0x14a: {  	v8 =	vld [tilespmem:s0+$0x17A00];
	[tilespmem:s17+$0x17A10] =	vst v6;
	v3 =	vmul.f32 $2.500000000e-01, v3  }
0x14b: {  	v6 =	vld [tilespmem:s0+$0x17A10];
	[tilespmem:s17+$0x17A20] =	vst v5;
	v1 =	vmul.f32 $2.500000000e-01, v1  }
.Ltmp7:
0x14c: {  	v5 =	vld [tilespmem:s0+$0x17A20];
	[tilespmem:s17+$0x17A30] =	vst v3;
	v2 =	vmul.f32 $2.500000000e-01, v2;
	(pc) =	sbr.rel @p1 .LBB2_12-.Ltmp7, $4  }
0x14d: {  	v3 =	vld [tilespmem:s0+$0x17A30];
	[tilespmem:s17+$0x17A40] =	vst v1;
	v4 =	vmul.f32 $2.500000000e-01, v4  }
0x14e: {  	v1 =	vld [tilespmem:s0+$0x17A40];
	[tilespmem:s17+$0x17A50] =	vst v2;
	v9 =	vmul.f32 $2.500000000e-01, v7  }
0x14f: {  	v7 =	vmul.f32 $2.500000000e-01, v8;
	v2 =	vld [tilespmem:s0+$0x17A50];
	[tilespmem:s17+$0x17A60] =	vst v4  }
0x150: {  	s18 =	sadd.s32 $0x200, s18;
	v6 =	vmul.f32 $2.500000000e-01, v6;
	v4 =	vld [tilespmem:s0+$0x17A60];
	[tilespmem:s17+$0x17A70] =	vst v9;
	s17 =	smov.u32 s0  }
0x151: {  	[tilespmem:s17+$0x17A00] =	vst v7;
	v5 =	vmul.f32 $2.500000000e-01, v5;
	v7 =	vld [tilespmem:s17+$0x17A70]  }
0x152: {  	[tilespmem:s17+$0x17A10] =	vst v6;
	v3 =	vmul.f32 $2.500000000e-01, v3  }
0x153: {  	[tilespmem:s17+$0x17A20] =	vst v5;
	v1 =	vmul.f32 $2.500000000e-01, v1  }
0x154: {  	[tilespmem:s17+$0x17A30] =	vst v3;
	v2 =	vmul.f32 $2.500000000e-01, v2  }
0x155: {  	[tilespmem:s17+$0x17A40] =	vst v1;
	v1 =	vmul.f32 $2.500000000e-01, v4  }
0x156: {  	[tilespmem:s17+$0x17A50] =	vst v2;
	v2 =	vmul.f32 $2.500000000e-01, v7  }
0x157: {  	[tilespmem:s17+$0x17A60] =	vst v1  }
0x158: {  	s0 =	rddreg [dreg:$0xe];
	[tilespmem:s17+$0x17A70] =	vst v2  }
0x159: {  	[hbm4b:s0+s30] =	stream.strided.scatter [tilespmem:s5], [sflag:$0x6], $0x3400, s31, s30, $0x38;
	[tilespmem:$0x1FA00] =	vst v63  }
0x15a: {  	_ =	swait.ge [sflag:s10], $0x3400  }
0x15b: {  	[sflag:s10] =	ssyncset.done $0x0  }
0x15c: {  	[sflag:s10] =	ssyncadd.s32 $0xFFFFCC00  }
0x15d: {  	_ =	swait.ge [sflag:s24], $0x3400  }
0x15e: {  	[sflag:s24] =	ssyncset.done $0x0  }
0x15f: {  	s17 =	simm.s32 $0x0;
	[sflag:s24] =	ssyncadd.s32 $0xFFFFCC00  }
0x160: {  	[tilespmem:s5], [sflag:$0x2] =	stream.linear.gather [spmem:s28], $0x3400, $0x38;
	[tilespmem:$0x1FA00] =	vst v63  }
0x161: {  	v4 =	vld [tilespmem:s17+$0x13A00]  }
0x162: {  	v6 =	vld [tilespmem:s17+$0x13A10]  }
0x163: {  	v5 =	vld [tilespmem:s17+$0x13A20]  }
0x164: {  	v3 =	vld [tilespmem:s17+$0x13A30]  }
0x165: {  	v1 =	vld [tilespmem:s17+$0x13A40]  }
0x166: {  	v2 =	vld [tilespmem:s17+$0x13A50];
	v7 =	vmul.f32 $2.500000000e-01, v4  }
0x167: {  	s18 =	simm.s32 $0x200;
	v6 =	vmul.f32 $2.500000000e-01, v6;
	v4 =	vld [tilespmem:s17+$0x13A60]  }
.LBB2_14:
0x168: {  	s0 =	sshra.s32 s18, $0x2;
	p1 =	sne.s32 s18, $0xCE00;
	[tilespmem:s17+$0x13A00] =	vst v7;
	v5 =	vmul.f32 $2.500000000e-01, v5;
	v7 =	vld [tilespmem:s17+$0x13A70]  }
0x169: {  	v8 =	vld [tilespmem:s0+$0x13A00];
	[tilespmem:s17+$0x13A10] =	vst v6;
	v3 =	vmul.f32 $2.500000000e-01, v3  }
0x16a: {  	v6 =	vld [tilespmem:s0+$0x13A10];
	[tilespmem:s17+$0x13A20] =	vst v5;
	v1 =	vmul.f32 $2.500000000e-01, v1  }
.Ltmp8:
0x16b: {  	v5 =	vld [tilespmem:s0+$0x13A20];
	[tilespmem:s17+$0x13A30] =	vst v3;
	v2 =	vmul.f32 $2.500000000e-01, v2;
	(pc) =	sbr.rel @p1 .LBB2_14-.Ltmp8, $4  }
0x16c: {  	v3 =	vld [tilespmem:s0+$0x13A30];
	[tilespmem:s17+$0x13A40] =	vst v1;
	v4 =	vmul.f32 $2.500000000e-01, v4  }
0x16d: {  	v1 =	vld [tilespmem:s0+$0x13A40];
	[tilespmem:s17+$0x13A50] =	vst v2;
	v9 =	vmul.f32 $2.500000000e-01, v7  }
0x16e: {  	v7 =	vmul.f32 $2.500000000e-01, v8;
	v2 =	vld [tilespmem:s0+$0x13A50];
	[tilespmem:s17+$0x13A60] =	vst v4  }
0x16f: {  	s18 =	sadd.s32 $0x200, s18;
	v6 =	vmul.f32 $2.500000000e-01, v6;
	v4 =	vld [tilespmem:s0+$0x13A60];
	[tilespmem:s17+$0x13A70] =	vst v9;
	s17 =	smov.u32 s0  }
0x170: {  	[tilespmem:s17+$0x13A00] =	vst v7;
	v5 =	vmul.f32 $2.500000000e-01, v5;
	v7 =	vld [tilespmem:s17+$0x13A70]  }
0x171: {  	[tilespmem:s17+$0x13A10] =	vst v6;
	v3 =	vmul.f32 $2.500000000e-01, v3  }
0x172: {  	[tilespmem:s17+$0x13A20] =	vst v5;
	v1 =	vmul.f32 $2.500000000e-01, v1  }
0x173: {  	[tilespmem:s17+$0x13A30] =	vst v3;
	v2 =	vmul.f32 $2.500000000e-01, v2  }
0x174: {  	[tilespmem:s17+$0x13A40] =	vst v1;
	v1 =	vmul.f32 $2.500000000e-01, v4  }
0x175: {  	[tilespmem:s17+$0x13A50] =	vst v2;
	v2 =	vmul.f32 $2.500000000e-01, v7  }
0x176: {  	[tilespmem:s17+$0x13A60] =	vst v1  }
0x177: {  	s0 =	rddreg [dreg:$0xf];
	[tilespmem:s17+$0x13A70] =	vst v2  }
0x178: {  	[hbm4b:s0+s30] =	stream.strided.scatter [tilespmem:s14], [sflag:$0x5], $0x3400, s31, s30, $0x38;
	[tilespmem:$0x1FA00] =	vst v63  }
0x179: {  	_ =	swait.ge [sflag:s16], $0x3400  }
0x17a: {  	[sflag:s16] =	ssyncset.done $0x0  }
0x17b: {  	[sflag:s16] =	ssyncadd.s32 $0xFFFFCC00  }
0x17c: {  	_ =	swait.ge [sflag:s12], $0x3400  }
0x17d: {  	[sflag:s12] =	ssyncset.done $0x0  }
0x17e: {  	s17 =	simm.s32 $0x0;
	s0 =	simm.s32 @!p0 $0x13A00;
	[sflag:s12] =	ssyncadd.s32 $0xFFFFCC00  }
0x17f: {  	[tilespmem:s0], [sflag:$0x1] =	stream.linear.gather @!p0 [spmem:s29], $0x400, $0x38;
	[tilespmem:$0x1FA00] =	vst v63  }
0x180: {  	v4 =	vld [tilespmem:s17+$0x17A00]  }
0x181: {  	v6 =	vld [tilespmem:s17+$0x17A10]  }
0x182: {  	v5 =	vld [tilespmem:s17+$0x17A20]  }
0x183: {  	v3 =	vld [tilespmem:s17+$0x17A30]  }
0x184: {  	v1 =	vld [tilespmem:s17+$0x17A40]  }
0x185: {  	v2 =	vld [tilespmem:s17+$0x17A50];
	v7 =	vmul.f32 $2.500000000e-01, v4  }
0x186: {  	s18 =	simm.s32 $0x200;
	v6 =	vmul.f32 $2.500000000e-01, v6;
	v4 =	vld [tilespmem:s17+$0x17A60]  }
.LBB2_16:
0x187: {  	s0 =	sshra.s32 s18, $0x2;
	p1 =	sne.s32 s18, $0xCE00;
	[tilespmem:s17+$0x17A00] =	vst v7;
	v5 =	vmul.f32 $2.500000000e-01, v5;
	v7 =	vld [tilespmem:s17+$0x17A70]  }
0x188: {  	v8 =	vld [tilespmem:s0+$0x17A00];
	[tilespmem:s17+$0x17A10] =	vst v6;
	v3 =	vmul.f32 $2.500000000e-01, v3  }
0x189: {  	v6 =	vld [tilespmem:s0+$0x17A10];
	[tilespmem:s17+$0x17A20] =	vst v5;
	v1 =	vmul.f32 $2.500000000e-01, v1  }
.Ltmp9:
0x18a: {  	v5 =	vld [tilespmem:s0+$0x17A20];
	[tilespmem:s17+$0x17A30] =	vst v3;
	v2 =	vmul.f32 $2.500000000e-01, v2;
	(pc) =	sbr.rel @p1 .LBB2_16-.Ltmp9, $4  }
0x18b: {  	v3 =	vld [tilespmem:s0+$0x17A30];
	[tilespmem:s17+$0x17A40] =	vst v1;
	v4 =	vmul.f32 $2.500000000e-01, v4  }
0x18c: {  	v1 =	vld [tilespmem:s0+$0x17A40];
	[tilespmem:s17+$0x17A50] =	vst v2;
	v9 =	vmul.f32 $2.500000000e-01, v7  }
0x18d: {  	v7 =	vmul.f32 $2.500000000e-01, v8;
	v2 =	vld [tilespmem:s0+$0x17A50];
	[tilespmem:s17+$0x17A60] =	vst v4  }
0x18e: {  	s18 =	sadd.s32 $0x200, s18;
	v6 =	vmul.f32 $2.500000000e-01, v6;
	v4 =	vld [tilespmem:s0+$0x17A60];
	[tilespmem:s17+$0x17A70] =	vst v9;
	s17 =	smov.u32 s0  }
0x18f: {  	[tilespmem:s17+$0x17A00] =	vst v7;
	v5 =	vmul.f32 $2.500000000e-01, v5;
	v63 =	vld [tilespmem:s17+$0x17A70]  }
0x190: {  	[tilespmem:s17+$0x17A10] =	vst v6;
	v3 =	vmul.f32 $2.500000000e-01, v3  }
0x191: {  	[tilespmem:s17+$0x17A20] =	vst v5;
	v1 =	vmul.f32 $2.500000000e-01, v1  }
0x192: {  	[tilespmem:s17+$0x17A30] =	vst v3;
	v2 =	vmul.f32 $2.500000000e-01, v2  }
0x193: {  	[tilespmem:s17+$0x17A40] =	vst v1;
	v1 =	vmul.f32 $2.500000000e-01, v4  }
0x194: {  	[tilespmem:s17+$0x17A50] =	vst v2;
	v2 =	vmul.f32 $2.500000000e-01, v63  }
0x195: {  	[tilespmem:s17+$0x17A60] =	vst v1  }
.Ltmp10:
0x196: {  	s0 =	rddreg [dreg:$0x10];
	[tilespmem:s17+$0x17A70] =	vst v2;
	(pc) =	sbr.rel @p0 .LBB2_21-.Ltmp10, $4  }
0x197: {  	[hbm4b:s0+s30] =	stream.strided.scatter [tilespmem:s5], [sflag:$0x6], $0x3400, s31, s30, $0x38;
	[tilespmem:$0x1FA00] =	vst v63  }
0x198: {  	_ =	swait.ge [sflag:s24], $0x3400  }
0x199: {  	[sflag:s24] =	ssyncset.done $0x0  }
0x19a: {  	[sflag:s24] =	ssyncadd.s32 $0xFFFFCC00  }
0x19b: {  	_ =	swait.ge [sflag:s10], $0x400  }
0x19c: {  	[sflag:s10] =	ssyncset.done $0x0  }
0x19d: {  	s17 =	simm.s32 $0x0;
	[sflag:s10] =	ssyncadd.s32 $0xFFFFFC00  }
0x19e: {  	v4 =	vld [tilespmem:s17+$0x13A00]  }
0x19f: {  	v6 =	vld [tilespmem:s17+$0x13A10]  }
0x1a0: {  	v5 =	vld [tilespmem:s17+$0x13A20]  }
0x1a1: {  	v3 =	vld [tilespmem:s17+$0x13A30]  }
0x1a2: {  	v1 =	vld [tilespmem:s17+$0x13A40]  }
0x1a3: {  	v2 =	vld [tilespmem:s17+$0x13A50];
	v7 =	vmul.f32 $2.500000000e-01, v4  }
0x1a4: {  	s18 =	simm.s32 $0x200;
	v6 =	vmul.f32 $2.500000000e-01, v6;
	v4 =	vld [tilespmem:s17+$0x13A60]  }
.LBB2_19:
0x1a5: {  	s0 =	sshra.s32 s18, $0x2;
	p1 =	sne.s32 s18, $0xE00;
	[tilespmem:s17+$0x13A00] =	vst v7;
	v5 =	vmul.f32 $2.500000000e-01, v5;
	v7 =	vld [tilespmem:s17+$0x13A70]  }
0x1a6: {  	v3 =	vmul.f32 $2.500000000e-01, v3;
	v8 =	vld [tilespmem:s0+$0x13A00];
	[tilespmem:s17+$0x13A10] =	vst v6  }
0x1a7: {  	v1 =	vmul.f32 $2.500000000e-01, v1;
	v6 =	vld [tilespmem:s0+$0x13A10];
	[tilespmem:s17+$0x13A20] =	vst v5  }
.Ltmp11:
0x1a8: {  	v2 =	vmul.f32 $2.500000000e-01, v2;
	v5 =	vld [tilespmem:s0+$0x13A20];
	[tilespmem:s17+$0x13A30] =	vst v3;
	(pc) =	sbr.rel @p1 .LBB2_19-.Ltmp11, $4  }
0x1a9: {  	v4 =	vmul.f32 $2.500000000e-01, v4;
	v3 =	vld [tilespmem:s0+$0x13A30];
	[tilespmem:s17+$0x13A40] =	vst v1  }
0x1aa: {  	v1 =	vld [tilespmem:s0+$0x13A40];
	[tilespmem:s17+$0x13A50] =	vst v2;
	v9 =	vmul.f32 $2.500000000e-01, v7  }
0x1ab: {  	v7 =	vmul.f32 $2.500000000e-01, v8;
	v2 =	vld [tilespmem:s0+$0x13A50];
	[tilespmem:s17+$0x13A60] =	vst v4  }
0x1ac: {  	s18 =	sadd.s32 $0x200, s18;
	v6 =	vmul.f32 $2.500000000e-01, v6;
	v4 =	vld [tilespmem:s0+$0x13A60];
	[tilespmem:s17+$0x13A70] =	vst v9;
	s17 =	smov.u32 s0  }
.Ltmp12:
0x1ad: {  	_ = 	snop;
	(pc) =	sbr.rel .LBB2_20-.Ltmp12, $1  }
0x1ae: {  	_ =	sdelay $0x3  }
.LBB2_22:
0x1af: {  	_ =	sfence.sel $0x180000  }
0x1b0: {  	[bflag:$0x0] =	sbarrier.arrive $0xFFFF  }
0x1b1: {  	_ =	strace $0x90000047  }
0x1b2: {  	s0 =	stileid.u32;
	[bflag:$0x2] =	sbarrier.arrive $0xFFFF  }
0x1b3: {  	p0 =	sne.s32 s0, $0x0;
	s0 =	rddreg [dreg:$0x4]  }
0x1b4: {  	s0 =	sadd.s32 @!p0 $0x100000, s0  }
0x1b5: {  	[sflag:s0] =	ssyncadd.tile.s32 @!p0 $0x1;
	_ =	shalt  }
.Lfunc_end2:
_tile_overlayer_lowered:
.L_overlay_start_2:
0x1b6: {  	(tag) =	ssettag $0x2  }
0x1b7: {  	s0 =	rddreg [dreg:$0x0];
	s2 =	stileid.u32  }
0x1b8: {  	s1 =	rddreg [dreg:$0x1];
	p0 =	sne.s32 s2, $0x0  }
0x1b9: {  	s3 =	rddreg [dreg:$0x2];
	[bflag:$0x3] =	sbarrier.arrive $0xFFFF;
	s2 =	simm.s32 @!p0 $0x1C07  }
0x1ba: {  	[timem:s3], [sflag:s2] =	dma.local @!p0 [hbm:s0], s1  }
0x1bb: {  	s0 =	simm.s32 @!p0 $0x7  }
0x1bc: {  	_ =	swait.ge @!p0 [sflag:s0], s1  }
0x1bd: {  	s1 =	ssub.s32 @!p0 $0x0, s1;
	[sflag:s0] =	ssyncset.done @!p0 $0x0  }
0x1be: {  	[sflag:s0] =	ssyncadd.s32 @!p0 s1  }
0x1bf: {  	[bflag:$0x3] =	sbarrier.arrive $0xFFFF  }
0x1c0: {  	_ =	shalt  }

</sc_bundles>
